<compile_context>
chip_gen: v7x
topology: tpu7x:2x2x1
jax: 0.10.2.dev20260603
libtpu: 0.0.44.dev20260713+nightly
codegen_flags: <defaults>
</compile_context>

<pallas_src>
import functools

import jax
import jax.numpy as jnp
from jax import lax
from jax.experimental import pallas as pl
from jax.experimental.pallas import tpu as pltpu
from jax.experimental.pallas import tpu_sc as plsc

N = 10000
E = 320000
D_IN = 128
DH = 256
HALF = 128
DOUT = 10

CH = 64
NTILES = 16
EPAD = 327680
NCHUNKS = EPAD // CH
CPT_AGG = NCHUNKS // NTILES
NB_AGG = 8
CPB_AGG = CPT_AGG // NB_AGG
GK = 2
NGRP = CPB_AGG // GK
NPAD = 10240
ROWS_T = NPAD // NTILES

RBLK = 1000
GRID = N // RBLK


@functools.cache
def _make_agg_sc():
    return functools.partial(
        pl.kernel,
        out_type=jax.ShapeDtypeStruct((2 * NPAD, HALF), jnp.float32),
        mesh=plsc.VectorSubcoreMesh(core_axis_name="c", subcore_axis_name="s"),
        scratch_types=[
            pltpu.VMEM((CPB_AGG, CH), jnp.int32),
            pltpu.VMEM((CPB_AGG, CH), jnp.int32),
            pltpu.VMEM((2 * GK * CH, HALF), jnp.float32),
            pltpu.VMEM_SHARED((NPAD, HALF), jnp.float32),
            pltpu.SemaphoreType.DMA,
            pltpu.SemaphoreType.DMA,
        ],
    )(_agg_sc_body)


def _agg_sc_body(srcx, dst2d, g, out, sidx, didx, rows, acc, sem_g, sem_s):
    c = lax.axis_index("c")
    s = lax.axis_index("s")
    r0 = s * ROWS_T
    pltpu.sync_copy(g.at[pl.ds(c * NPAD + r0, ROWS_T)], acc.at[pl.ds(r0, ROWS_T)])
    plsc.subcore_barrier()

    def fire_g(t, q):
        for m in range(GK):
            pltpu.async_copy(g.at[sidx.at[t * GK + m]],
                             rows.at[pl.ds((q * GK + m) * CH, CH)], sem_g)

    def fire_s(t, q):
        for m in range(GK):
            pltpu.async_copy(rows.at[pl.ds((q * GK + m) * CH, CH)],
                             acc.at[didx.at[t * GK + m]], sem_s, add=True)

    def drain(sem, n):
        for _ in range(n):
            pltpu.make_async_copy(g.at[pl.ds(0, CH)], rows.at[pl.ds(0, CH)],
                                  sem).wait()

    def batch(b, carry):
        off = s * CPT_AGG + b * CPB_AGG
        pltpu.sync_copy(srcx.at[c].at[pl.ds(off, CPB_AGG)], sidx)
        pltpu.sync_copy(dst2d.at[pl.ds(off, CPB_AGG)], didx)
        fire_g(0, 0)

        def group(t, carry2):
            q = lax.rem(t, 2)
            drain(sem_g, GK)

            @pl.when(t < NGRP - 1)
            def _():
                fire_g(t + 1, 1 - q)

            fire_s(t, q)
            drain(sem_s, GK)
            return carry2

        lax.fori_loop(0, NGRP, group, 0)
        return carry

    lax.fori_loop(0, NB_AGG, batch, 0)
    plsc.subcore_barrier()
    pltpu.sync_copy(acc.at[pl.ds(r0, ROWS_T)], out.at[pl.ds(c * NPAD + r0, ROWS_T)])


CPT_DEG = NCHUNKS // (2 * NTILES)


@functools.cache
def _make_deg_sc():
    return functools.partial(
        pl.kernel,
        out_type=jax.ShapeDtypeStruct((2 * NPAD, HALF), jnp.float32),
        mesh=plsc.VectorSubcoreMesh(core_axis_name="c", subcore_axis_name="s"),
        scratch_types=[
            pltpu.VMEM((CPT_DEG, CH), jnp.int32),
            pltpu.VMEM((CH, HALF), jnp.float32),
            pltpu.VMEM_SHARED((NPAD, HALF), jnp.float32),
            pltpu.SemaphoreType.DMA,
        ],
    )(_deg_sc_body)


def _deg_sc_body(dst2d, ones_tbl, out, didx, ones_v, acc, sem):
    c = lax.axis_index("c")
    s = lax.axis_index("s")
    r0 = s * ROWS_T
    pltpu.sync_copy(ones_tbl.at[pl.ds(r0, ROWS_T)], acc.at[pl.ds(r0, ROWS_T)])
    pltpu.sync_copy(ones_tbl.at[pl.ds(0, CH)], ones_v)
    base = c * (NCHUNKS // 2) + s * CPT_DEG
    pltpu.sync_copy(dst2d.at[pl.ds(base, CPT_DEG)], didx)
    plsc.subcore_barrier()

    def fire(j, carry):
        pltpu.async_copy(ones_v, acc.at[didx.at[j]], sem, add=True)
        return carry

    lax.fori_loop(0, CPT_DEG, fire, 0)

    def drain(j, carry):
        pltpu.make_async_copy(ones_tbl.at[pl.ds(0, CH)], ones_v, sem).wait()
        return carry

    lax.fori_loop(0, CPT_DEG, drain, 0)
    plsc.subcore_barrier()
    pltpu.sync_copy(acc.at[pl.ds(r0, ROWS_T)], out.at[pl.ds(c * NPAD + r0, ROWS_T)])



def _gelu(v):
    return 0.5 * v * (1.0 + lax.erf(v * 0.7071067811865476))


def _dis_of(d_ref):
    return lax.rsqrt(d_ref[0, :, :1] + d_ref[1, :, :1] - 1.0)


def _in_body(x_ref, w_ref, b_ref, o_ref):
    h = jnp.dot(x_ref[...], w_ref[...], preferred_element_type=jnp.float32)
    o_ref[...] = _gelu(h + b_ref[...])


def _ln(h, g, b):
    mu = jnp.mean(h, axis=1, keepdims=True)
    var = jnp.mean((h - mu) ** 2, axis=1, keepdims=True)
    return (h - mu) * lax.rsqrt(var + 1e-5) * g + b


def _a_body(h_ref, lng_ref, lnb_ref, w_ref, d_ref, g_ref):
    t = _ln(h_ref[...], lng_ref[...], lnb_ref[...])
    hw = jnp.dot(t, w_ref[...], preferred_element_type=jnp.float32)
    g = hw * _dis_of(d_ref)
    g_ref[0] = g[:, :HALF]
    g_ref[1] = g[:, HALF:]


def _b_body(h_ref, a_ref, d_ref, cb_ref, w1_ref, b1_ref, w2_ref, b2_ref, o_ref):
    dis = _dis_of(d_ref)
    u = jnp.concatenate([a_ref[0], a_ref[1]], axis=1) * dis + cb_ref[...]
    r = _gelu(jnp.dot(u, w1_ref[...], preferred_element_type=jnp.float32)
              + b1_ref[...])
    r = jnp.dot(r, w2_ref[...], preferred_element_type=jnp.float32) + b2_ref[...]
    o_ref[...] = h_ref[...] + r


def _out_body(h_ref, lng_ref, lnb_ref, w_ref, b_ref, o_ref):
    t = _ln(h_ref[...], lng_ref[...], lnb_ref[...])
    logits = jnp.dot(t, w_ref[...], preferred_element_type=jnp.float32) + b_ref[...]
    m = jnp.max(logits, axis=1, keepdims=True)
    z = logits - m
    lse = jnp.log(jnp.sum(jnp.exp(z), axis=1, keepdims=True))
    o_ref[...] = z - lse


def _rows(d):
    return pl.BlockSpec((RBLK, d), lambda i: (i, 0))


def _rows3(d):
    return pl.BlockSpec((2, RBLK, d), lambda i: (0, i, 0))


def _full(shape):
    return pl.BlockSpec(shape, lambda i: (0,) * len(shape))


def _in_call(x, w, b):
    return pl.pallas_call(
        _in_body,
        grid=(GRID,),
        in_specs=[_rows(D_IN), _full((D_IN, DH)), _full((1, DH))],
        out_specs=_rows(DH),
        out_shape=jax.ShapeDtypeStruct((N, DH), jnp.float32),
    )(x, w, b)


def _a_call(h, lng, lnb, w, deg):
    return pl.pallas_call(
        _a_body,
        grid=(GRID,),
        in_specs=[_rows(DH), _full((1, DH)), _full((1, DH)),
                  _full((DH, DH)), _rows3(HALF)],
        out_specs=_rows3(HALF),
        out_shape=jax.ShapeDtypeStruct((2, NPAD, HALF), jnp.float32),
    )(h, lng, lnb, w, deg)


def _b_call(h, agg, deg, cb, w1, b1, w2, b2):
    return pl.pallas_call(
        _b_body,
        grid=(GRID,),
        in_specs=[_rows(DH), _rows3(HALF), _rows3(HALF),
                  _full((1, DH)), _full((DH, DH)), _full((1, DH)),
                  _full((DH, DH)), _full((1, DH))],
        out_specs=_rows(DH),
        out_shape=jax.ShapeDtypeStruct((N, DH), jnp.float32),
    )(h, agg, deg, cb, w1, b1, w2, b2)


def _out_call(h, lng, lnb, w, b):
    return pl.pallas_call(
        _out_body,
        grid=(GRID,),
        in_specs=[_rows(DH), _full((1, DH)), _full((1, DH)),
                  _full((DH, DOUT)), _full((1, DOUT))],
        out_specs=_rows(DOUT),
        out_shape=jax.ShapeDtypeStruct((N, DOUT), jnp.float32),
    )(h, lng, lnb, w, b)



def kernel(x, edge_index, params):
    src = edge_index[0].astype(jnp.int32)
    dst = edge_index[1].astype(jnp.int32)
    pad_s = jnp.zeros((EPAD - E,), jnp.int32)
    pad_d = jnp.full((EPAD - E,), N, jnp.int32)
    src2d = jnp.concatenate([src, pad_s]).reshape(NCHUNKS, CH)
    srcx = jnp.stack([src2d, src2d + NPAD])
    dst2d = jnp.concatenate([dst, pad_d]).reshape(NCHUNKS, CH)
    ones_tbl = jnp.ones((2 * NPAD, HALF), jnp.float32)

    deg = _make_deg_sc()(dst2d, ones_tbl).reshape(2, NPAD, HALF)

    r2 = lambda v: v.reshape(1, -1)
    h = _in_call(x, params['in_W'], r2(params['in_b']))
    for lp in params['layers']:
        g = _a_call(h, r2(lp['ln_g']), r2(lp['ln_b']), lp['conv_W'], deg)
        agg = _make_agg_sc()(srcx, dst2d, g.reshape(2 * NPAD, HALF))
        h = _b_call(h, agg.reshape(2, NPAD, HALF), deg, r2(lp['conv_b']),
                    lp['ff_W1'], r2(lp['ff_b1']), lp['ff_W2'], r2(lp['ff_b2']))
    return _out_call(h, r2(params['out_ln_g']), r2(params['out_ln_b']),
                     params['out_W'], r2(params['out_b']))

# --- scband reference (transcript-rebuilt; emitter-appended) ---
"""Pipeline reference for scband-hetero-gcn-57105885167702 (READ-ONLY COPY).

The authoritative reference and input builder live on the scoring server;
editing this copy changes nothing except your own understanding.
"""

import jax, jax.numpy as jnp
import numpy as np

N = 10000
E = 320000
D_IN = 128
D_H = 256
D_OUT = 10
L = 4


def _init_linear(key, din, dout):
    k1, k2 = jax.random.split(key)
    s = 1.0 / np.sqrt(din)
    W = jax.random.uniform(k1, (din, dout), jnp.float32, -s, s)
    b = jax.random.uniform(k2, (dout,), jnp.float32, -s, s)
    return W, b


def setup_inputs(seed: int = 0) -> dict:
    key = jax.random.key(seed)
    ks = jax.random.split(key, 8 + 4 * L)
    x = jax.random.normal(ks[0], (N, D_IN), jnp.float32)
    edge_index = jax.random.randint(ks[1], (2, E), 0, N)
    in_W, in_b = _init_linear(ks[2], D_IN, D_H)
    layers = []
    for i in range(L):
        kc = ks[4 + 4 * i]
        k1 = ks[5 + 4 * i]
        k2 = ks[6 + 4 * i]
        conv_W, conv_b = _init_linear(kc, D_H, D_H)
        ff_W1, ff_b1 = _init_linear(k1, D_H, D_H)
        ff_W2, ff_b2 = _init_linear(k2, D_H, D_H)
        layers.append({
            'ln_g': jnp.ones((D_H,), jnp.float32),
            'ln_b': jnp.zeros((D_H,), jnp.float32),
            'conv_W': conv_W, 'conv_b': conv_b,
            'ff_W1': ff_W1, 'ff_b1': ff_b1,
            'ff_W2': ff_W2, 'ff_b2': ff_b2,
        })
    out_W, out_b = _init_linear(ks[3], D_H, D_OUT)
    params = {
        'in_W': in_W, 'in_b': in_b,
        'layers': layers,
        'out_ln_g': jnp.ones((D_H,), jnp.float32),
        'out_ln_b': jnp.zeros((D_H,), jnp.float32),
        'out_W': out_W, 'out_b': out_b,
    }
    return {'x': x, 'edge_index': edge_index, 'params': params}


def _layer_norm(h, g, b, eps=1e-5):
    mu = jnp.mean(h, axis=-1, keepdims=True)
    var = jnp.mean((h - mu) ** 2, axis=-1, keepdims=True)
    return (h - mu) * jax.lax.rsqrt(var + eps) * g + b


def _gcn_conv(h, src, dst, W, b):
    loop = jnp.arange(N, dtype=src.dtype)
    s = jnp.concatenate([src, loop])
    d = jnp.concatenate([dst, loop])
    deg = jax.ops.segment_sum(jnp.ones_like(s, jnp.float32), d, num_segments=N)
    dis = jax.lax.rsqrt(jnp.maximum(deg, 1e-12))
    norm = dis[s] * dis[d]
    hw = h @ W
    msg = norm[:, None] * hw[s]
    out = jax.ops.segment_sum(msg, d, num_segments=N)
    return out + b


def reference(x, edge_index, params):
    src = edge_index[0]
    dst = edge_index[1]
    h = x @ params['in_W'] + params['in_b']
    h = jax.nn.gelu(h, approximate=False)  # dropout is identity in eval
    for lp in params['layers']:
        r = _layer_norm(h, lp['ln_g'], lp['ln_b'])
        r = _gcn_conv(r, src, dst, lp['conv_W'], lp['conv_b'])
        r = r @ lp['ff_W1'] + lp['ff_b1']
        r = jax.nn.gelu(r, approximate=False)
        r = r @ lp['ff_W2'] + lp['ff_b2']
        h = h + r
    h = _layer_norm(h, params['out_ln_g'], params['out_ln_b'])
    logits = h @ params['out_W'] + params['out_b']
    return jax.nn.log_softmax(logits, axis=1)

if __name__ == "__main__":
    import jax
    _d = setup_inputs()
    print(jax.jit(kernel)(*tuple(_d.values())))

</pallas_src>

<mosaic_0001>
#map = affine_map<(d0, d1) -> (0, 0)>
module attributes {stable_mosaic.version = 14 : i64} {
  func.func @_deg_sc_body(%arg0: i32, %arg1: i32, %arg2: memref<5120x64xi32, #tpu.memory_space<hbm>>, %arg3: memref<20480x128xf32, #tpu.memory_space<hbm>>, %arg4: memref<20480x128xf32, #tpu.memory_space<hbm>>, %arg5: memref<160x64xi32, #tpu.memory_space<vmem>>, %arg6: memref<64x128xf32, #tpu.memory_space<vmem>>, %arg7: memref<10240x128xf32, #tpu.memory_space<vmem_shared>>, %arg8: memref<!tpu.dma_semaphore, #tpu.memory_space<semaphore_mem>>) attributes {dimension_semantics = [#tpu.dimension_semantics<core_parallel>, #tpu.dimension_semantics<subcore_parallel>], iteration_bounds = array<i64: 2, 16>, scalar_prefetch = 0 : i64, scratch_operands = 4 : i64, tpu.core_type = #tpu.core_type<sc_vector_subcore>, window_params = [{transform_indices = #map}, {transform_indices = #map}, {transform_indices = #map}]} {
    %mul3A = arith.constant 640 : i32
    %mul3A_0 = arith.muli %arg1, %mul3A : i32
    "tpu.region"() ({
      %run_scoped3A = tpu.sem_alloc : memref<!tpu.dma_semaphore, #tpu.memory_space<semaphore_mem>>
      %dma_start3A = arith.constant 0 : i32
      %dma_start3A_20 = tpu.memref_slice %arg7[%mul3A_0, %dma_start3A] : memref<10240x128xf32, #tpu.memory_space<vmem_shared>> -> memref<640x128xf32, #tpu.memory_space<vmem_shared>>
      %dma_start3A_21 = arith.constant 0 : i32
      %dma_start3A_22 = tpu.memref_slice %arg3[%mul3A_0, %dma_start3A_21] : memref<20480x128xf32, #tpu.memory_space<hbm>> -> memref<640x128xf32, #tpu.memory_space<hbm>>
      tpu.enqueue_dma source(%dma_start3A_22 : memref<640x128xf32, #tpu.memory_space<hbm>>) target(%dma_start3A_20 : memref<640x128xf32, #tpu.memory_space<vmem_shared>>) target_semaphore(%run_scoped3A : memref<!tpu.dma_semaphore, #tpu.memory_space<semaphore_mem>>)
      %dma_wait3A = arith.constant 0 : i32
      %dma_wait3A_23 = tpu.memref_slice %arg7[%mul3A_0, %dma_wait3A] : memref<10240x128xf32, #tpu.memory_space<vmem_shared>> -> memref<640x128xf32, #tpu.memory_space<vmem_shared>>
      %dma_wait3A_24 = arith.constant 0 : i32
      %dma_wait3A_25 = tpu.memref_slice %arg3[%mul3A_0, %dma_wait3A_24] : memref<20480x128xf32, #tpu.memory_space<hbm>> -> memref<640x128xf32, #tpu.memory_space<hbm>>
      tpu.wait_dma2 semaphore(%run_scoped3A : memref<!tpu.dma_semaphore, #tpu.memory_space<semaphore_mem>>) src(%dma_wait3A_25 : memref<640x128xf32, #tpu.memory_space<hbm>>) dst(%dma_wait3A_23 : memref<640x128xf32, #tpu.memory_space<vmem_shared>>)
      tpu.yield
    }) : () -> ()
    "tpu.region"() ({
      %run_scoped3A = tpu.sem_alloc : memref<!tpu.dma_semaphore, #tpu.memory_space<semaphore_mem>>
      %dma_start3A = arith.constant 0 : i32
      %dma_start3A_20 = arith.constant 0 : i32
      %dma_start3A_21 = tpu.memref_slice %arg3[%dma_start3A, %dma_start3A_20] : memref<20480x128xf32, #tpu.memory_space<hbm>> -> memref<64x128xf32, #tpu.memory_space<hbm>>
      %dma_start3A_22 = arith.constant 0 : i32
      %dma_start3A_23 = arith.constant 0 : i32
      %dma_start3A_24 = tpu.memref_slice %arg3[%dma_start3A_22, %dma_start3A_23] : memref<20480x128xf32, #tpu.memory_space<hbm>> -> memref<64x128xf32, #tpu.memory_space<hbm>>
      tpu.enqueue_dma source(%dma_start3A_24 : memref<64x128xf32, #tpu.memory_space<hbm>>) target(%arg6 : memref<64x128xf32, #tpu.memory_space<vmem>>) target_semaphore(%run_scoped3A : memref<!tpu.dma_semaphore, #tpu.memory_space<semaphore_mem>>)
      %dma_wait3A = arith.constant 0 : i32
      %dma_wait3A_25 = arith.constant 0 : i32
      %dma_wait3A_26 = tpu.memref_slice %arg3[%dma_wait3A, %dma_wait3A_25] : memref<20480x128xf32, #tpu.memory_space<hbm>> -> memref<64x128xf32, #tpu.memory_space<hbm>>
      %dma_wait3A_27 = arith.constant 0 : i32
      %dma_wait3A_28 = arith.constant 0 : i32
      %dma_wait3A_29 = tpu.memref_slice %arg3[%dma_wait3A_27, %dma_wait3A_28] : memref<20480x128xf32, #tpu.memory_space<hbm>> -> memref<64x128xf32, #tpu.memory_space<hbm>>
      tpu.wait_dma2 semaphore(%run_scoped3A : memref<!tpu.dma_semaphore, #tpu.memory_space<semaphore_mem>>) src(%dma_wait3A_29 : memref<64x128xf32, #tpu.memory_space<hbm>>) dst(%arg6 : memref<64x128xf32, #tpu.memory_space<vmem>>)
      tpu.yield
    }) : () -> ()
    %mul3A_1 = arith.constant 2560 : i32
    %mul3A_2 = arith.muli %arg0, %mul3A_1 : i32
    %mul3A_3 = arith.constant 160 : i32
    %mul3A_4 = arith.muli %arg1, %mul3A_3 : i32
    %add3A = arith.addi %mul3A_2, %mul3A_4 : i32
    "tpu.region"() ({
      %run_scoped3A = tpu.sem_alloc : memref<!tpu.dma_semaphore, #tpu.memory_space<semaphore_mem>>
      %dma_start3A = arith.constant 0 : i32
      %dma_start3A_20 = tpu.memref_slice %arg2[%add3A, %dma_start3A] : memref<5120x64xi32, #tpu.memory_space<hbm>> -> memref<160x64xi32, #tpu.memory_space<hbm>>
      %dma_start3A_21 = arith.constant 0 : i32
      %dma_start3A_22 = tpu.memref_slice %arg2[%add3A, %dma_start3A_21] : memref<5120x64xi32, #tpu.memory_space<hbm>> -> memref<160x64xi32, #tpu.memory_space<hbm>>
      tpu.enqueue_dma source(%dma_start3A_22 : memref<160x64xi32, #tpu.memory_space<hbm>>) target(%arg5 : memref<160x64xi32, #tpu.memory_space<vmem>>) target_semaphore(%run_scoped3A : memref<!tpu.dma_semaphore, #tpu.memory_space<semaphore_mem>>)
      %dma_wait3A = arith.constant 0 : i32
      %dma_wait3A_23 = tpu.memref_slice %arg2[%add3A, %dma_wait3A] : memref<5120x64xi32, #tpu.memory_space<hbm>> -> memref<160x64xi32, #tpu.memory_space<hbm>>
      %dma_wait3A_24 = arith.constant 0 : i32
      %dma_wait3A_25 = tpu.memref_slice %arg2[%add3A, %dma_wait3A_24] : memref<5120x64xi32, #tpu.memory_space<hbm>> -> memref<160x64xi32, #tpu.memory_space<hbm>>
      tpu.wait_dma2 semaphore(%run_scoped3A : memref<!tpu.dma_semaphore, #tpu.memory_space<semaphore_mem>>) src(%dma_wait3A_25 : memref<160x64xi32, #tpu.memory_space<hbm>>) dst(%arg5 : memref<160x64xi32, #tpu.memory_space<vmem>>)
      tpu.yield
    }) : () -> ()
    %barrier3A = arith.constant 0 : index
    tpu.barrier barrier_id(%barrier3A)
    %scan3A = arith.constant 0 : i32
    %scan3A_5 = arith.constant 0 : i32
    %scan3A_6 = arith.constant 160 : i32
    %scan3A_7 = arith.addi %scan3A_5, %scan3A_6 : i32
    %scan3A_8 = arith.constant 1 : i32
    scf.for %scan3A_20 = %scan3A_5 to %scan3A_7 step %scan3A_8  : i32 {
      %dma_start3A = arith.constant 0 : i32
      %dma_start3A_21 = tpu.memref_slice %arg5[%scan3A_20, %dma_start3A] : memref<160x64xi32, #tpu.memory_space<vmem>> -> memref<1x64xi32, #tpu.memory_space<vmem>>
      %dma_start3A_22 = tpu.memref_squeeze %dma_start3A_21 : memref<1x64xi32, #tpu.memory_space<vmem>> -> memref<64xi32, #tpu.memory_space<vmem>>
      %dma_start3A_23 = arith.constant 0 : i32
      %dma_start3A_24 = arith.constant 0 : i32
      %dma_start3A_25 = tpu.memref_slice %arg7[%dma_start3A_23, %dma_start3A_24] : memref<10240x128xf32, #tpu.memory_space<vmem_shared>> -> memref<10240x128xf32, #tpu.memory_space<vmem_shared>>
      tpu.enqueue_indirect_dma source(%arg6 : memref<64x128xf32, #tpu.memory_space<vmem>>) target(%dma_start3A_25 : memref<10240x128xf32, #tpu.memory_space<vmem_shared>>) offsets(%dma_start3A_22 : memref<64xi32, #tpu.memory_space<vmem>>) semaphore(%arg8 : memref<!tpu.dma_semaphore, #tpu.memory_space<semaphore_mem>>) {add = true}
    }
    %scan3A_9 = arith.constant 160 : i32
    %scan3A_10 = arith.constant 0 : i32
    %scan3A_11 = arith.constant 0 : i32
    %scan3A_12 = arith.constant 160 : i32
    %scan3A_13 = arith.addi %scan3A_11, %scan3A_12 : i32
    %scan3A_14 = arith.constant 1 : i32
    scf.for %scan3A_20 = %scan3A_11 to %scan3A_13 step %scan3A_14  : i32 {
      %dma_wait3A = arith.constant 0 : i32
      %dma_wait3A_21 = arith.constant 0 : i32
      %dma_wait3A_22 = tpu.memref_slice %arg3[%dma_wait3A, %dma_wait3A_21] : memref<20480x128xf32, #tpu.memory_space<hbm>> -> memref<64x128xf32, #tpu.memory_space<hbm>>
      %dma_wait3A_23 = arith.constant 0 : i32
      %dma_wait3A_24 = arith.constant 0 : i32
      %dma_wait3A_25 = tpu.memref_slice %arg3[%dma_wait3A_23, %dma_wait3A_24] : memref<20480x128xf32, #tpu.memory_space<hbm>> -> memref<64x128xf32, #tpu.memory_space<hbm>>
      tpu.wait_dma2 semaphore(%arg8 : memref<!tpu.dma_semaphore, #tpu.memory_space<semaphore_mem>>) src(%dma_wait3A_25 : memref<64x128xf32, #tpu.memory_space<hbm>>) dst(%arg6 : memref<64x128xf32, #tpu.memory_space<vmem>>)
    }
    %scan3A_15 = arith.constant 160 : i32
    %barrier3A_16 = arith.constant 0 : index
    tpu.barrier barrier_id(%barrier3A_16)
    %mul3A_17 = arith.constant 10240 : i32
    %mul3A_18 = arith.muli %arg0, %mul3A_17 : i32
    %add3A_19 = arith.addi %mul3A_18, %mul3A_0 : i32
    "tpu.region"() ({
      %run_scoped3A = tpu.sem_alloc : memref<!tpu.dma_semaphore, #tpu.memory_space<semaphore_mem>>
      %dma_start3A = arith.constant 0 : i32
      %dma_start3A_20 = tpu.memref_slice %arg4[%add3A_19, %dma_start3A] : memref<20480x128xf32, #tpu.memory_space<hbm>> -> memref<640x128xf32, #tpu.memory_space<hbm>>
      %dma_start3A_21 = arith.constant 0 : i32
      %dma_start3A_22 = tpu.memref_slice %arg7[%mul3A_0, %dma_start3A_21] : memref<10240x128xf32, #tpu.memory_space<vmem_shared>> -> memref<640x128xf32, #tpu.memory_space<vmem_shared>>
      tpu.enqueue_dma source(%dma_start3A_22 : memref<640x128xf32, #tpu.memory_space<vmem_shared>>) target(%dma_start3A_20 : memref<640x128xf32, #tpu.memory_space<hbm>>) target_semaphore(%run_scoped3A : memref<!tpu.dma_semaphore, #tpu.memory_space<semaphore_mem>>)
      %dma_wait3A = arith.constant 0 : i32
      %dma_wait3A_23 = tpu.memref_slice %arg4[%add3A_19, %dma_wait3A] : memref<20480x128xf32, #tpu.memory_space<hbm>> -> memref<640x128xf32, #tpu.memory_space<hbm>>
      %dma_wait3A_24 = arith.constant 0 : i32
      %dma_wait3A_25 = tpu.memref_slice %arg7[%mul3A_0, %dma_wait3A_24] : memref<10240x128xf32, #tpu.memory_space<vmem_shared>> -> memref<640x128xf32, #tpu.memory_space<vmem_shared>>
      tpu.wait_dma2 semaphore(%run_scoped3A : memref<!tpu.dma_semaphore, #tpu.memory_space<semaphore_mem>>) src(%dma_wait3A_25 : memref<640x128xf32, #tpu.memory_space<vmem_shared>>) dst(%dma_wait3A_23 : memref<640x128xf32, #tpu.memory_space<hbm>>)
      tpu.yield
    }) : () -> ()
    return
  }
}

#map = affine_map<(d0, d1) -> (0, 0, 0)>
#map1 = affine_map<(d0, d1) -> (0, 0)>
module attributes {stable_mosaic.version = 14 : i64} {
  func.func @_agg_sc_body(%arg0: i32, %arg1: i32, %arg2: memref<2x5120x64xi32, #tpu.memory_space<hbm>>, %arg3: memref<5120x64xi32, #tpu.memory_space<hbm>>, %arg4: memref<20480x128xf32, #tpu.memory_space<hbm>>, %arg5: memref<20480x128xf32, #tpu.memory_space<hbm>>, %arg6: memref<40x64xi32, #tpu.memory_space<vmem>>, %arg7: memref<40x64xi32, #tpu.memory_space<vmem>>, %arg8: memref<256x128xf32, #tpu.memory_space<vmem>>, %arg9: memref<10240x128xf32, #tpu.memory_space<vmem_shared>>, %arg10: memref<!tpu.dma_semaphore, #tpu.memory_space<semaphore_mem>>, %arg11: memref<!tpu.dma_semaphore, #tpu.memory_space<semaphore_mem>>) attributes {dimension_semantics = [#tpu.dimension_semantics<core_parallel>, #tpu.dimension_semantics<subcore_parallel>], iteration_bounds = array<i64: 2, 16>, scalar_prefetch = 0 : i64, scratch_operands = 6 : i64, tpu.core_type = #tpu.core_type<sc_vector_subcore>, window_params = [{transform_indices = #map}, {transform_indices = #map1}, {transform_indices = #map1}, {transform_indices = #map1}]} {
    %mul3A = arith.constant 640 : i32
    %mul3A_0 = arith.muli %arg1, %mul3A : i32
    %mul3A_1 = arith.constant 10240 : i32
    %mul3A_2 = arith.muli %arg0, %mul3A_1 : i32
    %add3A = arith.addi %mul3A_2, %mul3A_0 : i32
    "tpu.region"() ({
      %run_scoped3A = tpu.sem_alloc : memref<!tpu.dma_semaphore, #tpu.memory_space<semaphore_mem>>
      %dma_start3A = arith.constant 0 : i32
      %dma_start3A_12 = tpu.memref_slice %arg9[%mul3A_0, %dma_start3A] : memref<10240x128xf32, #tpu.memory_space<vmem_shared>> -> memref<640x128xf32, #tpu.memory_space<vmem_shared>>
      %dma_start3A_13 = arith.constant 0 : i32
      %dma_start3A_14 = tpu.memref_slice %arg4[%add3A, %dma_start3A_13] : memref<20480x128xf32, #tpu.memory_space<hbm>> -> memref<640x128xf32, #tpu.memory_space<hbm>>
      tpu.enqueue_dma source(%dma_start3A_14 : memref<640x128xf32, #tpu.memory_space<hbm>>) target(%dma_start3A_12 : memref<640x128xf32, #tpu.memory_space<vmem_shared>>) target_semaphore(%run_scoped3A : memref<!tpu.dma_semaphore, #tpu.memory_space<semaphore_mem>>)
      %dma_wait3A = arith.constant 0 : i32
      %dma_wait3A_15 = tpu.memref_slice %arg9[%mul3A_0, %dma_wait3A] : memref<10240x128xf32, #tpu.memory_space<vmem_shared>> -> memref<640x128xf32, #tpu.memory_space<vmem_shared>>
      %dma_wait3A_16 = arith.constant 0 : i32
      %dma_wait3A_17 = tpu.memref_slice %arg4[%add3A, %dma_wait3A_16] : memref<20480x128xf32, #tpu.memory_space<hbm>> -> memref<640x128xf32, #tpu.memory_space<hbm>>
      tpu.wait_dma2 semaphore(%run_scoped3A : memref<!tpu.dma_semaphore, #tpu.memory_space<semaphore_mem>>) src(%dma_wait3A_17 : memref<640x128xf32, #tpu.memory_space<hbm>>) dst(%dma_wait3A_15 : memref<640x128xf32, #tpu.memory_space<vmem_shared>>)
      tpu.yield
    }) : () -> ()
    %barrier3A = arith.constant 0 : index
    tpu.barrier barrier_id(%barrier3A)
    %scan3A = arith.constant 0 : i32
    %scan3A_3 = arith.constant 0 : i32
    %scan3A_4 = arith.constant 8 : i32
    %scan3A_5 = arith.addi %scan3A_3, %scan3A_4 : i32
    %scan3A_6 = arith.constant 1 : i32
    scf.for %scan3A_12 = %scan3A_3 to %scan3A_5 step %scan3A_6  : i32 {
      %mul3A_13 = arith.constant 320 : i32
      %mul3A_14 = arith.muli %arg1, %mul3A_13 : i32
      %mul3A_15 = arith.constant 40 : i32
      %mul3A_16 = arith.muli %scan3A_12, %mul3A_15 : i32
      %add3A_17 = arith.addi %mul3A_14, %mul3A_16 : i32
      "tpu.region"() ({
        %run_scoped3A = tpu.sem_alloc : memref<!tpu.dma_semaphore, #tpu.memory_space<semaphore_mem>>
        %dma_start3A_43 = arith.constant 0 : i32
        %dma_start3A_44 = arith.constant 0 : i32
        %dma_start3A_45 = tpu.memref_slice %arg2[%arg0, %dma_start3A_43, %dma_start3A_44] : memref<2x5120x64xi32, #tpu.memory_space<hbm>> -> memref<1x5120x64xi32, #tpu.memory_space<hbm>>
        %dma_start3A_46 = tpu.memref_squeeze %dma_start3A_45 : memref<1x5120x64xi32, #tpu.memory_space<hbm>> -> memref<5120x64xi32, #tpu.memory_space<hbm>>
        %dma_start3A_47 = arith.constant 0 : i32
        %dma_start3A_48 = tpu.memref_slice %dma_start3A_46[%add3A_17, %dma_start3A_47] : memref<5120x64xi32, #tpu.memory_space<hbm>> -> memref<40x64xi32, #tpu.memory_space<hbm>>
        %dma_start3A_49 = arith.constant 0 : i32
        %dma_start3A_50 = arith.constant 0 : i32
        %dma_start3A_51 = tpu.memref_slice %arg2[%arg0, %dma_start3A_49, %dma_start3A_50] : memref<2x5120x64xi32, #tpu.memory_space<hbm>> -> memref<1x5120x64xi32, #tpu.memory_space<hbm>>
        %dma_start3A_52 = tpu.memref_squeeze %dma_start3A_51 : memref<1x5120x64xi32, #tpu.memory_space<hbm>> -> memref<5120x64xi32, #tpu.memory_space<hbm>>
        %dma_start3A_53 = arith.constant 0 : i32
        %dma_start3A_54 = tpu.memref_slice %dma_start3A_52[%add3A_17, %dma_start3A_53] : memref<5120x64xi32, #tpu.memory_space<hbm>> -> memref<40x64xi32, #tpu.memory_space<hbm>>
        tpu.enqueue_dma source(%dma_start3A_54 : memref<40x64xi32, #tpu.memory_space<hbm>>) target(%arg6 : memref<40x64xi32, #tpu.memory_space<vmem>>) target_semaphore(%run_scoped3A : memref<!tpu.dma_semaphore, #tpu.memory_space<semaphore_mem>>)
        %dma_wait3A = arith.constant 0 : i32
        %dma_wait3A_55 = arith.constant 0 : i32
        %dma_wait3A_56 = tpu.memref_slice %arg2[%arg0, %dma_wait3A, %dma_wait3A_55] : memref<2x5120x64xi32, #tpu.memory_space<hbm>> -> memref<1x5120x64xi32, #tpu.memory_space<hbm>>
        %dma_wait3A_57 = tpu.memref_squeeze %dma_wait3A_56 : memref<1x5120x64xi32, #tpu.memory_space<hbm>> -> memref<5120x64xi32, #tpu.memory_space<hbm>>
        %dma_wait3A_58 = arith.constant 0 : i32
        %dma_wait3A_59 = tpu.memref_slice %dma_wait3A_57[%add3A_17, %dma_wait3A_58] : memref<5120x64xi32, #tpu.memory_space<hbm>> -> memref<40x64xi32, #tpu.memory_space<hbm>>
        %dma_wait3A_60 = arith.constant 0 : i32
        %dma_wait3A_61 = arith.constant 0 : i32
        %dma_wait3A_62 = tpu.memref_slice %arg2[%arg0, %dma_wait3A_60, %dma_wait3A_61] : memref<2x5120x64xi32, #tpu.memory_space<hbm>> -> memref<1x5120x64xi32, #tpu.memory_space<hbm>>
        %dma_wait3A_63 = tpu.memref_squeeze %dma_wait3A_62 : memref<1x5120x64xi32, #tpu.memory_space<hbm>> -> memref<5120x64xi32, #tpu.memory_space<hbm>>
        %dma_wait3A_64 = arith.constant 0 : i32
        %dma_wait3A_65 = tpu.memref_slice %dma_wait3A_63[%add3A_17, %dma_wait3A_64] : memref<5120x64xi32, #tpu.memory_space<hbm>> -> memref<40x64xi32, #tpu.memory_space<hbm>>
        tpu.wait_dma2 semaphore(%run_scoped3A : memref<!tpu.dma_semaphore, #tpu.memory_space<semaphore_mem>>) src(%dma_wait3A_65 : memref<40x64xi32, #tpu.memory_space<hbm>>) dst(%arg6 : memref<40x64xi32, #tpu.memory_space<vmem>>)
        tpu.yield
      }) : () -> ()
      "tpu.region"() ({
        %run_scoped3A = tpu.sem_alloc : memref<!tpu.dma_semaphore, #tpu.memory_space<semaphore_mem>>
        %dma_start3A_43 = arith.constant 0 : i32
        %dma_start3A_44 = tpu.memref_slice %arg3[%add3A_17, %dma_start3A_43] : memref<5120x64xi32, #tpu.memory_space<hbm>> -> memref<40x64xi32, #tpu.memory_space<hbm>>
        %dma_start3A_45 = arith.constant 0 : i32
        %dma_start3A_46 = tpu.memref_slice %arg3[%add3A_17, %dma_start3A_45] : memref<5120x64xi32, #tpu.memory_space<hbm>> -> memref<40x64xi32, #tpu.memory_space<hbm>>
        tpu.enqueue_dma source(%dma_start3A_46 : memref<40x64xi32, #tpu.memory_space<hbm>>) target(%arg7 : memref<40x64xi32, #tpu.memory_space<vmem>>) target_semaphore(%run_scoped3A : memref<!tpu.dma_semaphore, #tpu.memory_space<semaphore_mem>>)
        %dma_wait3A = arith.constant 0 : i32
        %dma_wait3A_47 = tpu.memref_slice %arg3[%add3A_17, %dma_wait3A] : memref<5120x64xi32, #tpu.memory_space<hbm>> -> memref<40x64xi32, #tpu.memory_space<hbm>>
        %dma_wait3A_48 = arith.constant 0 : i32
        %dma_wait3A_49 = tpu.memref_slice %arg3[%add3A_17, %dma_wait3A_48] : memref<5120x64xi32, #tpu.memory_space<hbm>> -> memref<40x64xi32, #tpu.memory_space<hbm>>
        tpu.wait_dma2 semaphore(%run_scoped3A : memref<!tpu.dma_semaphore, #tpu.memory_space<semaphore_mem>>) src(%dma_wait3A_49 : memref<40x64xi32, #tpu.memory_space<hbm>>) dst(%arg7 : memref<40x64xi32, #tpu.memory_space<vmem>>)
        tpu.yield
      }) : () -> ()
      %dma_start3A = arith.constant 0 : i32
      %dma_start3A_18 = arith.constant 0 : i32
      %dma_start3A_19 = arith.constant 0 : i32
      %dma_start3A_20 = tpu.memref_slice %arg8[%dma_start3A_18, %dma_start3A_19] : memref<256x128xf32, #tpu.memory_space<vmem>> -> memref<64x128xf32, #tpu.memory_space<vmem>>
      %dma_start3A_21 = arith.constant 0 : i32
      %dma_start3A_22 = tpu.memref_slice %arg6[%dma_start3A, %dma_start3A_21] : memref<40x64xi32, #tpu.memory_space<vmem>> -> memref<1x64xi32, #tpu.memory_space<vmem>>
      %dma_start3A_23 = tpu.memref_squeeze %dma_start3A_22 : memref<1x64xi32, #tpu.memory_space<vmem>> -> memref<64xi32, #tpu.memory_space<vmem>>
      %dma_start3A_24 = arith.constant 0 : i32
      %dma_start3A_25 = arith.constant 0 : i32
      %dma_start3A_26 = tpu.memref_slice %arg4[%dma_start3A_24, %dma_start3A_25] : memref<20480x128xf32, #tpu.memory_space<hbm>> -> memref<20480x128xf32, #tpu.memory_space<hbm>>
      tpu.enqueue_indirect_dma source(%dma_start3A_26 : memref<20480x128xf32, #tpu.memory_space<hbm>>) target(%dma_start3A_20 : memref<64x128xf32, #tpu.memory_space<vmem>>) offsets(%dma_start3A_23 : memref<64xi32, #tpu.memory_space<vmem>>) semaphore(%arg10 : memref<!tpu.dma_semaphore, #tpu.memory_space<semaphore_mem>>)
      %dma_start3A_27 = arith.constant 1 : i32
      %dma_start3A_28 = arith.constant 64 : i32
      %dma_start3A_29 = arith.constant 0 : i32
      %dma_start3A_30 = tpu.memref_slice %arg8[%dma_start3A_28, %dma_start3A_29] : memref<256x128xf32, #tpu.memory_space<vmem>> -> memref<64x128xf32, #tpu.memory_space<vmem>>
      %dma_start3A_31 = arith.constant 0 : i32
      %dma_start3A_32 = tpu.memref_slice %arg6[%dma_start3A_27, %dma_start3A_31] : memref<40x64xi32, #tpu.memory_space<vmem>> -> memref<1x64xi32, #tpu.memory_space<vmem>>
      %dma_start3A_33 = tpu.memref_squeeze %dma_start3A_32 : memref<1x64xi32, #tpu.memory_space<vmem>> -> memref<64xi32, #tpu.memory_space<vmem>>
      %dma_start3A_34 = arith.constant 0 : i32
      %dma_start3A_35 = arith.constant 0 : i32
      %dma_start3A_36 = tpu.memref_slice %arg4[%dma_start3A_34, %dma_start3A_35] : memref<20480x128xf32, #tpu.memory_space<hbm>> -> memref<20480x128xf32, #tpu.memory_space<hbm>>
      tpu.enqueue_indirect_dma source(%dma_start3A_36 : memref<20480x128xf32, #tpu.memory_space<hbm>>) target(%dma_start3A_30 : memref<64x128xf32, #tpu.memory_space<vmem>>) offsets(%dma_start3A_33 : memref<64xi32, #tpu.memory_space<vmem>>) semaphore(%arg10 : memref<!tpu.dma_semaphore, #tpu.memory_space<semaphore_mem>>)
      %scan3A_37 = arith.constant 0 : i32
      %scan3A_38 = arith.constant 0 : i32
      %scan3A_39 = arith.constant 20 : i32
      %scan3A_40 = arith.addi %scan3A_38, %scan3A_39 : i32
      %scan3A_41 = arith.constant 1 : i32
      scf.for %scan3A_43 = %scan3A_38 to %scan3A_40 step %scan3A_41  : i32 {
        %rem3A = arith.constant 2 : i32
        %rem3A_44 = arith.remsi %scan3A_43, %rem3A : i32
        %dma_wait3A = arith.constant 0 : i32
        %dma_wait3A_45 = arith.constant 0 : i32
        %dma_wait3A_46 = tpu.memref_slice %arg8[%dma_wait3A, %dma_wait3A_45] : memref<256x128xf32, #tpu.memory_space<vmem>> -> memref<64x128xf32, #tpu.memory_space<vmem>>
        %dma_wait3A_47 = arith.constant 0 : i32
        %dma_wait3A_48 = arith.constant 0 : i32
        %dma_wait3A_49 = tpu.memref_slice %arg4[%dma_wait3A_47, %dma_wait3A_48] : memref<20480x128xf32, #tpu.memory_space<hbm>> -> memref<64x128xf32, #tpu.memory_space<hbm>>
        %dma_wait3A_50 = arith.constant 0 : i32
        %dma_wait3A_51 = arith.constant 0 : i32
        %dma_wait3A_52 = tpu.memref_slice %arg8[%dma_wait3A_50, %dma_wait3A_51] : memref<256x128xf32, #tpu.memory_space<vmem>> -> memref<64x128xf32, #tpu.memory_space<vmem>>
        %dma_wait3A_53 = arith.constant 0 : i32
        %dma_wait3A_54 = arith.constant 0 : i32
        %dma_wait3A_55 = tpu.memref_slice %arg4[%dma_wait3A_53, %dma_wait3A_54] : memref<20480x128xf32, #tpu.memory_space<hbm>> -> memref<64x128xf32, #tpu.memory_space<hbm>>
        tpu.wait_dma2 semaphore(%arg10 : memref<!tpu.dma_semaphore, #tpu.memory_space<semaphore_mem>>) src(%dma_wait3A_55 : memref<64x128xf32, #tpu.memory_space<hbm>>) dst(%dma_wait3A_52 : memref<64x128xf32, #tpu.memory_space<vmem>>)
        %dma_wait3A_56 = arith.constant 0 : i32
        %dma_wait3A_57 = arith.constant 0 : i32
        %dma_wait3A_58 = tpu.memref_slice %arg8[%dma_wait3A_56, %dma_wait3A_57] : memref<256x128xf32, #tpu.memory_space<vmem>> -> memref<64x128xf32, #tpu.memory_space<vmem>>
        %dma_wait3A_59 = arith.constant 0 : i32
        %dma_wait3A_60 = arith.constant 0 : i32
        %dma_wait3A_61 = tpu.memref_slice %arg4[%dma_wait3A_59, %dma_wait3A_60] : memref<20480x128xf32, #tpu.memory_space<hbm>> -> memref<64x128xf32, #tpu.memory_space<hbm>>
        %dma_wait3A_62 = arith.constant 0 : i32
        %dma_wait3A_63 = arith.constant 0 : i32
        %dma_wait3A_64 = tpu.memref_slice %arg8[%dma_wait3A_62, %dma_wait3A_63] : memref<256x128xf32, #tpu.memory_space<vmem>> -> memref<64x128xf32, #tpu.memory_space<vmem>>
        %dma_wait3A_65 = arith.constant 0 : i32
        %dma_wait3A_66 = arith.constant 0 : i32
        %dma_wait3A_67 = tpu.memref_slice %arg4[%dma_wait3A_65, %dma_wait3A_66] : memref<20480x128xf32, #tpu.memory_space<hbm>> -> memref<64x128xf32, #tpu.memory_space<hbm>>
        tpu.wait_dma2 semaphore(%arg10 : memref<!tpu.dma_semaphore, #tpu.memory_space<semaphore_mem>>) src(%dma_wait3A_67 : memref<64x128xf32, #tpu.memory_space<hbm>>) dst(%dma_wait3A_64 : memref<64x128xf32, #tpu.memory_space<vmem>>)
        %lt3A = arith.constant 19 : i32
        %lt3A_68 = arith.cmpi slt, %scan3A_43, %lt3A : i32
        %convert_element_type3A = arith.extui %lt3A_68 : i1 to i32
        %cond3A = arith.constant 0 : i32
        %cond3A_69 = arith.cmpi ne, %convert_element_type3A, %cond3A : i32
        scf.if %cond3A_69 {
          %add3A_130 = arith.constant 1 : i32
          %add3A_131 = arith.addi %scan3A_43, %add3A_130 : i32
          %sub3A = arith.constant 1 : i32
          %sub3A_132 = arith.subi %sub3A, %rem3A_44 : i32
          %mul3A_133 = arith.constant 2 : i32
          %mul3A_134 = arith.muli %add3A_131, %mul3A_133 : i32
          %add3A_135 = arith.constant 0 : i32
          %add3A_136 = arith.addi %mul3A_134, %add3A_135 : i32
          %mul3A_137 = arith.constant 2 : i32
          %mul3A_138 = arith.muli %sub3A_132, %mul3A_137 : i32
          %add3A_139 = arith.constant 0 : i32
          %add3A_140 = arith.addi %mul3A_138, %add3A_139 : i32
          %mul3A_141 = arith.constant 64 : i32
          %mul3A_142 = arith.muli %add3A_140, %mul3A_141 : i32
          %dma_start3A_143 = arith.constant 0 : i32
          %dma_start3A_144 = tpu.memref_slice %arg8[%mul3A_142, %dma_start3A_143] : memref<256x128xf32, #tpu.memory_space<vmem>> -> memref<64x128xf32, #tpu.memory_space<vmem>>
          %dma_start3A_145 = arith.constant 0 : i32
          %dma_start3A_146 = tpu.memref_slice %arg6[%add3A_136, %dma_start3A_145] : memref<40x64xi32, #tpu.memory_space<vmem>> -> memref<1x64xi32, #tpu.memory_space<vmem>>
          %dma_start3A_147 = tpu.memref_squeeze %dma_start3A_146 : memref<1x64xi32, #tpu.memory_space<vmem>> -> memref<64xi32, #tpu.memory_space<vmem>>
          %dma_start3A_148 = arith.constant 0 : i32
          %dma_start3A_149 = arith.constant 0 : i32
          %dma_start3A_150 = tpu.memref_slice %arg4[%dma_start3A_148, %dma_start3A_149] : memref<20480x128xf32, #tpu.memory_space<hbm>> -> memref<20480x128xf32, #tpu.memory_space<hbm>>
          tpu.enqueue_indirect_dma source(%dma_start3A_150 : memref<20480x128xf32, #tpu.memory_space<hbm>>) target(%dma_start3A_144 : memref<64x128xf32, #tpu.memory_space<vmem>>) offsets(%dma_start3A_147 : memref<64xi32, #tpu.memory_space<vmem>>) semaphore(%arg10 : memref<!tpu.dma_semaphore, #tpu.memory_space<semaphore_mem>>)
          %mul3A_151 = arith.constant 2 : i32
          %mul3A_152 = arith.muli %add3A_131, %mul3A_151 : i32
          %add3A_153 = arith.constant 1 : i32
          %add3A_154 = arith.addi %mul3A_152, %add3A_153 : i32
          %mul3A_155 = arith.constant 2 : i32
          %mul3A_156 = arith.muli %sub3A_132, %mul3A_155 : i32
          %add3A_157 = arith.constant 1 : i32
          %add3A_158 = arith.addi %mul3A_156, %add3A_157 : i32
          %mul3A_159 = arith.constant 64 : i32
          %mul3A_160 = arith.muli %add3A_158, %mul3A_159 : i32
          %dma_start3A_161 = arith.constant 0 : i32
          %dma_start3A_162 = tpu.memref_slice %arg8[%mul3A_160, %dma_start3A_161] : memref<256x128xf32, #tpu.memory_space<vmem>> -> memref<64x128xf32, #tpu.memory_space<vmem>>
          %dma_start3A_163 = arith.constant 0 : i32
          %dma_start3A_164 = tpu.memref_slice %arg6[%add3A_154, %dma_start3A_163] : memref<40x64xi32, #tpu.memory_space<vmem>> -> memref<1x64xi32, #tpu.memory_space<vmem>>
          %dma_start3A_165 = tpu.memref_squeeze %dma_start3A_164 : memref<1x64xi32, #tpu.memory_space<vmem>> -> memref<64xi32, #tpu.memory_space<vmem>>
          %dma_start3A_166 = arith.constant 0 : i32
          %dma_start3A_167 = arith.constant 0 : i32
          %dma_start3A_168 = tpu.memref_slice %arg4[%dma_start3A_166, %dma_start3A_167] : memref<20480x128xf32, #tpu.memory_space<hbm>> -> memref<20480x128xf32, #tpu.memory_space<hbm>>
          tpu.enqueue_indirect_dma source(%dma_start3A_168 : memref<20480x128xf32, #tpu.memory_space<hbm>>) target(%dma_start3A_162 : memref<64x128xf32, #tpu.memory_space<vmem>>) offsets(%dma_start3A_165 : memref<64xi32, #tpu.memory_space<vmem>>) semaphore(%arg10 : memref<!tpu.dma_semaphore, #tpu.memory_space<semaphore_mem>>)
        } else {
        }
        %mul3A_70 = arith.constant 2 : i32
        %mul3A_71 = arith.muli %rem3A_44, %mul3A_70 : i32
        %add3A_72 = arith.constant 0 : i32
        %add3A_73 = arith.addi %mul3A_71, %add3A_72 : i32
        %mul3A_74 = arith.constant 64 : i32
        %mul3A_75 = arith.muli %add3A_73, %mul3A_74 : i32
        %mul3A_76 = arith.constant 2 : i32
        %mul3A_77 = arith.muli %scan3A_43, %mul3A_76 : i32
        %add3A_78 = arith.constant 0 : i32
        %add3A_79 = arith.addi %mul3A_77, %add3A_78 : i32
        %dma_start3A_80 = arith.constant 0 : i32
        %dma_start3A_81 = tpu.memref_slice %arg8[%mul3A_75, %dma_start3A_80] : memref<256x128xf32, #tpu.memory_space<vmem>> -> memref<64x128xf32, #tpu.memory_space<vmem>>
        %dma_start3A_82 = arith.constant 0 : i32
        %dma_start3A_83 = tpu.memref_slice %arg7[%add3A_79, %dma_start3A_82] : memref<40x64xi32, #tpu.memory_space<vmem>> -> memref<1x64xi32, #tpu.memory_space<vmem>>
        %dma_start3A_84 = tpu.memref_squeeze %dma_start3A_83 : memref<1x64xi32, #tpu.memory_space<vmem>> -> memref<64xi32, #tpu.memory_space<vmem>>
        %dma_start3A_85 = arith.constant 0 : i32
        %dma_start3A_86 = arith.constant 0 : i32
        %dma_start3A_87 = tpu.memref_slice %arg9[%dma_start3A_85, %dma_start3A_86] : memref<10240x128xf32, #tpu.memory_space<vmem_shared>> -> memref<10240x128xf32, #tpu.memory_space<vmem_shared>>
        tpu.enqueue_indirect_dma source(%dma_start3A_81 : memref<64x128xf32, #tpu.memory_space<vmem>>) target(%dma_start3A_87 : memref<10240x128xf32, #tpu.memory_space<vmem_shared>>) offsets(%dma_start3A_84 : memref<64xi32, #tpu.memory_space<vmem>>) semaphore(%arg11 : memref<!tpu.dma_semaphore, #tpu.memory_space<semaphore_mem>>) {add = true}
        %mul3A_88 = arith.constant 2 : i32
        %mul3A_89 = arith.muli %rem3A_44, %mul3A_88 : i32
        %add3A_90 = arith.constant 1 : i32
        %add3A_91 = arith.addi %mul3A_89, %add3A_90 : i32
        %mul3A_92 = arith.constant 64 : i32
        %mul3A_93 = arith.muli %add3A_91, %mul3A_92 : i32
        %mul3A_94 = arith.constant 2 : i32
        %mul3A_95 = arith.muli %scan3A_43, %mul3A_94 : i32
        %add3A_96 = arith.constant 1 : i32
        %add3A_97 = arith.addi %mul3A_95, %add3A_96 : i32
        %dma_start3A_98 = arith.constant 0 : i32
        %dma_start3A_99 = tpu.memref_slice %arg8[%mul3A_93, %dma_start3A_98] : memref<256x128xf32, #tpu.memory_space<vmem>> -> memref<64x128xf32, #tpu.memory_space<vmem>>
        %dma_start3A_100 = arith.constant 0 : i32
        %dma_start3A_101 = tpu.memref_slice %arg7[%add3A_97, %dma_start3A_100] : memref<40x64xi32, #tpu.memory_space<vmem>> -> memref<1x64xi32, #tpu.memory_space<vmem>>
        %dma_start3A_102 = tpu.memref_squeeze %dma_start3A_101 : memref<1x64xi32, #tpu.memory_space<vmem>> -> memref<64xi32, #tpu.memory_space<vmem>>
        %dma_start3A_103 = arith.constant 0 : i32
        %dma_start3A_104 = arith.constant 0 : i32
        %dma_start3A_105 = tpu.memref_slice %arg9[%dma_start3A_103, %dma_start3A_104] : memref<10240x128xf32, #tpu.memory_space<vmem_shared>> -> memref<10240x128xf32, #tpu.memory_space<vmem_shared>>
        tpu.enqueue_indirect_dma source(%dma_start3A_99 : memref<64x128xf32, #tpu.memory_space<vmem>>) target(%dma_start3A_105 : memref<10240x128xf32, #tpu.memory_space<vmem_shared>>) offsets(%dma_start3A_102 : memref<64xi32, #tpu.memory_space<vmem>>) semaphore(%arg11 : memref<!tpu.dma_semaphore, #tpu.memory_space<semaphore_mem>>) {add = true}
        %dma_wait3A_106 = arith.constant 0 : i32
        %dma_wait3A_107 = arith.constant 0 : i32
        %dma_wait3A_108 = tpu.memref_slice %arg8[%dma_wait3A_106, %dma_wait3A_107] : memref<256x128xf32, #tpu.memory_space<vmem>> -> memref<64x128xf32, #tpu.memory_space<vmem>>
        %dma_wait3A_109 = arith.constant 0 : i32
        %dma_wait3A_110 = arith.constant 0 : i32
        %dma_wait3A_111 = tpu.memref_slice %arg4[%dma_wait3A_109, %dma_wait3A_110] : memref<20480x128xf32, #tpu.memory_space<hbm>> -> memref<64x128xf32, #tpu.memory_space<hbm>>
        %dma_wait3A_112 = arith.constant 0 : i32
        %dma_wait3A_113 = arith.constant 0 : i32
        %dma_wait3A_114 = tpu.memref_slice %arg8[%dma_wait3A_112, %dma_wait3A_113] : memref<256x128xf32, #tpu.memory_space<vmem>> -> memref<64x128xf32, #tpu.memory_space<vmem>>
        %dma_wait3A_115 = arith.constant 0 : i32
        %dma_wait3A_116 = arith.constant 0 : i32
        %dma_wait3A_117 = tpu.memref_slice %arg4[%dma_wait3A_115, %dma_wait3A_116] : memref<20480x128xf32, #tpu.memory_space<hbm>> -> memref<64x128xf32, #tpu.memory_space<hbm>>
        tpu.wait_dma2 semaphore(%arg11 : memref<!tpu.dma_semaphore, #tpu.memory_space<semaphore_mem>>) src(%dma_wait3A_117 : memref<64x128xf32, #tpu.memory_space<hbm>>) dst(%dma_wait3A_114 : memref<64x128xf32, #tpu.memory_space<vmem>>)
        %dma_wait3A_118 = arith.constant 0 : i32
        %dma_wait3A_119 = arith.constant 0 : i32
        %dma_wait3A_120 = tpu.memref_slice %arg8[%dma_wait3A_118, %dma_wait3A_119] : memref<256x128xf32, #tpu.memory_space<vmem>> -> memref<64x128xf32, #tpu.memory_space<vmem>>
        %dma_wait3A_121 = arith.constant 0 : i32
        %dma_wait3A_122 = arith.constant 0 : i32
        %dma_wait3A_123 = tpu.memref_slice %arg4[%dma_wait3A_121, %dma_wait3A_122] : memref<20480x128xf32, #tpu.memory_space<hbm>> -> memref<64x128xf32, #tpu.memory_space<hbm>>
        %dma_wait3A_124 = arith.constant 0 : i32
        %dma_wait3A_125 = arith.constant 0 : i32
        %dma_wait3A_126 = tpu.memref_slice %arg8[%dma_wait3A_124, %dma_wait3A_125] : memref<256x128xf32, #tpu.memory_space<vmem>> -> memref<64x128xf32, #tpu.memory_space<vmem>>
        %dma_wait3A_127 = arith.constant 0 : i32
        %dma_wait3A_128 = arith.constant 0 : i32
        %dma_wait3A_129 = tpu.memref_slice %arg4[%dma_wait3A_127, %dma_wait3A_128] : memref<20480x128xf32, #tpu.memory_space<hbm>> -> memref<64x128xf32, #tpu.memory_space<hbm>>
        tpu.wait_dma2 semaphore(%arg11 : memref<!tpu.dma_semaphore, #tpu.memory_space<semaphore_mem>>) src(%dma_wait3A_129 : memref<64x128xf32, #tpu.memory_space<hbm>>) dst(%dma_wait3A_126 : memref<64x128xf32, #tpu.memory_space<vmem>>)
      }
      %scan3A_42 = arith.constant 20 : i32
    }
    %scan3A_7 = arith.constant 8 : i32
    %barrier3A_8 = arith.constant 0 : index
    tpu.barrier barrier_id(%barrier3A_8)
    %mul3A_9 = arith.constant 10240 : i32
    %mul3A_10 = arith.muli %arg0, %mul3A_9 : i32
    %add3A_11 = arith.addi %mul3A_10, %mul3A_0 : i32
    "tpu.region"() ({
      %run_scoped3A = tpu.sem_alloc : memref<!tpu.dma_semaphore, #tpu.memory_space<semaphore_mem>>
      %dma_start3A = arith.constant 0 : i32
      %dma_start3A_12 = tpu.memref_slice %arg5[%add3A_11, %dma_start3A] : memref<20480x128xf32, #tpu.memory_space<hbm>> -> memref<640x128xf32, #tpu.memory_space<hbm>>
      %dma_start3A_13 = arith.constant 0 : i32
      %dma_start3A_14 = tpu.memref_slice %arg9[%mul3A_0, %dma_start3A_13] : memref<10240x128xf32, #tpu.memory_space<vmem_shared>> -> memref<640x128xf32, #tpu.memory_space<vmem_shared>>
      tpu.enqueue_dma source(%dma_start3A_14 : memref<640x128xf32, #tpu.memory_space<vmem_shared>>) target(%dma_start3A_12 : memref<640x128xf32, #tpu.memory_space<hbm>>) target_semaphore(%run_scoped3A : memref<!tpu.dma_semaphore, #tpu.memory_space<semaphore_mem>>)
      %dma_wait3A = arith.constant 0 : i32
      %dma_wait3A_15 = tpu.memref_slice %arg5[%add3A_11, %dma_wait3A] : memref<20480x128xf32, #tpu.memory_space<hbm>> -> memref<640x128xf32, #tpu.memory_space<hbm>>
      %dma_wait3A_16 = arith.constant 0 : i32
      %dma_wait3A_17 = tpu.memref_slice %arg9[%mul3A_0, %dma_wait3A_16] : memref<10240x128xf32, #tpu.memory_space<vmem_shared>> -> memref<640x128xf32, #tpu.memory_space<vmem_shared>>
      tpu.wait_dma2 semaphore(%run_scoped3A : memref<!tpu.dma_semaphore, #tpu.memory_space<semaphore_mem>>) src(%dma_wait3A_17 : memref<640x128xf32, #tpu.memory_space<vmem_shared>>) dst(%dma_wait3A_15 : memref<640x128xf32, #tpu.memory_space<hbm>>)
      tpu.yield
    }) : () -> ()
    return
  }
}

#map = affine_map<(d0, d1) -> (0, 0, 0)>
#map1 = affine_map<(d0, d1) -> (0, 0)>
module attributes {stable_mosaic.version = 14 : i64} {
  func.func @_agg_sc_body(%arg0: i32, %arg1: i32, %arg2: memref<2x5120x64xi32, #tpu.memory_space<hbm>>, %arg3: memref<5120x64xi32, #tpu.memory_space<hbm>>, %arg4: memref<20480x128xf32, #tpu.memory_space<hbm>>, %arg5: memref<20480x128xf32, #tpu.memory_space<hbm>>, %arg6: memref<40x64xi32, #tpu.memory_space<vmem>>, %arg7: memref<40x64xi32, #tpu.memory_space<vmem>>, %arg8: memref<256x128xf32, #tpu.memory_space<vmem>>, %arg9: memref<10240x128xf32, #tpu.memory_space<vmem_shared>>, %arg10: memref<!tpu.dma_semaphore, #tpu.memory_space<semaphore_mem>>, %arg11: memref<!tpu.dma_semaphore, #tpu.memory_space<semaphore_mem>>) attributes {dimension_semantics = [#tpu.dimension_semantics<core_parallel>, #tpu.dimension_semantics<subcore_parallel>], iteration_bounds = array<i64: 2, 16>, scalar_prefetch = 0 : i64, scratch_operands = 6 : i64, tpu.core_type = #tpu.core_type<sc_vector_subcore>, window_params = [{transform_indices = #map}, {transform_indices = #map1}, {transform_indices = #map1}, {transform_indices = #map1}]} {
    %mul3A = arith.constant 640 : i32
    %mul3A_0 = arith.muli %arg1, %mul3A : i32
    %mul3A_1 = arith.constant 10240 : i32
    %mul3A_2 = arith.muli %arg0, %mul3A_1 : i32
    %add3A = arith.addi %mul3A_2, %mul3A_0 : i32
    "tpu.region"() ({
      %run_scoped3A = tpu.sem_alloc : memref<!tpu.dma_semaphore, #tpu.memory_space<semaphore_mem>>
      %dma_start3A = arith.constant 0 : i32
      %dma_start3A_12 = tpu.memref_slice %arg9[%mul3A_0, %dma_start3A] : memref<10240x128xf32, #tpu.memory_space<vmem_shared>> -> memref<640x128xf32, #tpu.memory_space<vmem_shared>>
      %dma_start3A_13 = arith.constant 0 : i32
      %dma_start3A_14 = tpu.memref_slice %arg4[%add3A, %dma_start3A_13] : memref<20480x128xf32, #tpu.memory_space<hbm>> -> memref<640x128xf32, #tpu.memory_space<hbm>>
      tpu.enqueue_dma source(%dma_start3A_14 : memref<640x128xf32, #tpu.memory_space<hbm>>) target(%dma_start3A_12 : memref<640x128xf32, #tpu.memory_space<vmem_shared>>) target_semaphore(%run_scoped3A : memref<!tpu.dma_semaphore, #tpu.memory_space<semaphore_mem>>)
      %dma_wait3A = arith.constant 0 : i32
      %dma_wait3A_15 = tpu.memref_slice %arg9[%mul3A_0, %dma_wait3A] : memref<10240x128xf32, #tpu.memory_space<vmem_shared>> -> memref<640x128xf32, #tpu.memory_space<vmem_shared>>
      %dma_wait3A_16 = arith.constant 0 : i32
      %dma_wait3A_17 = tpu.memref_slice %arg4[%add3A, %dma_wait3A_16] : memref<20480x128xf32, #tpu.memory_space<hbm>> -> memref<640x128xf32, #tpu.memory_space<hbm>>
      tpu.wait_dma2 semaphore(%run_scoped3A : memref<!tpu.dma_semaphore, #tpu.memory_space<semaphore_mem>>) src(%dma_wait3A_17 : memref<640x128xf32, #tpu.memory_space<hbm>>) dst(%dma_wait3A_15 : memref<640x128xf32, #tpu.memory_space<vmem_shared>>)
      tpu.yield
    }) : () -> ()
    %barrier3A = arith.constant 0 : index
    tpu.barrier barrier_id(%barrier3A)
    %scan3A = arith.constant 0 : i32
    %scan3A_3 = arith.constant 0 : i32
    %scan3A_4 = arith.constant 8 : i32
    %scan3A_5 = arith.addi %scan3A_3, %scan3A_4 : i32
    %scan3A_6 = arith.constant 1 : i32
    scf.for %scan3A_12 = %scan3A_3 to %scan3A_5 step %scan3A_6  : i32 {
      %mul3A_13 = arith.constant 320 : i32
      %mul3A_14 = arith.muli %arg1, %mul3A_13 : i32
      %mul3A_15 = arith.constant 40 : i32
      %mul3A_16 = arith.muli %scan3A_12, %mul3A_15 : i32
      %add3A_17 = arith.addi %mul3A_14, %mul3A_16 : i32
      "tpu.region"() ({
        %run_scoped3A = tpu.sem_alloc : memref<!tpu.dma_semaphore, #tpu.memory_space<semaphore_mem>>
        %dma_start3A_43 = arith.constant 0 : i32
        %dma_start3A_44 = arith.constant 0 : i32
        %dma_start3A_45 = tpu.memref_slice %arg2[%arg0, %dma_start3A_43, %dma_start3A_44] : memref<2x5120x64xi32, #tpu.memory_space<hbm>> -> memref<1x5120x64xi32, #tpu.memory_space<hbm>>
        %dma_start3A_46 = tpu.memref_squeeze %dma_start3A_45 : memref<1x5120x64xi32, #tpu.memory_space<hbm>> -> memref<5120x64xi32, #tpu.memory_space<hbm>>
        %dma_start3A_47 = arith.constant 0 : i32
        %dma_start3A_48 = tpu.memref_slice %dma_start3A_46[%add3A_17, %dma_start3A_47] : memref<5120x64xi32, #tpu.memory_space<hbm>> -> memref<40x64xi32, #tpu.memory_space<hbm>>
        %dma_start3A_49 = arith.constant 0 : i32
        %dma_start3A_50 = arith.constant 0 : i32
        %dma_start3A_51 = tpu.memref_slice %arg2[%arg0, %dma_start3A_49, %dma_start3A_50] : memref<2x5120x64xi32, #tpu.memory_space<hbm>> -> memref<1x5120x64xi32, #tpu.memory_space<hbm>>
        %dma_start3A_52 = tpu.memref_squeeze %dma_start3A_51 : memref<1x5120x64xi32, #tpu.memory_space<hbm>> -> memref<5120x64xi32, #tpu.memory_space<hbm>>
        %dma_start3A_53 = arith.constant 0 : i32
        %dma_start3A_54 = tpu.memref_slice %dma_start3A_52[%add3A_17, %dma_start3A_53] : memref<5120x64xi32, #tpu.memory_space<hbm>> -> memref<40x64xi32, #tpu.memory_space<hbm>>
        tpu.enqueue_dma source(%dma_start3A_54 : memref<40x64xi32, #tpu.memory_space<hbm>>) target(%arg6 : memref<40x64xi32, #tpu.memory_space<vmem>>) target_semaphore(%run_scoped3A : memref<!tpu.dma_semaphore, #tpu.memory_space<semaphore_mem>>)
        %dma_wait3A = arith.constant 0 : i32
        %dma_wait3A_55 = arith.constant 0 : i32
        %dma_wait3A_56 = tpu.memref_slice %arg2[%arg0, %dma_wait3A, %dma_wait3A_55] : memref<2x5120x64xi32, #tpu.memory_space<hbm>> -> memref<1x5120x64xi32, #tpu.memory_space<hbm>>
        %dma_wait3A_57 = tpu.memref_squeeze %dma_wait3A_56 : memref<1x5120x64xi32, #tpu.memory_space<hbm>> -> memref<5120x64xi32, #tpu.memory_space<hbm>>
        %dma_wait3A_58 = arith.constant 0 : i32
        %dma_wait3A_59 = tpu.memref_slice %dma_wait3A_57[%add3A_17, %dma_wait3A_58] : memref<5120x64xi32, #tpu.memory_space<hbm>> -> memref<40x64xi32, #tpu.memory_space<hbm>>
        %dma_wait3A_60 = arith.constant 0 : i32
        %dma_wait3A_61 = arith.constant 0 : i32
        %dma_wait3A_62 = tpu.memref_slice %arg2[%arg0, %dma_wait3A_60, %dma_wait3A_61] : memref<2x5120x64xi32, #tpu.memory_space<hbm>> -> memref<1x5120x64xi32, #tpu.memory_space<hbm>>
        %dma_wait3A_63 = tpu.memref_squeeze %dma_wait3A_62 : memref<1x5120x64xi32, #tpu.memory_space<hbm>> -> memref<5120x64xi32, #tpu.memory_space<hbm>>
        %dma_wait3A_64 = arith.constant 0 : i32
        %dma_wait3A_65 = tpu.memref_slice %dma_wait3A_63[%add3A_17, %dma_wait3A_64] : memref<5120x64xi32, #tpu.memory_space<hbm>> -> memref<40x64xi32, #tpu.memory_space<hbm>>
        tpu.wait_dma2 semaphore(%run_scoped3A : memref<!tpu.dma_semaphore, #tpu.memory_space<semaphore_mem>>) src(%dma_wait3A_65 : memref<40x64xi32, #tpu.memory_space<hbm>>) dst(%arg6 : memref<40x64xi32, #tpu.memory_space<vmem>>)
        tpu.yield
      }) : () -> ()
      "tpu.region"() ({
        %run_scoped3A = tpu.sem_alloc : memref<!tpu.dma_semaphore, #tpu.memory_space<semaphore_mem>>
        %dma_start3A_43 = arith.constant 0 : i32
        %dma_start3A_44 = tpu.memref_slice %arg3[%add3A_17, %dma_start3A_43] : memref<5120x64xi32, #tpu.memory_space<hbm>> -> memref<40x64xi32, #tpu.memory_space<hbm>>
        %dma_start3A_45 = arith.constant 0 : i32
        %dma_start3A_46 = tpu.memref_slice %arg3[%add3A_17, %dma_start3A_45] : memref<5120x64xi32, #tpu.memory_space<hbm>> -> memref<40x64xi32, #tpu.memory_space<hbm>>
        tpu.enqueue_dma source(%dma_start3A_46 : memref<40x64xi32, #tpu.memory_space<hbm>>) target(%arg7 : memref<40x64xi32, #tpu.memory_space<vmem>>) target_semaphore(%run_scoped3A : memref<!tpu.dma_semaphore, #tpu.memory_space<semaphore_mem>>)
        %dma_wait3A = arith.constant 0 : i32
        %dma_wait3A_47 = tpu.memref_slice %arg3[%add3A_17, %dma_wait3A] : memref<5120x64xi32, #tpu.memory_space<hbm>> -> memref<40x64xi32, #tpu.memory_space<hbm>>
        %dma_wait3A_48 = arith.constant 0 : i32
        %dma_wait3A_49 = tpu.memref_slice %arg3[%add3A_17, %dma_wait3A_48] : memref<5120x64xi32, #tpu.memory_space<hbm>> -> memref<40x64xi32, #tpu.memory_space<hbm>>
        tpu.wait_dma2 semaphore(%run_scoped3A : memref<!tpu.dma_semaphore, #tpu.memory_space<semaphore_mem>>) src(%dma_wait3A_49 : memref<40x64xi32, #tpu.memory_space<hbm>>) dst(%arg7 : memref<40x64xi32, #tpu.memory_space<vmem>>)
        tpu.yield
      }) : () -> ()
      %dma_start3A = arith.constant 0 : i32
      %dma_start3A_18 = arith.constant 0 : i32
      %dma_start3A_19 = arith.constant 0 : i32
      %dma_start3A_20 = tpu.memref_slice %arg8[%dma_start3A_18, %dma_start3A_19] : memref<256x128xf32, #tpu.memory_space<vmem>> -> memref<64x128xf32, #tpu.memory_space<vmem>>
      %dma_start3A_21 = arith.constant 0 : i32
      %dma_start3A_22 = tpu.memref_slice %arg6[%dma_start3A, %dma_start3A_21] : memref<40x64xi32, #tpu.memory_space<vmem>> -> memref<1x64xi32, #tpu.memory_space<vmem>>
      %dma_start3A_23 = tpu.memref_squeeze %dma_start3A_22 : memref<1x64xi32, #tpu.memory_space<vmem>> -> memref<64xi32, #tpu.memory_space<vmem>>
      %dma_start3A_24 = arith.constant 0 : i32
      %dma_start3A_25 = arith.constant 0 : i32
      %dma_start3A_26 = tpu.memref_slice %arg4[%dma_start3A_24, %dma_start3A_25] : memref<20480x128xf32, #tpu.memory_space<hbm>> -> memref<20480x128xf32, #tpu.memory_space<hbm>>
      tpu.enqueue_indirect_dma source(%dma_start3A_26 : memref<20480x128xf32, #tpu.memory_space<hbm>>) target(%dma_start3A_20 : memref<64x128xf32, #tpu.memory_space<vmem>>) offsets(%dma_start3A_23 : memref<64xi32, #tpu.memory_space<vmem>>) semaphore(%arg10 : memref<!tpu.dma_semaphore, #tpu.memory_space<semaphore_mem>>)
      %dma_start3A_27 = arith.constant 1 : i32
      %dma_start3A_28 = arith.constant 64 : i32
      %dma_start3A_29 = arith.constant 0 : i32
      %dma_start3A_30 = tpu.memref_slice %arg8[%dma_start3A_28, %dma_start3A_29] : memref<256x128xf32, #tpu.memory_space<vmem>> -> memref<64x128xf32, #tpu.memory_space<vmem>>
      %dma_start3A_31 = arith.constant 0 : i32
      %dma_start3A_32 = tpu.memref_slice %arg6[%dma_start3A_27, %dma_start3A_31] : memref<40x64xi32, #tpu.memory_space<vmem>> -> memref<1x64xi32, #tpu.memory_space<vmem>>
      %dma_start3A_33 = tpu.memref_squeeze %dma_start3A_32 : memref<1x64xi32, #tpu.memory_space<vmem>> -> memref<64xi32, #tpu.memory_space<vmem>>
      %dma_start3A_34 = arith.constant 0 : i32
      %dma_start3A_35 = arith.constant 0 : i32
      %dma_start3A_36 = tpu.memref_slice %arg4[%dma_start3A_34, %dma_start3A_35] : memref<20480x128xf32, #tpu.memory_space<hbm>> -> memref<20480x128xf32, #tpu.memory_space<hbm>>
      tpu.enqueue_indirect_dma source(%dma_start3A_36 : memref<20480x128xf32, #tpu.memory_space<hbm>>) target(%dma_start3A_30 : memref<64x128xf32, #tpu.memory_space<vmem>>) offsets(%dma_start3A_33 : memref<64xi32, #tpu.memory_space<vmem>>) semaphore(%arg10 : memref<!tpu.dma_semaphore, #tpu.memory_space<semaphore_mem>>)
      %scan3A_37 = arith.constant 0 : i32
      %scan3A_38 = arith.constant 0 : i32
      %scan3A_39 = arith.constant 20 : i32
      %scan3A_40 = arith.addi %scan3A_38, %scan3A_39 : i32
      %scan3A_41 = arith.constant 1 : i32
      scf.for %scan3A_43 = %scan3A_38 to %scan3A_40 step %scan3A_41  : i32 {
        %rem3A = arith.constant 2 : i32
        %rem3A_44 = arith.remsi %scan3A_43, %rem3A : i32
        %dma_wait3A = arith.constant 0 : i32
        %dma_wait3A_45 = arith.constant 0 : i32
        %dma_wait3A_46 = tpu.memref_slice %arg8[%dma_wait3A, %dma_wait3A_45] : memref<256x128xf32, #tpu.memory_space<vmem>> -> memref<64x128xf32, #tpu.memory_space<vmem>>
        %dma_wait3A_47 = arith.constant 0 : i32
        %dma_wait3A_48 = arith.constant 0 : i32
        %dma_wait3A_49 = tpu.memref_slice %arg4[%dma_wait3A_47, %dma_wait3A_48] : memref<20480x128xf32, #tpu.memory_space<hbm>> -> memref<64x128xf32, #tpu.memory_space<hbm>>
        %dma_wait3A_50 = arith.constant 0 : i32
        %dma_wait3A_51 = arith.constant 0 : i32
        %dma_wait3A_52 = tpu.memref_slice %arg8[%dma_wait3A_50, %dma_wait3A_51] : memref<256x128xf32, #tpu.memory_space<vmem>> -> memref<64x128xf32, #tpu.memory_space<vmem>>
        %dma_wait3A_53 = arith.constant 0 : i32
        %dma_wait3A_54 = arith.constant 0 : i32
        %dma_wait3A_55 = tpu.memref_slice %arg4[%dma_wait3A_53, %dma_wait3A_54] : memref<20480x128xf32, #tpu.memory_space<hbm>> -> memref<64x128xf32, #tpu.memory_space<hbm>>
        tpu.wait_dma2 semaphore(%arg10 : memref<!tpu.dma_semaphore, #tpu.memory_space<semaphore_mem>>) src(%dma_wait3A_55 : memref<64x128xf32, #tpu.memory_space<hbm>>) dst(%dma_wait3A_52 : memref<64x128xf32, #tpu.memory_space<vmem>>)
        %dma_wait3A_56 = arith.constant 0 : i32
        %dma_wait3A_57 = arith.constant 0 : i32
        %dma_wait3A_58 = tpu.memref_slice %arg8[%dma_wait3A_56, %dma_wait3A_57] : memref<256x128xf32, #tpu.memory_space<vmem>> -> memref<64x128xf32, #tpu.memory_space<vmem>>
        %dma_wait3A_59 = arith.constant 0 : i32
        %dma_wait3A_60 = arith.constant 0 : i32
        %dma_wait3A_61 = tpu.memref_slice %arg4[%dma_wait3A_59, %dma_wait3A_60] : memref<20480x128xf32, #tpu.memory_space<hbm>> -> memref<64x128xf32, #tpu.memory_space<hbm>>
        %dma_wait3A_62 = arith.constant 0 : i32
        %dma_wait3A_63 = arith.constant 0 : i32
        %dma_wait3A_64 = tpu.memref_slice %arg8[%dma_wait3A_62, %dma_wait3A_63] : memref<256x128xf32, #tpu.memory_space<vmem>> -> memref<64x128xf32, #tpu.memory_space<vmem>>
        %dma_wait3A_65 = arith.constant 0 : i32
        %dma_wait3A_66 = arith.constant 0 : i32
        %dma_wait3A_67 = tpu.memref_slice %arg4[%dma_wait3A_65, %dma_wait3A_66] : memref<20480x128xf32, #tpu.memory_space<hbm>> -> memref<64x128xf32, #tpu.memory_space<hbm>>
        tpu.wait_dma2 semaphore(%arg10 : memref<!tpu.dma_semaphore, #tpu.memory_space<semaphore_mem>>) src(%dma_wait3A_67 : memref<64x128xf32, #tpu.memory_space<hbm>>) dst(%dma_wait3A_64 : memref<64x128xf32, #tpu.memory_space<vmem>>)
        %lt3A = arith.constant 19 : i32
        %lt3A_68 = arith.cmpi slt, %scan3A_43, %lt3A : i32
        %convert_element_type3A = arith.extui %lt3A_68 : i1 to i32
        %cond3A = arith.constant 0 : i32
        %cond3A_69 = arith.cmpi ne, %convert_element_type3A, %cond3A : i32
        scf.if %cond3A_69 {
          %add3A_130 = arith.constant 1 : i32
          %add3A_131 = arith.addi %scan3A_43, %add3A_130 : i32
          %sub3A = arith.constant 1 : i32
          %sub3A_132 = arith.subi %sub3A, %rem3A_44 : i32
          %mul3A_133 = arith.constant 2 : i32
          %mul3A_134 = arith.muli %add3A_131, %mul3A_133 : i32
          %add3A_135 = arith.constant 0 : i32
          %add3A_136 = arith.addi %mul3A_134, %add3A_135 : i32
          %mul3A_137 = arith.constant 2 : i32
          %mul3A_138 = arith.muli %sub3A_132, %mul3A_137 : i32
          %add3A_139 = arith.constant 0 : i32
          %add3A_140 = arith.addi %mul3A_138, %add3A_139 : i32
          %mul3A_141 = arith.constant 64 : i32
          %mul3A_142 = arith.muli %add3A_140, %mul3A_141 : i32
          %dma_start3A_143 = arith.constant 0 : i32
          %dma_start3A_144 = tpu.memref_slice %arg8[%mul3A_142, %dma_start3A_143] : memref<256x128xf32, #tpu.memory_space<vmem>> -> memref<64x128xf32, #tpu.memory_space<vmem>>
          %dma_start3A_145 = arith.constant 0 : i32
          %dma_start3A_146 = tpu.memref_slice %arg6[%add3A_136, %dma_start3A_145] : memref<40x64xi32, #tpu.memory_space<vmem>> -> memref<1x64xi32, #tpu.memory_space<vmem>>
          %dma_start3A_147 = tpu.memref_squeeze %dma_start3A_146 : memref<1x64xi32, #tpu.memory_space<vmem>> -> memref<64xi32, #tpu.memory_space<vmem>>
          %dma_start3A_148 = arith.constant 0 : i32
          %dma_start3A_149 = arith.constant 0 : i32
          %dma_start3A_150 = tpu.memref_slice %arg4[%dma_start3A_148, %dma_start3A_149] : memref<20480x128xf32, #tpu.memory_space<hbm>> -> memref<20480x128xf32, #tpu.memory_space<hbm>>
          tpu.enqueue_indirect_dma source(%dma_start3A_150 : memref<20480x128xf32, #tpu.memory_space<hbm>>) target(%dma_start3A_144 : memref<64x128xf32, #tpu.memory_space<vmem>>) offsets(%dma_start3A_147 : memref<64xi32, #tpu.memory_space<vmem>>) semaphore(%arg10 : memref<!tpu.dma_semaphore, #tpu.memory_space<semaphore_mem>>)
          %mul3A_151 = arith.constant 2 : i32
          %mul3A_152 = arith.muli %add3A_131, %mul3A_151 : i32
          %add3A_153 = arith.constant 1 : i32
          %add3A_154 = arith.addi %mul3A_152, %add3A_153 : i32
          %mul3A_155 = arith.constant 2 : i32
          %mul3A_156 = arith.muli %sub3A_132, %mul3A_155 : i32
          %add3A_157 = arith.constant 1 : i32
          %add3A_158 = arith.addi %mul3A_156, %add3A_157 : i32
          %mul3A_159 = arith.constant 64 : i32
          %mul3A_160 = arith.muli %add3A_158, %mul3A_159 : i32
          %dma_start3A_161 = arith.constant 0 : i32
          %dma_start3A_162 = tpu.memref_slice %arg8[%mul3A_160, %dma_start3A_161] : memref<256x128xf32, #tpu.memory_space<vmem>> -> memref<64x128xf32, #tpu.memory_space<vmem>>
          %dma_start3A_163 = arith.constant 0 : i32
          %dma_start3A_164 = tpu.memref_slice %arg6[%add3A_154, %dma_start3A_163] : memref<40x64xi32, #tpu.memory_space<vmem>> -> memref<1x64xi32, #tpu.memory_space<vmem>>
          %dma_start3A_165 = tpu.memref_squeeze %dma_start3A_164 : memref<1x64xi32, #tpu.memory_space<vmem>> -> memref<64xi32, #tpu.memory_space<vmem>>
          %dma_start3A_166 = arith.constant 0 : i32
          %dma_start3A_167 = arith.constant 0 : i32
          %dma_start3A_168 = tpu.memref_slice %arg4[%dma_start3A_166, %dma_start3A_167] : memref<20480x128xf32, #tpu.memory_space<hbm>> -> memref<20480x128xf32, #tpu.memory_space<hbm>>
          tpu.enqueue_indirect_dma source(%dma_start3A_168 : memref<20480x128xf32, #tpu.memory_space<hbm>>) target(%dma_start3A_162 : memref<64x128xf32, #tpu.memory_space<vmem>>) offsets(%dma_start3A_165 : memref<64xi32, #tpu.memory_space<vmem>>) semaphore(%arg10 : memref<!tpu.dma_semaphore, #tpu.memory_space<semaphore_mem>>)
        } else {
        }
        %mul3A_70 = arith.constant 2 : i32
        %mul3A_71 = arith.muli %rem3A_44, %mul3A_70 : i32
        %add3A_72 = arith.constant 0 : i32
        %add3A_73 = arith.addi %mul3A_71, %add3A_72 : i32
        %mul3A_74 = arith.constant 64 : i32
        %mul3A_75 = arith.muli %add3A_73, %mul3A_74 : i32
        %mul3A_76 = arith.constant 2 : i32
        %mul3A_77 = arith.muli %scan3A_43, %mul3A_76 : i32
        %add3A_78 = arith.constant 0 : i32
        %add3A_79 = arith.addi %mul3A_77, %add3A_78 : i32
        %dma_start3A_80 = arith.constant 0 : i32
        %dma_start3A_81 = tpu.memref_slice %arg8[%mul3A_75, %dma_start3A_80] : memref<256x128xf32, #tpu.memory_space<vmem>> -> memref<64x128xf32, #tpu.memory_space<vmem>>
        %dma_start3A_82 = arith.constant 0 : i32
        %dma_start3A_83 = tpu.memref_slice %arg7[%add3A_79, %dma_start3A_82] : memref<40x64xi32, #tpu.memory_space<vmem>> -> memref<1x64xi32, #tpu.memory_space<vmem>>
        %dma_start3A_84 = tpu.memref_squeeze %dma_start3A_83 : memref<1x64xi32, #tpu.memory_space<vmem>> -> memref<64xi32, #tpu.memory_space<vmem>>
        %dma_start3A_85 = arith.constant 0 : i32
        %dma_start3A_86 = arith.constant 0 : i32
        %dma_start3A_87 = tpu.memref_slice %arg9[%dma_start3A_85, %dma_start3A_86] : memref<10240x128xf32, #tpu.memory_space<vmem_shared>> -> memref<10240x128xf32, #tpu.memory_space<vmem_shared>>
        tpu.enqueue_indirect_dma source(%dma_start3A_81 : memref<64x128xf32, #tpu.memory_space<vmem>>) target(%dma_start3A_87 : memref<10240x128xf32, #tpu.memory_space<vmem_shared>>) offsets(%dma_start3A_84 : memref<64xi32, #tpu.memory_space<vmem>>) semaphore(%arg11 : memref<!tpu.dma_semaphore, #tpu.memory_space<semaphore_mem>>) {add = true}
        %mul3A_88 = arith.constant 2 : i32
        %mul3A_89 = arith.muli %rem3A_44, %mul3A_88 : i32
        %add3A_90 = arith.constant 1 : i32
        %add3A_91 = arith.addi %mul3A_89, %add3A_90 : i32
        %mul3A_92 = arith.constant 64 : i32
        %mul3A_93 = arith.muli %add3A_91, %mul3A_92 : i32
        %mul3A_94 = arith.constant 2 : i32
        %mul3A_95 = arith.muli %scan3A_43, %mul3A_94 : i32
        %add3A_96 = arith.constant 1 : i32
        %add3A_97 = arith.addi %mul3A_95, %add3A_96 : i32
        %dma_start3A_98 = arith.constant 0 : i32
        %dma_start3A_99 = tpu.memref_slice %arg8[%mul3A_93, %dma_start3A_98] : memref<256x128xf32, #tpu.memory_space<vmem>> -> memref<64x128xf32, #tpu.memory_space<vmem>>
        %dma_start3A_100 = arith.constant 0 : i32
        %dma_start3A_101 = tpu.memref_slice %arg7[%add3A_97, %dma_start3A_100] : memref<40x64xi32, #tpu.memory_space<vmem>> -> memref<1x64xi32, #tpu.memory_space<vmem>>
        %dma_start3A_102 = tpu.memref_squeeze %dma_start3A_101 : memref<1x64xi32, #tpu.memory_space<vmem>> -> memref<64xi32, #tpu.memory_space<vmem>>
        %dma_start3A_103 = arith.constant 0 : i32
        %dma_start3A_104 = arith.constant 0 : i32
        %dma_start3A_105 = tpu.memref_slice %arg9[%dma_start3A_103, %dma_start3A_104] : memref<10240x128xf32, #tpu.memory_space<vmem_shared>> -> memref<10240x128xf32, #tpu.memory_space<vmem_shared>>
        tpu.enqueue_indirect_dma source(%dma_start3A_99 : memref<64x128xf32, #tpu.memory_space<vmem>>) target(%dma_start3A_105 : memref<10240x128xf32, #tpu.memory_space<vmem_shared>>) offsets(%dma_start3A_102 : memref<64xi32, #tpu.memory_space<vmem>>) semaphore(%arg11 : memref<!tpu.dma_semaphore, #tpu.memory_space<semaphore_mem>>) {add = true}
        %dma_wait3A_106 = arith.constant 0 : i32
        %dma_wait3A_107 = arith.constant 0 : i32
        %dma_wait3A_108 = tpu.memref_slice %arg8[%dma_wait3A_106, %dma_wait3A_107] : memref<256x128xf32, #tpu.memory_space<vmem>> -> memref<64x128xf32, #tpu.memory_space<vmem>>
        %dma_wait3A_109 = arith.constant 0 : i32
        %dma_wait3A_110 = arith.constant 0 : i32
        %dma_wait3A_111 = tpu.memref_slice %arg4[%dma_wait3A_109, %dma_wait3A_110] : memref<20480x128xf32, #tpu.memory_space<hbm>> -> memref<64x128xf32, #tpu.memory_space<hbm>>
        %dma_wait3A_112 = arith.constant 0 : i32
        %dma_wait3A_113 = arith.constant 0 : i32
        %dma_wait3A_114 = tpu.memref_slice %arg8[%dma_wait3A_112, %dma_wait3A_113] : memref<256x128xf32, #tpu.memory_space<vmem>> -> memref<64x128xf32, #tpu.memory_space<vmem>>
        %dma_wait3A_115 = arith.constant 0 : i32
        %dma_wait3A_116 = arith.constant 0 : i32
        %dma_wait3A_117 = tpu.memref_slice %arg4[%dma_wait3A_115, %dma_wait3A_116] : memref<20480x128xf32, #tpu.memory_space<hbm>> -> memref<64x128xf32, #tpu.memory_space<hbm>>
        tpu.wait_dma2 semaphore(%arg11 : memref<!tpu.dma_semaphore, #tpu.memory_space<semaphore_mem>>) src(%dma_wait3A_117 : memref<64x128xf32, #tpu.memory_space<hbm>>) dst(%dma_wait3A_114 : memref<64x128xf32, #tpu.memory_space<vmem>>)
        %dma_wait3A_118 = arith.constant 0 : i32
        %dma_wait3A_119 = arith.constant 0 : i32
        %dma_wait3A_120 = tpu.memref_slice %arg8[%dma_wait3A_118, %dma_wait3A_119] : memref<256x128xf32, #tpu.memory_space<vmem>> -> memref<64x128xf32, #tpu.memory_space<vmem>>
        %dma_wait3A_121 = arith.constant 0 : i32
        %dma_wait3A_122 = arith.constant 0 : i32
        %dma_wait3A_123 = tpu.memref_slice %arg4[%dma_wait3A_121, %dma_wait3A_122] : memref<20480x128xf32, #tpu.memory_space<hbm>> -> memref<64x128xf32, #tpu.memory_space<hbm>>
        %dma_wait3A_124 = arith.constant 0 : i32
        %dma_wait3A_125 = arith.constant 0 : i32
        %dma_wait3A_126 = tpu.memref_slice %arg8[%dma_wait3A_124, %dma_wait3A_125] : memref<256x128xf32, #tpu.memory_space<vmem>> -> memref<64x128xf32, #tpu.memory_space<vmem>>
        %dma_wait3A_127 = arith.constant 0 : i32
        %dma_wait3A_128 = arith.constant 0 : i32
        %dma_wait3A_129 = tpu.memref_slice %arg4[%dma_wait3A_127, %dma_wait3A_128] : memref<20480x128xf32, #tpu.memory_space<hbm>> -> memref<64x128xf32, #tpu.memory_space<hbm>>
        tpu.wait_dma2 semaphore(%arg11 : memref<!tpu.dma_semaphore, #tpu.memory_space<semaphore_mem>>) src(%dma_wait3A_129 : memref<64x128xf32, #tpu.memory_space<hbm>>) dst(%dma_wait3A_126 : memref<64x128xf32, #tpu.memory_space<vmem>>)
      }
      %scan3A_42 = arith.constant 20 : i32
    }
    %scan3A_7 = arith.constant 8 : i32
    %barrier3A_8 = arith.constant 0 : index
    tpu.barrier barrier_id(%barrier3A_8)
    %mul3A_9 = arith.constant 10240 : i32
    %mul3A_10 = arith.muli %arg0, %mul3A_9 : i32
    %add3A_11 = arith.addi %mul3A_10, %mul3A_0 : i32
    "tpu.region"() ({
      %run_scoped3A = tpu.sem_alloc : memref<!tpu.dma_semaphore, #tpu.memory_space<semaphore_mem>>
      %dma_start3A = arith.constant 0 : i32
      %dma_start3A_12 = tpu.memref_slice %arg5[%add3A_11, %dma_start3A] : memref<20480x128xf32, #tpu.memory_space<hbm>> -> memref<640x128xf32, #tpu.memory_space<hbm>>
      %dma_start3A_13 = arith.constant 0 : i32
      %dma_start3A_14 = tpu.memref_slice %arg9[%mul3A_0, %dma_start3A_13] : memref<10240x128xf32, #tpu.memory_space<vmem_shared>> -> memref<640x128xf32, #tpu.memory_space<vmem_shared>>
      tpu.enqueue_dma source(%dma_start3A_14 : memref<640x128xf32, #tpu.memory_space<vmem_shared>>) target(%dma_start3A_12 : memref<640x128xf32, #tpu.memory_space<hbm>>) target_semaphore(%run_scoped3A : memref<!tpu.dma_semaphore, #tpu.memory_space<semaphore_mem>>)
      %dma_wait3A = arith.constant 0 : i32
      %dma_wait3A_15 = tpu.memref_slice %arg5[%add3A_11, %dma_wait3A] : memref<20480x128xf32, #tpu.memory_space<hbm>> -> memref<640x128xf32, #tpu.memory_space<hbm>>
      %dma_wait3A_16 = arith.constant 0 : i32
      %dma_wait3A_17 = tpu.memref_slice %arg9[%mul3A_0, %dma_wait3A_16] : memref<10240x128xf32, #tpu.memory_space<vmem_shared>> -> memref<640x128xf32, #tpu.memory_space<vmem_shared>>
      tpu.wait_dma2 semaphore(%run_scoped3A : memref<!tpu.dma_semaphore, #tpu.memory_space<semaphore_mem>>) src(%dma_wait3A_17 : memref<640x128xf32, #tpu.memory_space<vmem_shared>>) dst(%dma_wait3A_15 : memref<640x128xf32, #tpu.memory_space<hbm>>)
      tpu.yield
    }) : () -> ()
    return
  }
}

#map = affine_map<(d0, d1) -> (0, 0, 0)>
#map1 = affine_map<(d0, d1) -> (0, 0)>
module attributes {stable_mosaic.version = 14 : i64} {
  func.func @_agg_sc_body(%arg0: i32, %arg1: i32, %arg2: memref<2x5120x64xi32, #tpu.memory_space<hbm>>, %arg3: memref<5120x64xi32, #tpu.memory_space<hbm>>, %arg4: memref<20480x128xf32, #tpu.memory_space<hbm>>, %arg5: memref<20480x128xf32, #tpu.memory_space<hbm>>, %arg6: memref<40x64xi32, #tpu.memory_space<vmem>>, %arg7: memref<40x64xi32, #tpu.memory_space<vmem>>, %arg8: memref<256x128xf32, #tpu.memory_space<vmem>>, %arg9: memref<10240x128xf32, #tpu.memory_space<vmem_shared>>, %arg10: memref<!tpu.dma_semaphore, #tpu.memory_space<semaphore_mem>>, %arg11: memref<!tpu.dma_semaphore, #tpu.memory_space<semaphore_mem>>) attributes {dimension_semantics = [#tpu.dimension_semantics<core_parallel>, #tpu.dimension_semantics<subcore_parallel>], iteration_bounds = array<i64: 2, 16>, scalar_prefetch = 0 : i64, scratch_operands = 6 : i64, tpu.core_type = #tpu.core_type<sc_vector_subcore>, window_params = [{transform_indices = #map}, {transform_indices = #map1}, {transform_indices = #map1}, {transform_indices = #map1}]} {
    %mul3A = arith.constant 640 : i32
    %mul3A_0 = arith.muli %arg1, %mul3A : i32
    %mul3A_1 = arith.constant 10240 : i32
    %mul3A_2 = arith.muli %arg0, %mul3A_1 : i32
    %add3A = arith.addi %mul3A_2, %mul3A_0 : i32
    "tpu.region"() ({
      %run_scoped3A = tpu.sem_alloc : memref<!tpu.dma_semaphore, #tpu.memory_space<semaphore_mem>>
      %dma_start3A = arith.constant 0 : i32
      %dma_start3A_12 = tpu.memref_slice %arg9[%mul3A_0, %dma_start3A] : memref<10240x128xf32, #tpu.memory_space<vmem_shared>> -> memref<640x128xf32, #tpu.memory_space<vmem_shared>>
      %dma_start3A_13 = arith.constant 0 : i32
      %dma_start3A_14 = tpu.memref_slice %arg4[%add3A, %dma_start3A_13] : memref<20480x128xf32, #tpu.memory_space<hbm>> -> memref<640x128xf32, #tpu.memory_space<hbm>>
      tpu.enqueue_dma source(%dma_start3A_14 : memref<640x128xf32, #tpu.memory_space<hbm>>) target(%dma_start3A_12 : memref<640x128xf32, #tpu.memory_space<vmem_shared>>) target_semaphore(%run_scoped3A : memref<!tpu.dma_semaphore, #tpu.memory_space<semaphore_mem>>)
      %dma_wait3A = arith.constant 0 : i32
      %dma_wait3A_15 = tpu.memref_slice %arg9[%mul3A_0, %dma_wait3A] : memref<10240x128xf32, #tpu.memory_space<vmem_shared>> -> memref<640x128xf32, #tpu.memory_space<vmem_shared>>
      %dma_wait3A_16 = arith.constant 0 : i32
      %dma_wait3A_17 = tpu.memref_slice %arg4[%add3A, %dma_wait3A_16] : memref<20480x128xf32, #tpu.memory_space<hbm>> -> memref<640x128xf32, #tpu.memory_space<hbm>>
      tpu.wait_dma2 semaphore(%run_scoped3A : memref<!tpu.dma_semaphore, #tpu.memory_space<semaphore_mem>>) src(%dma_wait3A_17 : memref<640x128xf32, #tpu.memory_space<hbm>>) dst(%dma_wait3A_15 : memref<640x128xf32, #tpu.memory_space<vmem_shared>>)
      tpu.yield
    }) : () -> ()
    %barrier3A = arith.constant 0 : index
    tpu.barrier barrier_id(%barrier3A)
    %scan3A = arith.constant 0 : i32
    %scan3A_3 = arith.constant 0 : i32
    %scan3A_4 = arith.constant 8 : i32
    %scan3A_5 = arith.addi %scan3A_3, %scan3A_4 : i32
    %scan3A_6 = arith.constant 1 : i32
    scf.for %scan3A_12 = %scan3A_3 to %scan3A_5 step %scan3A_6  : i32 {
      %mul3A_13 = arith.constant 320 : i32
      %mul3A_14 = arith.muli %arg1, %mul3A_13 : i32
      %mul3A_15 = arith.constant 40 : i32
      %mul3A_16 = arith.muli %scan3A_12, %mul3A_15 : i32
      %add3A_17 = arith.addi %mul3A_14, %mul3A_16 : i32
      "tpu.region"() ({
        %run_scoped3A = tpu.sem_alloc : memref<!tpu.dma_semaphore, #tpu.memory_space<semaphore_mem>>
        %dma_start3A_43 = arith.constant 0 : i32
        %dma_start3A_44 = arith.constant 0 : i32
        %dma_start3A_45 = tpu.memref_slice %arg2[%arg0, %dma_start3A_43, %dma_start3A_44] : memref<2x5120x64xi32, #tpu.memory_space<hbm>> -> memref<1x5120x64xi32, #tpu.memory_space<hbm>>
        %dma_start3A_46 = tpu.memref_squeeze %dma_start3A_45 : memref<1x5120x64xi32, #tpu.memory_space<hbm>> -> memref<5120x64xi32, #tpu.memory_space<hbm>>
        %dma_start3A_47 = arith.constant 0 : i32
        %dma_start3A_48 = tpu.memref_slice %dma_start3A_46[%add3A_17, %dma_start3A_47] : memref<5120x64xi32, #tpu.memory_space<hbm>> -> memref<40x64xi32, #tpu.memory_space<hbm>>
        %dma_start3A_49 = arith.constant 0 : i32
        %dma_start3A_50 = arith.constant 0 : i32
        %dma_start3A_51 = tpu.memref_slice %arg2[%arg0, %dma_start3A_49, %dma_start3A_50] : memref<2x5120x64xi32, #tpu.memory_space<hbm>> -> memref<1x5120x64xi32, #tpu.memory_space<hbm>>
        %dma_start3A_52 = tpu.memref_squeeze %dma_start3A_51 : memref<1x5120x64xi32, #tpu.memory_space<hbm>> -> memref<5120x64xi32, #tpu.memory_space<hbm>>
        %dma_start3A_53 = arith.constant 0 : i32
        %dma_start3A_54 = tpu.memref_slice %dma_start3A_52[%add3A_17, %dma_start3A_53] : memref<5120x64xi32, #tpu.memory_space<hbm>> -> memref<40x64xi32, #tpu.memory_space<hbm>>
        tpu.enqueue_dma source(%dma_start3A_54 : memref<40x64xi32, #tpu.memory_space<hbm>>) target(%arg6 : memref<40x64xi32, #tpu.memory_space<vmem>>) target_semaphore(%run_scoped3A : memref<!tpu.dma_semaphore, #tpu.memory_space<semaphore_mem>>)
        %dma_wait3A = arith.constant 0 : i32
        %dma_wait3A_55 = arith.constant 0 : i32
        %dma_wait3A_56 = tpu.memref_slice %arg2[%arg0, %dma_wait3A, %dma_wait3A_55] : memref<2x5120x64xi32, #tpu.memory_space<hbm>> -> memref<1x5120x64xi32, #tpu.memory_space<hbm>>
        %dma_wait3A_57 = tpu.memref_squeeze %dma_wait3A_56 : memref<1x5120x64xi32, #tpu.memory_space<hbm>> -> memref<5120x64xi32, #tpu.memory_space<hbm>>
        %dma_wait3A_58 = arith.constant 0 : i32
        %dma_wait3A_59 = tpu.memref_slice %dma_wait3A_57[%add3A_17, %dma_wait3A_58] : memref<5120x64xi32, #tpu.memory_space<hbm>> -> memref<40x64xi32, #tpu.memory_space<hbm>>
        %dma_wait3A_60 = arith.constant 0 : i32
        %dma_wait3A_61 = arith.constant 0 : i32
        %dma_wait3A_62 = tpu.memref_slice %arg2[%arg0, %dma_wait3A_60, %dma_wait3A_61] : memref<2x5120x64xi32, #tpu.memory_space<hbm>> -> memref<1x5120x64xi32, #tpu.memory_space<hbm>>
        %dma_wait3A_63 = tpu.memref_squeeze %dma_wait3A_62 : memref<1x5120x64xi32, #tpu.memory_space<hbm>> -> memref<5120x64xi32, #tpu.memory_space<hbm>>
        %dma_wait3A_64 = arith.constant 0 : i32
        %dma_wait3A_65 = tpu.memref_slice %dma_wait3A_63[%add3A_17, %dma_wait3A_64] : memref<5120x64xi32, #tpu.memory_space<hbm>> -> memref<40x64xi32, #tpu.memory_space<hbm>>
        tpu.wait_dma2 semaphore(%run_scoped3A : memref<!tpu.dma_semaphore, #tpu.memory_space<semaphore_mem>>) src(%dma_wait3A_65 : memref<40x64xi32, #tpu.memory_space<hbm>>) dst(%arg6 : memref<40x64xi32, #tpu.memory_space<vmem>>)
        tpu.yield
      }) : () -> ()
      "tpu.region"() ({
        %run_scoped3A = tpu.sem_alloc : memref<!tpu.dma_semaphore, #tpu.memory_space<semaphore_mem>>
        %dma_start3A_43 = arith.constant 0 : i32
        %dma_start3A_44 = tpu.memref_slice %arg3[%add3A_17, %dma_start3A_43] : memref<5120x64xi32, #tpu.memory_space<hbm>> -> memref<40x64xi32, #tpu.memory_space<hbm>>
        %dma_start3A_45 = arith.constant 0 : i32
        %dma_start3A_46 = tpu.memref_slice %arg3[%add3A_17, %dma_start3A_45] : memref<5120x64xi32, #tpu.memory_space<hbm>> -> memref<40x64xi32, #tpu.memory_space<hbm>>
        tpu.enqueue_dma source(%dma_start3A_46 : memref<40x64xi32, #tpu.memory_space<hbm>>) target(%arg7 : memref<40x64xi32, #tpu.memory_space<vmem>>) target_semaphore(%run_scoped3A : memref<!tpu.dma_semaphore, #tpu.memory_space<semaphore_mem>>)
        %dma_wait3A = arith.constant 0 : i32
        %dma_wait3A_47 = tpu.memref_slice %arg3[%add3A_17, %dma_wait3A] : memref<5120x64xi32, #tpu.memory_space<hbm>> -> memref<40x64xi32, #tpu.memory_space<hbm>>
        %dma_wait3A_48 = arith.constant 0 : i32
        %dma_wait3A_49 = tpu.memref_slice %arg3[%add3A_17, %dma_wait3A_48] : memref<5120x64xi32, #tpu.memory_space<hbm>> -> memref<40x64xi32, #tpu.memory_space<hbm>>
        tpu.wait_dma2 semaphore(%run_scoped3A : memref<!tpu.dma_semaphore, #tpu.memory_space<semaphore_mem>>) src(%dma_wait3A_49 : memref<40x64xi32, #tpu.memory_space<hbm>>) dst(%arg7 : memref<40x64xi32, #tpu.memory_space<vmem>>)
        tpu.yield
      }) : () -> ()
      %dma_start3A = arith.constant 0 : i32
      %dma_start3A_18 = arith.constant 0 : i32
      %dma_start3A_19 = arith.constant 0 : i32
      %dma_start3A_20 = tpu.memref_slice %arg8[%dma_start3A_18, %dma_start3A_19] : memref<256x128xf32, #tpu.memory_space<vmem>> -> memref<64x128xf32, #tpu.memory_space<vmem>>
      %dma_start3A_21 = arith.constant 0 : i32
      %dma_start3A_22 = tpu.memref_slice %arg6[%dma_start3A, %dma_start3A_21] : memref<40x64xi32, #tpu.memory_space<vmem>> -> memref<1x64xi32, #tpu.memory_space<vmem>>
      %dma_start3A_23 = tpu.memref_squeeze %dma_start3A_22 : memref<1x64xi32, #tpu.memory_space<vmem>> -> memref<64xi32, #tpu.memory_space<vmem>>
      %dma_start3A_24 = arith.constant 0 : i32
      %dma_start3A_25 = arith.constant 0 : i32
      %dma_start3A_26 = tpu.memref_slice %arg4[%dma_start3A_24, %dma_start3A_25] : memref<20480x128xf32, #tpu.memory_space<hbm>> -> memref<20480x128xf32, #tpu.memory_space<hbm>>
      tpu.enqueue_indirect_dma source(%dma_start3A_26 : memref<20480x128xf32, #tpu.memory_space<hbm>>) target(%dma_start3A_20 : memref<64x128xf32, #tpu.memory_space<vmem>>) offsets(%dma_start3A_23 : memref<64xi32, #tpu.memory_space<vmem>>) semaphore(%arg10 : memref<!tpu.dma_semaphore, #tpu.memory_space<semaphore_mem>>)
      %dma_start3A_27 = arith.constant 1 : i32
      %dma_start3A_28 = arith.constant 64 : i32
      %dma_start3A_29 = arith.constant 0 : i32
      %dma_start3A_30 = tpu.memref_slice %arg8[%dma_start3A_28, %dma_start3A_29] : memref<256x128xf32, #tpu.memory_space<vmem>> -> memref<64x128xf32, #tpu.memory_space<vmem>>
      %dma_start3A_31 = arith.constant 0 : i32
      %dma_start3A_32 = tpu.memref_slice %arg6[%dma_start3A_27, %dma_start3A_31] : memref<40x64xi32, #tpu.memory_space<vmem>> -> memref<1x64xi32, #tpu.memory_space<vmem>>
      %dma_start3A_33 = tpu.memref_squeeze %dma_start3A_32 : memref<1x64xi32, #tpu.memory_space<vmem>> -> memref<64xi32, #tpu.memory_space<vmem>>
      %dma_start3A_34 = arith.constant 0 : i32
      %dma_start3A_35 = arith.constant 0 : i32
      %dma_start3A_36 = tpu.memref_slice %arg4[%dma_start3A_34, %dma_start3A_35] : memref<20480x128xf32, #tpu.memory_space<hbm>> -> memref<20480x128xf32, #tpu.memory_space<hbm>>
      tpu.enqueue_indirect_dma source(%dma_start3A_36 : memref<20480x128xf32, #tpu.memory_space<hbm>>) target(%dma_start3A_30 : memref<64x128xf32, #tpu.memory_space<vmem>>) offsets(%dma_start3A_33 : memref<64xi32, #tpu.memory_space<vmem>>) semaphore(%arg10 : memref<!tpu.dma_semaphore, #tpu.memory_space<semaphore_mem>>)
      %scan3A_37 = arith.constant 0 : i32
      %scan3A_38 = arith.constant 0 : i32
      %scan3A_39 = arith.constant 20 : i32
      %scan3A_40 = arith.addi %scan3A_38, %scan3A_39 : i32
      %scan3A_41 = arith.constant 1 : i32
      scf.for %scan3A_43 = %scan3A_38 to %scan3A_40 step %scan3A_41  : i32 {
        %rem3A = arith.constant 2 : i32
        %rem3A_44 = arith.remsi %scan3A_43, %rem3A : i32
        %dma_wait3A = arith.constant 0 : i32
        %dma_wait3A_45 = arith.constant 0 : i32
        %dma_wait3A_46 = tpu.memref_slice %arg8[%dma_wait3A, %dma_wait3A_45] : memref<256x128xf32, #tpu.memory_space<vmem>> -> memref<64x128xf32, #tpu.memory_space<vmem>>
        %dma_wait3A_47 = arith.constant 0 : i32
        %dma_wait3A_48 = arith.constant 0 : i32
        %dma_wait3A_49 = tpu.memref_slice %arg4[%dma_wait3A_47, %dma_wait3A_48] : memref<20480x128xf32, #tpu.memory_space<hbm>> -> memref<64x128xf32, #tpu.memory_space<hbm>>
        %dma_wait3A_50 = arith.constant 0 : i32
        %dma_wait3A_51 = arith.constant 0 : i32
        %dma_wait3A_52 = tpu.memref_slice %arg8[%dma_wait3A_50, %dma_wait3A_51] : memref<256x128xf32, #tpu.memory_space<vmem>> -> memref<64x128xf32, #tpu.memory_space<vmem>>
        %dma_wait3A_53 = arith.constant 0 : i32
        %dma_wait3A_54 = arith.constant 0 : i32
        %dma_wait3A_55 = tpu.memref_slice %arg4[%dma_wait3A_53, %dma_wait3A_54] : memref<20480x128xf32, #tpu.memory_space<hbm>> -> memref<64x128xf32, #tpu.memory_space<hbm>>
        tpu.wait_dma2 semaphore(%arg10 : memref<!tpu.dma_semaphore, #tpu.memory_space<semaphore_mem>>) src(%dma_wait3A_55 : memref<64x128xf32, #tpu.memory_space<hbm>>) dst(%dma_wait3A_52 : memref<64x128xf32, #tpu.memory_space<vmem>>)
        %dma_wait3A_56 = arith.constant 0 : i32
        %dma_wait3A_57 = arith.constant 0 : i32
        %dma_wait3A_58 = tpu.memref_slice %arg8[%dma_wait3A_56, %dma_wait3A_57] : memref<256x128xf32, #tpu.memory_space<vmem>> -> memref<64x128xf32, #tpu.memory_space<vmem>>
        %dma_wait3A_59 = arith.constant 0 : i32
        %dma_wait3A_60 = arith.constant 0 : i32
        %dma_wait3A_61 = tpu.memref_slice %arg4[%dma_wait3A_59, %dma_wait3A_60] : memref<20480x128xf32, #tpu.memory_space<hbm>> -> memref<64x128xf32, #tpu.memory_space<hbm>>
        %dma_wait3A_62 = arith.constant 0 : i32
        %dma_wait3A_63 = arith.constant 0 : i32
        %dma_wait3A_64 = tpu.memref_slice %arg8[%dma_wait3A_62, %dma_wait3A_63] : memref<256x128xf32, #tpu.memory_space<vmem>> -> memref<64x128xf32, #tpu.memory_space<vmem>>
        %dma_wait3A_65 = arith.constant 0 : i32
        %dma_wait3A_66 = arith.constant 0 : i32
        %dma_wait3A_67 = tpu.memref_slice %arg4[%dma_wait3A_65, %dma_wait3A_66] : memref<20480x128xf32, #tpu.memory_space<hbm>> -> memref<64x128xf32, #tpu.memory_space<hbm>>
        tpu.wait_dma2 semaphore(%arg10 : memref<!tpu.dma_semaphore, #tpu.memory_space<semaphore_mem>>) src(%dma_wait3A_67 : memref<64x128xf32, #tpu.memory_space<hbm>>) dst(%dma_wait3A_64 : memref<64x128xf32, #tpu.memory_space<vmem>>)
        %lt3A = arith.constant 19 : i32
        %lt3A_68 = arith.cmpi slt, %scan3A_43, %lt3A : i32
        %convert_element_type3A = arith.extui %lt3A_68 : i1 to i32
        %cond3A = arith.constant 0 : i32
        %cond3A_69 = arith.cmpi ne, %convert_element_type3A, %cond3A : i32
        scf.if %cond3A_69 {
          %add3A_130 = arith.constant 1 : i32
          %add3A_131 = arith.addi %scan3A_43, %add3A_130 : i32
          %sub3A = arith.constant 1 : i32
          %sub3A_132 = arith.subi %sub3A, %rem3A_44 : i32
          %mul3A_133 = arith.constant 2 : i32
          %mul3A_134 = arith.muli %add3A_131, %mul3A_133 : i32
          %add3A_135 = arith.constant 0 : i32
          %add3A_136 = arith.addi %mul3A_134, %add3A_135 : i32
          %mul3A_137 = arith.constant 2 : i32
          %mul3A_138 = arith.muli %sub3A_132, %mul3A_137 : i32
          %add3A_139 = arith.constant 0 : i32
          %add3A_140 = arith.addi %mul3A_138, %add3A_139 : i32
          %mul3A_141 = arith.constant 64 : i32
          %mul3A_142 = arith.muli %add3A_140, %mul3A_141 : i32
          %dma_start3A_143 = arith.constant 0 : i32
          %dma_start3A_144 = tpu.memref_slice %arg8[%mul3A_142, %dma_start3A_143] : memref<256x128xf32, #tpu.memory_space<vmem>> -> memref<64x128xf32, #tpu.memory_space<vmem>>
          %dma_start3A_145 = arith.constant 0 : i32
          %dma_start3A_146 = tpu.memref_slice %arg6[%add3A_136, %dma_start3A_145] : memref<40x64xi32, #tpu.memory_space<vmem>> -> memref<1x64xi32, #tpu.memory_space<vmem>>
          %dma_start3A_147 = tpu.memref_squeeze %dma_start3A_146 : memref<1x64xi32, #tpu.memory_space<vmem>> -> memref<64xi32, #tpu.memory_space<vmem>>
          %dma_start3A_148 = arith.constant 0 : i32
          %dma_start3A_149 = arith.constant 0 : i32
          %dma_start3A_150 = tpu.memref_slice %arg4[%dma_start3A_148, %dma_start3A_149] : memref<20480x128xf32, #tpu.memory_space<hbm>> -> memref<20480x128xf32, #tpu.memory_space<hbm>>
          tpu.enqueue_indirect_dma source(%dma_start3A_150 : memref<20480x128xf32, #tpu.memory_space<hbm>>) target(%dma_start3A_144 : memref<64x128xf32, #tpu.memory_space<vmem>>) offsets(%dma_start3A_147 : memref<64xi32, #tpu.memory_space<vmem>>) semaphore(%arg10 : memref<!tpu.dma_semaphore, #tpu.memory_space<semaphore_mem>>)
          %mul3A_151 = arith.constant 2 : i32
          %mul3A_152 = arith.muli %add3A_131, %mul3A_151 : i32
          %add3A_153 = arith.constant 1 : i32
          %add3A_154 = arith.addi %mul3A_152, %add3A_153 : i32
          %mul3A_155 = arith.constant 2 : i32
          %mul3A_156 = arith.muli %sub3A_132, %mul3A_155 : i32
          %add3A_157 = arith.constant 1 : i32
          %add3A_158 = arith.addi %mul3A_156, %add3A_157 : i32
          %mul3A_159 = arith.constant 64 : i32
          %mul3A_160 = arith.muli %add3A_158, %mul3A_159 : i32
          %dma_start3A_161 = arith.constant 0 : i32
          %dma_start3A_162 = tpu.memref_slice %arg8[%mul3A_160, %dma_start3A_161] : memref<256x128xf32, #tpu.memory_space<vmem>> -> memref<64x128xf32, #tpu.memory_space<vmem>>
          %dma_start3A_163 = arith.constant 0 : i32
          %dma_start3A_164 = tpu.memref_slice %arg6[%add3A_154, %dma_start3A_163] : memref<40x64xi32, #tpu.memory_space<vmem>> -> memref<1x64xi32, #tpu.memory_space<vmem>>
          %dma_start3A_165 = tpu.memref_squeeze %dma_start3A_164 : memref<1x64xi32, #tpu.memory_space<vmem>> -> memref<64xi32, #tpu.memory_space<vmem>>
          %dma_start3A_166 = arith.constant 0 : i32
          %dma_start3A_167 = arith.constant 0 : i32
          %dma_start3A_168 = tpu.memref_slice %arg4[%dma_start3A_166, %dma_start3A_167] : memref<20480x128xf32, #tpu.memory_space<hbm>> -> memref<20480x128xf32, #tpu.memory_space<hbm>>
          tpu.enqueue_indirect_dma source(%dma_start3A_168 : memref<20480x128xf32, #tpu.memory_space<hbm>>) target(%dma_start3A_162 : memref<64x128xf32, #tpu.memory_space<vmem>>) offsets(%dma_start3A_165 : memref<64xi32, #tpu.memory_space<vmem>>) semaphore(%arg10 : memref<!tpu.dma_semaphore, #tpu.memory_space<semaphore_mem>>)
        } else {
        }
        %mul3A_70 = arith.constant 2 : i32
        %mul3A_71 = arith.muli %rem3A_44, %mul3A_70 : i32
        %add3A_72 = arith.constant 0 : i32
        %add3A_73 = arith.addi %mul3A_71, %add3A_72 : i32
        %mul3A_74 = arith.constant 64 : i32
        %mul3A_75 = arith.muli %add3A_73, %mul3A_74 : i32
        %mul3A_76 = arith.constant 2 : i32
        %mul3A_77 = arith.muli %scan3A_43, %mul3A_76 : i32
        %add3A_78 = arith.constant 0 : i32
        %add3A_79 = arith.addi %mul3A_77, %add3A_78 : i32
        %dma_start3A_80 = arith.constant 0 : i32
        %dma_start3A_81 = tpu.memref_slice %arg8[%mul3A_75, %dma_start3A_80] : memref<256x128xf32, #tpu.memory_space<vmem>> -> memref<64x128xf32, #tpu.memory_space<vmem>>
        %dma_start3A_82 = arith.constant 0 : i32
        %dma_start3A_83 = tpu.memref_slice %arg7[%add3A_79, %dma_start3A_82] : memref<40x64xi32, #tpu.memory_space<vmem>> -> memref<1x64xi32, #tpu.memory_space<vmem>>
        %dma_start3A_84 = tpu.memref_squeeze %dma_start3A_83 : memref<1x64xi32, #tpu.memory_space<vmem>> -> memref<64xi32, #tpu.memory_space<vmem>>
        %dma_start3A_85 = arith.constant 0 : i32
        %dma_start3A_86 = arith.constant 0 : i32
        %dma_start3A_87 = tpu.memref_slice %arg9[%dma_start3A_85, %dma_start3A_86] : memref<10240x128xf32, #tpu.memory_space<vmem_shared>> -> memref<10240x128xf32, #tpu.memory_space<vmem_shared>>
        tpu.enqueue_indirect_dma source(%dma_start3A_81 : memref<64x128xf32, #tpu.memory_space<vmem>>) target(%dma_start3A_87 : memref<10240x128xf32, #tpu.memory_space<vmem_shared>>) offsets(%dma_start3A_84 : memref<64xi32, #tpu.memory_space<vmem>>) semaphore(%arg11 : memref<!tpu.dma_semaphore, #tpu.memory_space<semaphore_mem>>) {add = true}
        %mul3A_88 = arith.constant 2 : i32
        %mul3A_89 = arith.muli %rem3A_44, %mul3A_88 : i32
        %add3A_90 = arith.constant 1 : i32
        %add3A_91 = arith.addi %mul3A_89, %add3A_90 : i32
        %mul3A_92 = arith.constant 64 : i32
        %mul3A_93 = arith.muli %add3A_91, %mul3A_92 : i32
        %mul3A_94 = arith.constant 2 : i32
        %mul3A_95 = arith.muli %scan3A_43, %mul3A_94 : i32
        %add3A_96 = arith.constant 1 : i32
        %add3A_97 = arith.addi %mul3A_95, %add3A_96 : i32
        %dma_start3A_98 = arith.constant 0 : i32
        %dma_start3A_99 = tpu.memref_slice %arg8[%mul3A_93, %dma_start3A_98] : memref<256x128xf32, #tpu.memory_space<vmem>> -> memref<64x128xf32, #tpu.memory_space<vmem>>
        %dma_start3A_100 = arith.constant 0 : i32
        %dma_start3A_101 = tpu.memref_slice %arg7[%add3A_97, %dma_start3A_100] : memref<40x64xi32, #tpu.memory_space<vmem>> -> memref<1x64xi32, #tpu.memory_space<vmem>>
        %dma_start3A_102 = tpu.memref_squeeze %dma_start3A_101 : memref<1x64xi32, #tpu.memory_space<vmem>> -> memref<64xi32, #tpu.memory_space<vmem>>
        %dma_start3A_103 = arith.constant 0 : i32
        %dma_start3A_104 = arith.constant 0 : i32
        %dma_start3A_105 = tpu.memref_slice %arg9[%dma_start3A_103, %dma_start3A_104] : memref<10240x128xf32, #tpu.memory_space<vmem_shared>> -> memref<10240x128xf32, #tpu.memory_space<vmem_shared>>
        tpu.enqueue_indirect_dma source(%dma_start3A_99 : memref<64x128xf32, #tpu.memory_space<vmem>>) target(%dma_start3A_105 : memref<10240x128xf32, #tpu.memory_space<vmem_shared>>) offsets(%dma_start3A_102 : memref<64xi32, #tpu.memory_space<vmem>>) semaphore(%arg11 : memref<!tpu.dma_semaphore, #tpu.memory_space<semaphore_mem>>) {add = true}
        %dma_wait3A_106 = arith.constant 0 : i32
        %dma_wait3A_107 = arith.constant 0 : i32
        %dma_wait3A_108 = tpu.memref_slice %arg8[%dma_wait3A_106, %dma_wait3A_107] : memref<256x128xf32, #tpu.memory_space<vmem>> -> memref<64x128xf32, #tpu.memory_space<vmem>>
        %dma_wait3A_109 = arith.constant 0 : i32
        %dma_wait3A_110 = arith.constant 0 : i32
        %dma_wait3A_111 = tpu.memref_slice %arg4[%dma_wait3A_109, %dma_wait3A_110] : memref<20480x128xf32, #tpu.memory_space<hbm>> -> memref<64x128xf32, #tpu.memory_space<hbm>>
        %dma_wait3A_112 = arith.constant 0 : i32
        %dma_wait3A_113 = arith.constant 0 : i32
        %dma_wait3A_114 = tpu.memref_slice %arg8[%dma_wait3A_112, %dma_wait3A_113] : memref<256x128xf32, #tpu.memory_space<vmem>> -> memref<64x128xf32, #tpu.memory_space<vmem>>
        %dma_wait3A_115 = arith.constant 0 : i32
        %dma_wait3A_116 = arith.constant 0 : i32
        %dma_wait3A_117 = tpu.memref_slice %arg4[%dma_wait3A_115, %dma_wait3A_116] : memref<20480x128xf32, #tpu.memory_space<hbm>> -> memref<64x128xf32, #tpu.memory_space<hbm>>
        tpu.wait_dma2 semaphore(%arg11 : memref<!tpu.dma_semaphore, #tpu.memory_space<semaphore_mem>>) src(%dma_wait3A_117 : memref<64x128xf32, #tpu.memory_space<hbm>>) dst(%dma_wait3A_114 : memref<64x128xf32, #tpu.memory_space<vmem>>)
        %dma_wait3A_118 = arith.constant 0 : i32
        %dma_wait3A_119 = arith.constant 0 : i32
        %dma_wait3A_120 = tpu.memref_slice %arg8[%dma_wait3A_118, %dma_wait3A_119] : memref<256x128xf32, #tpu.memory_space<vmem>> -> memref<64x128xf32, #tpu.memory_space<vmem>>
        %dma_wait3A_121 = arith.constant 0 : i32
        %dma_wait3A_122 = arith.constant 0 : i32
        %dma_wait3A_123 = tpu.memref_slice %arg4[%dma_wait3A_121, %dma_wait3A_122] : memref<20480x128xf32, #tpu.memory_space<hbm>> -> memref<64x128xf32, #tpu.memory_space<hbm>>
        %dma_wait3A_124 = arith.constant 0 : i32
        %dma_wait3A_125 = arith.constant 0 : i32
        %dma_wait3A_126 = tpu.memref_slice %arg8[%dma_wait3A_124, %dma_wait3A_125] : memref<256x128xf32, #tpu.memory_space<vmem>> -> memref<64x128xf32, #tpu.memory_space<vmem>>
        %dma_wait3A_127 = arith.constant 0 : i32
        %dma_wait3A_128 = arith.constant 0 : i32
        %dma_wait3A_129 = tpu.memref_slice %arg4[%dma_wait3A_127, %dma_wait3A_128] : memref<20480x128xf32, #tpu.memory_space<hbm>> -> memref<64x128xf32, #tpu.memory_space<hbm>>
        tpu.wait_dma2 semaphore(%arg11 : memref<!tpu.dma_semaphore, #tpu.memory_space<semaphore_mem>>) src(%dma_wait3A_129 : memref<64x128xf32, #tpu.memory_space<hbm>>) dst(%dma_wait3A_126 : memref<64x128xf32, #tpu.memory_space<vmem>>)
      }
      %scan3A_42 = arith.constant 20 : i32
    }
    %scan3A_7 = arith.constant 8 : i32
    %barrier3A_8 = arith.constant 0 : index
    tpu.barrier barrier_id(%barrier3A_8)
    %mul3A_9 = arith.constant 10240 : i32
    %mul3A_10 = arith.muli %arg0, %mul3A_9 : i32
    %add3A_11 = arith.addi %mul3A_10, %mul3A_0 : i32
    "tpu.region"() ({
      %run_scoped3A = tpu.sem_alloc : memref<!tpu.dma_semaphore, #tpu.memory_space<semaphore_mem>>
      %dma_start3A = arith.constant 0 : i32
      %dma_start3A_12 = tpu.memref_slice %arg5[%add3A_11, %dma_start3A] : memref<20480x128xf32, #tpu.memory_space<hbm>> -> memref<640x128xf32, #tpu.memory_space<hbm>>
      %dma_start3A_13 = arith.constant 0 : i32
      %dma_start3A_14 = tpu.memref_slice %arg9[%mul3A_0, %dma_start3A_13] : memref<10240x128xf32, #tpu.memory_space<vmem_shared>> -> memref<640x128xf32, #tpu.memory_space<vmem_shared>>
      tpu.enqueue_dma source(%dma_start3A_14 : memref<640x128xf32, #tpu.memory_space<vmem_shared>>) target(%dma_start3A_12 : memref<640x128xf32, #tpu.memory_space<hbm>>) target_semaphore(%run_scoped3A : memref<!tpu.dma_semaphore, #tpu.memory_space<semaphore_mem>>)
      %dma_wait3A = arith.constant 0 : i32
      %dma_wait3A_15 = tpu.memref_slice %arg5[%add3A_11, %dma_wait3A] : memref<20480x128xf32, #tpu.memory_space<hbm>> -> memref<640x128xf32, #tpu.memory_space<hbm>>
      %dma_wait3A_16 = arith.constant 0 : i32
      %dma_wait3A_17 = tpu.memref_slice %arg9[%mul3A_0, %dma_wait3A_16] : memref<10240x128xf32, #tpu.memory_space<vmem_shared>> -> memref<640x128xf32, #tpu.memory_space<vmem_shared>>
      tpu.wait_dma2 semaphore(%run_scoped3A : memref<!tpu.dma_semaphore, #tpu.memory_space<semaphore_mem>>) src(%dma_wait3A_17 : memref<640x128xf32, #tpu.memory_space<vmem_shared>>) dst(%dma_wait3A_15 : memref<640x128xf32, #tpu.memory_space<hbm>>)
      tpu.yield
    }) : () -> ()
    return
  }
}

#map = affine_map<(d0, d1) -> (0, 0, 0)>
#map1 = affine_map<(d0, d1) -> (0, 0)>
module attributes {stable_mosaic.version = 14 : i64} {
  func.func @_agg_sc_body(%arg0: i32, %arg1: i32, %arg2: memref<2x5120x64xi32, #tpu.memory_space<hbm>>, %arg3: memref<5120x64xi32, #tpu.memory_space<hbm>>, %arg4: memref<20480x128xf32, #tpu.memory_space<hbm>>, %arg5: memref<20480x128xf32, #tpu.memory_space<hbm>>, %arg6: memref<40x64xi32, #tpu.memory_space<vmem>>, %arg7: memref<40x64xi32, #tpu.memory_space<vmem>>, %arg8: memref<256x128xf32, #tpu.memory_space<vmem>>, %arg9: memref<10240x128xf32, #tpu.memory_space<vmem_shared>>, %arg10: memref<!tpu.dma_semaphore, #tpu.memory_space<semaphore_mem>>, %arg11: memref<!tpu.dma_semaphore, #tpu.memory_space<semaphore_mem>>) attributes {dimension_semantics = [#tpu.dimension_semantics<core_parallel>, #tpu.dimension_semantics<subcore_parallel>], iteration_bounds = array<i64: 2, 16>, scalar_prefetch = 0 : i64, scratch_operands = 6 : i64, tpu.core_type = #tpu.core_type<sc_vector_subcore>, window_params = [{transform_indices = #map}, {transform_indices = #map1}, {transform_indices = #map1}, {transform_indices = #map1}]} {
    %mul3A = arith.constant 640 : i32
    %mul3A_0 = arith.muli %arg1, %mul3A : i32
    %mul3A_1 = arith.constant 10240 : i32
    %mul3A_2 = arith.muli %arg0, %mul3A_1 : i32
    %add3A = arith.addi %mul3A_2, %mul3A_0 : i32
    "tpu.region"() ({
      %run_scoped3A = tpu.sem_alloc : memref<!tpu.dma_semaphore, #tpu.memory_space<semaphore_mem>>
      %dma_start3A = arith.constant 0 : i32
      %dma_start3A_12 = tpu.memref_slice %arg9[%mul3A_0, %dma_start3A] : memref<10240x128xf32, #tpu.memory_space<vmem_shared>> -> memref<640x128xf32, #tpu.memory_space<vmem_shared>>
      %dma_start3A_13 = arith.constant 0 : i32
      %dma_start3A_14 = tpu.memref_slice %arg4[%add3A, %dma_start3A_13] : memref<20480x128xf32, #tpu.memory_space<hbm>> -> memref<640x128xf32, #tpu.memory_space<hbm>>
      tpu.enqueue_dma source(%dma_start3A_14 : memref<640x128xf32, #tpu.memory_space<hbm>>) target(%dma_start3A_12 : memref<640x128xf32, #tpu.memory_space<vmem_shared>>) target_semaphore(%run_scoped3A : memref<!tpu.dma_semaphore, #tpu.memory_space<semaphore_mem>>)
      %dma_wait3A = arith.constant 0 : i32
      %dma_wait3A_15 = tpu.memref_slice %arg9[%mul3A_0, %dma_wait3A] : memref<10240x128xf32, #tpu.memory_space<vmem_shared>> -> memref<640x128xf32, #tpu.memory_space<vmem_shared>>
      %dma_wait3A_16 = arith.constant 0 : i32
      %dma_wait3A_17 = tpu.memref_slice %arg4[%add3A, %dma_wait3A_16] : memref<20480x128xf32, #tpu.memory_space<hbm>> -> memref<640x128xf32, #tpu.memory_space<hbm>>
      tpu.wait_dma2 semaphore(%run_scoped3A : memref<!tpu.dma_semaphore, #tpu.memory_space<semaphore_mem>>) src(%dma_wait3A_17 : memref<640x128xf32, #tpu.memory_space<hbm>>) dst(%dma_wait3A_15 : memref<640x128xf32, #tpu.memory_space<vmem_shared>>)
      tpu.yield
    }) : () -> ()
    %barrier3A = arith.constant 0 : index
    tpu.barrier barrier_id(%barrier3A)
    %scan3A = arith.constant 0 : i32
    %scan3A_3 = arith.constant 0 : i32
    %scan3A_4 = arith.constant 8 : i32
    %scan3A_5 = arith.addi %scan3A_3, %scan3A_4 : i32
    %scan3A_6 = arith.constant 1 : i32
    scf.for %scan3A_12 = %scan3A_3 to %scan3A_5 step %scan3A_6  : i32 {
      %mul3A_13 = arith.constant 320 : i32
      %mul3A_14 = arith.muli %arg1, %mul3A_13 : i32
      %mul3A_15 = arith.constant 40 : i32
      %mul3A_16 = arith.muli %scan3A_12, %mul3A_15 : i32
      %add3A_17 = arith.addi %mul3A_14, %mul3A_16 : i32
      "tpu.region"() ({
        %run_scoped3A = tpu.sem_alloc : memref<!tpu.dma_semaphore, #tpu.memory_space<semaphore_mem>>
        %dma_start3A_43 = arith.constant 0 : i32
        %dma_start3A_44 = arith.constant 0 : i32
        %dma_start3A_45 = tpu.memref_slice %arg2[%arg0, %dma_start3A_43, %dma_start3A_44] : memref<2x5120x64xi32, #tpu.memory_space<hbm>> -> memref<1x5120x64xi32, #tpu.memory_space<hbm>>
        %dma_start3A_46 = tpu.memref_squeeze %dma_start3A_45 : memref<1x5120x64xi32, #tpu.memory_space<hbm>> -> memref<5120x64xi32, #tpu.memory_space<hbm>>
        %dma_start3A_47 = arith.constant 0 : i32
        %dma_start3A_48 = tpu.memref_slice %dma_start3A_46[%add3A_17, %dma_start3A_47] : memref<5120x64xi32, #tpu.memory_space<hbm>> -> memref<40x64xi32, #tpu.memory_space<hbm>>
        %dma_start3A_49 = arith.constant 0 : i32
        %dma_start3A_50 = arith.constant 0 : i32
        %dma_start3A_51 = tpu.memref_slice %arg2[%arg0, %dma_start3A_49, %dma_start3A_50] : memref<2x5120x64xi32, #tpu.memory_space<hbm>> -> memref<1x5120x64xi32, #tpu.memory_space<hbm>>
        %dma_start3A_52 = tpu.memref_squeeze %dma_start3A_51 : memref<1x5120x64xi32, #tpu.memory_space<hbm>> -> memref<5120x64xi32, #tpu.memory_space<hbm>>
        %dma_start3A_53 = arith.constant 0 : i32
        %dma_start3A_54 = tpu.memref_slice %dma_start3A_52[%add3A_17, %dma_start3A_53] : memref<5120x64xi32, #tpu.memory_space<hbm>> -> memref<40x64xi32, #tpu.memory_space<hbm>>
        tpu.enqueue_dma source(%dma_start3A_54 : memref<40x64xi32, #tpu.memory_space<hbm>>) target(%arg6 : memref<40x64xi32, #tpu.memory_space<vmem>>) target_semaphore(%run_scoped3A : memref<!tpu.dma_semaphore, #tpu.memory_space<semaphore_mem>>)
        %dma_wait3A = arith.constant 0 : i32
        %dma_wait3A_55 = arith.constant 0 : i32
        %dma_wait3A_56 = tpu.memref_slice %arg2[%arg0, %dma_wait3A, %dma_wait3A_55] : memref<2x5120x64xi32, #tpu.memory_space<hbm>> -> memref<1x5120x64xi32, #tpu.memory_space<hbm>>
        %dma_wait3A_57 = tpu.memref_squeeze %dma_wait3A_56 : memref<1x5120x64xi32, #tpu.memory_space<hbm>> -> memref<5120x64xi32, #tpu.memory_space<hbm>>
        %dma_wait3A_58 = arith.constant 0 : i32
        %dma_wait3A_59 = tpu.memref_slice %dma_wait3A_57[%add3A_17, %dma_wait3A_58] : memref<5120x64xi32, #tpu.memory_space<hbm>> -> memref<40x64xi32, #tpu.memory_space<hbm>>
        %dma_wait3A_60 = arith.constant 0 : i32
        %dma_wait3A_61 = arith.constant 0 : i32
        %dma_wait3A_62 = tpu.memref_slice %arg2[%arg0, %dma_wait3A_60, %dma_wait3A_61] : memref<2x5120x64xi32, #tpu.memory_space<hbm>> -> memref<1x5120x64xi32, #tpu.memory_space<hbm>>
        %dma_wait3A_63 = tpu.memref_squeeze %dma_wait3A_62 : memref<1x5120x64xi32, #tpu.memory_space<hbm>> -> memref<5120x64xi32, #tpu.memory_space<hbm>>
        %dma_wait3A_64 = arith.constant 0 : i32
        %dma_wait3A_65 = tpu.memref_slice %dma_wait3A_63[%add3A_17, %dma_wait3A_64] : memref<5120x64xi32, #tpu.memory_space<hbm>> -> memref<40x64xi32, #tpu.memory_space<hbm>>
        tpu.wait_dma2 semaphore(%run_scoped3A : memref<!tpu.dma_semaphore, #tpu.memory_space<semaphore_mem>>) src(%dma_wait3A_65 : memref<40x64xi32, #tpu.memory_space<hbm>>) dst(%arg6 : memref<40x64xi32, #tpu.memory_space<vmem>>)
        tpu.yield
      }) : () -> ()
      "tpu.region"() ({
        %run_scoped3A = tpu.sem_alloc : memref<!tpu.dma_semaphore, #tpu.memory_space<semaphore_mem>>
        %dma_start3A_43 = arith.constant 0 : i32
        %dma_start3A_44 = tpu.memref_slice %arg3[%add3A_17, %dma_start3A_43] : memref<5120x64xi32, #tpu.memory_space<hbm>> -> memref<40x64xi32, #tpu.memory_space<hbm>>
        %dma_start3A_45 = arith.constant 0 : i32
        %dma_start3A_46 = tpu.memref_slice %arg3[%add3A_17, %dma_start3A_45] : memref<5120x64xi32, #tpu.memory_space<hbm>> -> memref<40x64xi32, #tpu.memory_space<hbm>>
        tpu.enqueue_dma source(%dma_start3A_46 : memref<40x64xi32, #tpu.memory_space<hbm>>) target(%arg7 : memref<40x64xi32, #tpu.memory_space<vmem>>) target_semaphore(%run_scoped3A : memref<!tpu.dma_semaphore, #tpu.memory_space<semaphore_mem>>)
        %dma_wait3A = arith.constant 0 : i32
        %dma_wait3A_47 = tpu.memref_slice %arg3[%add3A_17, %dma_wait3A] : memref<5120x64xi32, #tpu.memory_space<hbm>> -> memref<40x64xi32, #tpu.memory_space<hbm>>
        %dma_wait3A_48 = arith.constant 0 : i32
        %dma_wait3A_49 = tpu.memref_slice %arg3[%add3A_17, %dma_wait3A_48] : memref<5120x64xi32, #tpu.memory_space<hbm>> -> memref<40x64xi32, #tpu.memory_space<hbm>>
        tpu.wait_dma2 semaphore(%run_scoped3A : memref<!tpu.dma_semaphore, #tpu.memory_space<semaphore_mem>>) src(%dma_wait3A_49 : memref<40x64xi32, #tpu.memory_space<hbm>>) dst(%arg7 : memref<40x64xi32, #tpu.memory_space<vmem>>)
        tpu.yield
      }) : () -> ()
      %dma_start3A = arith.constant 0 : i32
      %dma_start3A_18 = arith.constant 0 : i32
      %dma_start3A_19 = arith.constant 0 : i32
      %dma_start3A_20 = tpu.memref_slice %arg8[%dma_start3A_18, %dma_start3A_19] : memref<256x128xf32, #tpu.memory_space<vmem>> -> memref<64x128xf32, #tpu.memory_space<vmem>>
      %dma_start3A_21 = arith.constant 0 : i32
      %dma_start3A_22 = tpu.memref_slice %arg6[%dma_start3A, %dma_start3A_21] : memref<40x64xi32, #tpu.memory_space<vmem>> -> memref<1x64xi32, #tpu.memory_space<vmem>>
      %dma_start3A_23 = tpu.memref_squeeze %dma_start3A_22 : memref<1x64xi32, #tpu.memory_space<vmem>> -> memref<64xi32, #tpu.memory_space<vmem>>
      %dma_start3A_24 = arith.constant 0 : i32
      %dma_start3A_25 = arith.constant 0 : i32
      %dma_start3A_26 = tpu.memref_slice %arg4[%dma_start3A_24, %dma_start3A_25] : memref<20480x128xf32, #tpu.memory_space<hbm>> -> memref<20480x128xf32, #tpu.memory_space<hbm>>
      tpu.enqueue_indirect_dma source(%dma_start3A_26 : memref<20480x128xf32, #tpu.memory_space<hbm>>) target(%dma_start3A_20 : memref<64x128xf32, #tpu.memory_space<vmem>>) offsets(%dma_start3A_23 : memref<64xi32, #tpu.memory_space<vmem>>) semaphore(%arg10 : memref<!tpu.dma_semaphore, #tpu.memory_space<semaphore_mem>>)
      %dma_start3A_27 = arith.constant 1 : i32
      %dma_start3A_28 = arith.constant 64 : i32
      %dma_start3A_29 = arith.constant 0 : i32
      %dma_start3A_30 = tpu.memref_slice %arg8[%dma_start3A_28, %dma_start3A_29] : memref<256x128xf32, #tpu.memory_space<vmem>> -> memref<64x128xf32, #tpu.memory_space<vmem>>
      %dma_start3A_31 = arith.constant 0 : i32
      %dma_start3A_32 = tpu.memref_slice %arg6[%dma_start3A_27, %dma_start3A_31] : memref<40x64xi32, #tpu.memory_space<vmem>> -> memref<1x64xi32, #tpu.memory_space<vmem>>
      %dma_start3A_33 = tpu.memref_squeeze %dma_start3A_32 : memref<1x64xi32, #tpu.memory_space<vmem>> -> memref<64xi32, #tpu.memory_space<vmem>>
      %dma_start3A_34 = arith.constant 0 : i32
      %dma_start3A_35 = arith.constant 0 : i32
      %dma_start3A_36 = tpu.memref_slice %arg4[%dma_start3A_34, %dma_start3A_35] : memref<20480x128xf32, #tpu.memory_space<hbm>> -> memref<20480x128xf32, #tpu.memory_space<hbm>>
      tpu.enqueue_indirect_dma source(%dma_start3A_36 : memref<20480x128xf32, #tpu.memory_space<hbm>>) target(%dma_start3A_30 : memref<64x128xf32, #tpu.memory_space<vmem>>) offsets(%dma_start3A_33 : memref<64xi32, #tpu.memory_space<vmem>>) semaphore(%arg10 : memref<!tpu.dma_semaphore, #tpu.memory_space<semaphore_mem>>)
      %scan3A_37 = arith.constant 0 : i32
      %scan3A_38 = arith.constant 0 : i32
      %scan3A_39 = arith.constant 20 : i32
      %scan3A_40 = arith.addi %scan3A_38, %scan3A_39 : i32
      %scan3A_41 = arith.constant 1 : i32
      scf.for %scan3A_43 = %scan3A_38 to %scan3A_40 step %scan3A_41  : i32 {
        %rem3A = arith.constant 2 : i32
        %rem3A_44 = arith.remsi %scan3A_43, %rem3A : i32
        %dma_wait3A = arith.constant 0 : i32
        %dma_wait3A_45 = arith.constant 0 : i32
        %dma_wait3A_46 = tpu.memref_slice %arg8[%dma_wait3A, %dma_wait3A_45] : memref<256x128xf32, #tpu.memory_space<vmem>> -> memref<64x128xf32, #tpu.memory_space<vmem>>
        %dma_wait3A_47 = arith.constant 0 : i32
        %dma_wait3A_48 = arith.constant 0 : i32
        %dma_wait3A_49 = tpu.memref_slice %arg4[%dma_wait3A_47, %dma_wait3A_48] : memref<20480x128xf32, #tpu.memory_space<hbm>> -> memref<64x128xf32, #tpu.memory_space<hbm>>
        %dma_wait3A_50 = arith.constant 0 : i32
        %dma_wait3A_51 = arith.constant 0 : i32
        %dma_wait3A_52 = tpu.memref_slice %arg8[%dma_wait3A_50, %dma_wait3A_51] : memref<256x128xf32, #tpu.memory_space<vmem>> -> memref<64x128xf32, #tpu.memory_space<vmem>>
        %dma_wait3A_53 = arith.constant 0 : i32
        %dma_wait3A_54 = arith.constant 0 : i32
        %dma_wait3A_55 = tpu.memref_slice %arg4[%dma_wait3A_53, %dma_wait3A_54] : memref<20480x128xf32, #tpu.memory_space<hbm>> -> memref<64x128xf32, #tpu.memory_space<hbm>>
        tpu.wait_dma2 semaphore(%arg10 : memref<!tpu.dma_semaphore, #tpu.memory_space<semaphore_mem>>) src(%dma_wait3A_55 : memref<64x128xf32, #tpu.memory_space<hbm>>) dst(%dma_wait3A_52 : memref<64x128xf32, #tpu.memory_space<vmem>>)
        %dma_wait3A_56 = arith.constant 0 : i32
        %dma_wait3A_57 = arith.constant 0 : i32
        %dma_wait3A_58 = tpu.memref_slice %arg8[%dma_wait3A_56, %dma_wait3A_57] : memref<256x128xf32, #tpu.memory_space<vmem>> -> memref<64x128xf32, #tpu.memory_space<vmem>>
        %dma_wait3A_59 = arith.constant 0 : i32
        %dma_wait3A_60 = arith.constant 0 : i32
        %dma_wait3A_61 = tpu.memref_slice %arg4[%dma_wait3A_59, %dma_wait3A_60] : memref<20480x128xf32, #tpu.memory_space<hbm>> -> memref<64x128xf32, #tpu.memory_space<hbm>>
        %dma_wait3A_62 = arith.constant 0 : i32
        %dma_wait3A_63 = arith.constant 0 : i32
        %dma_wait3A_64 = tpu.memref_slice %arg8[%dma_wait3A_62, %dma_wait3A_63] : memref<256x128xf32, #tpu.memory_space<vmem>> -> memref<64x128xf32, #tpu.memory_space<vmem>>
        %dma_wait3A_65 = arith.constant 0 : i32
        %dma_wait3A_66 = arith.constant 0 : i32
        %dma_wait3A_67 = tpu.memref_slice %arg4[%dma_wait3A_65, %dma_wait3A_66] : memref<20480x128xf32, #tpu.memory_space<hbm>> -> memref<64x128xf32, #tpu.memory_space<hbm>>
        tpu.wait_dma2 semaphore(%arg10 : memref<!tpu.dma_semaphore, #tpu.memory_space<semaphore_mem>>) src(%dma_wait3A_67 : memref<64x128xf32, #tpu.memory_space<hbm>>) dst(%dma_wait3A_64 : memref<64x128xf32, #tpu.memory_space<vmem>>)
        %lt3A = arith.constant 19 : i32
        %lt3A_68 = arith.cmpi slt, %scan3A_43, %lt3A : i32
        %convert_element_type3A = arith.extui %lt3A_68 : i1 to i32
        %cond3A = arith.constant 0 : i32
        %cond3A_69 = arith.cmpi ne, %convert_element_type3A, %cond3A : i32
        scf.if %cond3A_69 {
          %add3A_130 = arith.constant 1 : i32
          %add3A_131 = arith.addi %scan3A_43, %add3A_130 : i32
          %sub3A = arith.constant 1 : i32
          %sub3A_132 = arith.subi %sub3A, %rem3A_44 : i32
          %mul3A_133 = arith.constant 2 : i32
          %mul3A_134 = arith.muli %add3A_131, %mul3A_133 : i32
          %add3A_135 = arith.constant 0 : i32
          %add3A_136 = arith.addi %mul3A_134, %add3A_135 : i32
          %mul3A_137 = arith.constant 2 : i32
          %mul3A_138 = arith.muli %sub3A_132, %mul3A_137 : i32
          %add3A_139 = arith.constant 0 : i32
          %add3A_140 = arith.addi %mul3A_138, %add3A_139 : i32
          %mul3A_141 = arith.constant 64 : i32
          %mul3A_142 = arith.muli %add3A_140, %mul3A_141 : i32
          %dma_start3A_143 = arith.constant 0 : i32
          %dma_start3A_144 = tpu.memref_slice %arg8[%mul3A_142, %dma_start3A_143] : memref<256x128xf32, #tpu.memory_space<vmem>> -> memref<64x128xf32, #tpu.memory_space<vmem>>
          %dma_start3A_145 = arith.constant 0 : i32
          %dma_start3A_146 = tpu.memref_slice %arg6[%add3A_136, %dma_start3A_145] : memref<40x64xi32, #tpu.memory_space<vmem>> -> memref<1x64xi32, #tpu.memory_space<vmem>>
          %dma_start3A_147 = tpu.memref_squeeze %dma_start3A_146 : memref<1x64xi32, #tpu.memory_space<vmem>> -> memref<64xi32, #tpu.memory_space<vmem>>
          %dma_start3A_148 = arith.constant 0 : i32
          %dma_start3A_149 = arith.constant 0 : i32
          %dma_start3A_150 = tpu.memref_slice %arg4[%dma_start3A_148, %dma_start3A_149] : memref<20480x128xf32, #tpu.memory_space<hbm>> -> memref<20480x128xf32, #tpu.memory_space<hbm>>
          tpu.enqueue_indirect_dma source(%dma_start3A_150 : memref<20480x128xf32, #tpu.memory_space<hbm>>) target(%dma_start3A_144 : memref<64x128xf32, #tpu.memory_space<vmem>>) offsets(%dma_start3A_147 : memref<64xi32, #tpu.memory_space<vmem>>) semaphore(%arg10 : memref<!tpu.dma_semaphore, #tpu.memory_space<semaphore_mem>>)
          %mul3A_151 = arith.constant 2 : i32
          %mul3A_152 = arith.muli %add3A_131, %mul3A_151 : i32
          %add3A_153 = arith.constant 1 : i32
          %add3A_154 = arith.addi %mul3A_152, %add3A_153 : i32
          %mul3A_155 = arith.constant 2 : i32
          %mul3A_156 = arith.muli %sub3A_132, %mul3A_155 : i32
          %add3A_157 = arith.constant 1 : i32
          %add3A_158 = arith.addi %mul3A_156, %add3A_157 : i32
          %mul3A_159 = arith.constant 64 : i32
          %mul3A_160 = arith.muli %add3A_158, %mul3A_159 : i32
          %dma_start3A_161 = arith.constant 0 : i32
          %dma_start3A_162 = tpu.memref_slice %arg8[%mul3A_160, %dma_start3A_161] : memref<256x128xf32, #tpu.memory_space<vmem>> -> memref<64x128xf32, #tpu.memory_space<vmem>>
          %dma_start3A_163 = arith.constant 0 : i32
          %dma_start3A_164 = tpu.memref_slice %arg6[%add3A_154, %dma_start3A_163] : memref<40x64xi32, #tpu.memory_space<vmem>> -> memref<1x64xi32, #tpu.memory_space<vmem>>
          %dma_start3A_165 = tpu.memref_squeeze %dma_start3A_164 : memref<1x64xi32, #tpu.memory_space<vmem>> -> memref<64xi32, #tpu.memory_space<vmem>>
          %dma_start3A_166 = arith.constant 0 : i32
          %dma_start3A_167 = arith.constant 0 : i32
          %dma_start3A_168 = tpu.memref_slice %arg4[%dma_start3A_166, %dma_start3A_167] : memref<20480x128xf32, #tpu.memory_space<hbm>> -> memref<20480x128xf32, #tpu.memory_space<hbm>>
          tpu.enqueue_indirect_dma source(%dma_start3A_168 : memref<20480x128xf32, #tpu.memory_space<hbm>>) target(%dma_start3A_162 : memref<64x128xf32, #tpu.memory_space<vmem>>) offsets(%dma_start3A_165 : memref<64xi32, #tpu.memory_space<vmem>>) semaphore(%arg10 : memref<!tpu.dma_semaphore, #tpu.memory_space<semaphore_mem>>)
        } else {
        }
        %mul3A_70 = arith.constant 2 : i32
        %mul3A_71 = arith.muli %rem3A_44, %mul3A_70 : i32
        %add3A_72 = arith.constant 0 : i32
        %add3A_73 = arith.addi %mul3A_71, %add3A_72 : i32
        %mul3A_74 = arith.constant 64 : i32
        %mul3A_75 = arith.muli %add3A_73, %mul3A_74 : i32
        %mul3A_76 = arith.constant 2 : i32
        %mul3A_77 = arith.muli %scan3A_43, %mul3A_76 : i32
        %add3A_78 = arith.constant 0 : i32
        %add3A_79 = arith.addi %mul3A_77, %add3A_78 : i32
        %dma_start3A_80 = arith.constant 0 : i32
        %dma_start3A_81 = tpu.memref_slice %arg8[%mul3A_75, %dma_start3A_80] : memref<256x128xf32, #tpu.memory_space<vmem>> -> memref<64x128xf32, #tpu.memory_space<vmem>>
        %dma_start3A_82 = arith.constant 0 : i32
        %dma_start3A_83 = tpu.memref_slice %arg7[%add3A_79, %dma_start3A_82] : memref<40x64xi32, #tpu.memory_space<vmem>> -> memref<1x64xi32, #tpu.memory_space<vmem>>
        %dma_start3A_84 = tpu.memref_squeeze %dma_start3A_83 : memref<1x64xi32, #tpu.memory_space<vmem>> -> memref<64xi32, #tpu.memory_space<vmem>>
        %dma_start3A_85 = arith.constant 0 : i32
        %dma_start3A_86 = arith.constant 0 : i32
        %dma_start3A_87 = tpu.memref_slice %arg9[%dma_start3A_85, %dma_start3A_86] : memref<10240x128xf32, #tpu.memory_space<vmem_shared>> -> memref<10240x128xf32, #tpu.memory_space<vmem_shared>>
        tpu.enqueue_indirect_dma source(%dma_start3A_81 : memref<64x128xf32, #tpu.memory_space<vmem>>) target(%dma_start3A_87 : memref<10240x128xf32, #tpu.memory_space<vmem_shared>>) offsets(%dma_start3A_84 : memref<64xi32, #tpu.memory_space<vmem>>) semaphore(%arg11 : memref<!tpu.dma_semaphore, #tpu.memory_space<semaphore_mem>>) {add = true}
        %mul3A_88 = arith.constant 2 : i32
        %mul3A_89 = arith.muli %rem3A_44, %mul3A_88 : i32
        %add3A_90 = arith.constant 1 : i32
        %add3A_91 = arith.addi %mul3A_89, %add3A_90 : i32
        %mul3A_92 = arith.constant 64 : i32
        %mul3A_93 = arith.muli %add3A_91, %mul3A_92 : i32
        %mul3A_94 = arith.constant 2 : i32
        %mul3A_95 = arith.muli %scan3A_43, %mul3A_94 : i32
        %add3A_96 = arith.constant 1 : i32
        %add3A_97 = arith.addi %mul3A_95, %add3A_96 : i32
        %dma_start3A_98 = arith.constant 0 : i32
        %dma_start3A_99 = tpu.memref_slice %arg8[%mul3A_93, %dma_start3A_98] : memref<256x128xf32, #tpu.memory_space<vmem>> -> memref<64x128xf32, #tpu.memory_space<vmem>>
        %dma_start3A_100 = arith.constant 0 : i32
        %dma_start3A_101 = tpu.memref_slice %arg7[%add3A_97, %dma_start3A_100] : memref<40x64xi32, #tpu.memory_space<vmem>> -> memref<1x64xi32, #tpu.memory_space<vmem>>
        %dma_start3A_102 = tpu.memref_squeeze %dma_start3A_101 : memref<1x64xi32, #tpu.memory_space<vmem>> -> memref<64xi32, #tpu.memory_space<vmem>>
        %dma_start3A_103 = arith.constant 0 : i32
        %dma_start3A_104 = arith.constant 0 : i32
        %dma_start3A_105 = tpu.memref_slice %arg9[%dma_start3A_103, %dma_start3A_104] : memref<10240x128xf32, #tpu.memory_space<vmem_shared>> -> memref<10240x128xf32, #tpu.memory_space<vmem_shared>>
        tpu.enqueue_indirect_dma source(%dma_start3A_99 : memref<64x128xf32, #tpu.memory_space<vmem>>) target(%dma_start3A_105 : memref<10240x128xf32, #tpu.memory_space<vmem_shared>>) offsets(%dma_start3A_102 : memref<64xi32, #tpu.memory_space<vmem>>) semaphore(%arg11 : memref<!tpu.dma_semaphore, #tpu.memory_space<semaphore_mem>>) {add = true}
        %dma_wait3A_106 = arith.constant 0 : i32
        %dma_wait3A_107 = arith.constant 0 : i32
        %dma_wait3A_108 = tpu.memref_slice %arg8[%dma_wait3A_106, %dma_wait3A_107] : memref<256x128xf32, #tpu.memory_space<vmem>> -> memref<64x128xf32, #tpu.memory_space<vmem>>
        %dma_wait3A_109 = arith.constant 0 : i32
        %dma_wait3A_110 = arith.constant 0 : i32
        %dma_wait3A_111 = tpu.memref_slice %arg4[%dma_wait3A_109, %dma_wait3A_110] : memref<20480x128xf32, #tpu.memory_space<hbm>> -> memref<64x128xf32, #tpu.memory_space<hbm>>
        %dma_wait3A_112 = arith.constant 0 : i32
        %dma_wait3A_113 = arith.constant 0 : i32
        %dma_wait3A_114 = tpu.memref_slice %arg8[%dma_wait3A_112, %dma_wait3A_113] : memref<256x128xf32, #tpu.memory_space<vmem>> -> memref<64x128xf32, #tpu.memory_space<vmem>>
        %dma_wait3A_115 = arith.constant 0 : i32
        %dma_wait3A_116 = arith.constant 0 : i32
        %dma_wait3A_117 = tpu.memref_slice %arg4[%dma_wait3A_115, %dma_wait3A_116] : memref<20480x128xf32, #tpu.memory_space<hbm>> -> memref<64x128xf32, #tpu.memory_space<hbm>>
        tpu.wait_dma2 semaphore(%arg11 : memref<!tpu.dma_semaphore, #tpu.memory_space<semaphore_mem>>) src(%dma_wait3A_117 : memref<64x128xf32, #tpu.memory_space<hbm>>) dst(%dma_wait3A_114 : memref<64x128xf32, #tpu.memory_space<vmem>>)
        %dma_wait3A_118 = arith.constant 0 : i32
        %dma_wait3A_119 = arith.constant 0 : i32
        %dma_wait3A_120 = tpu.memref_slice %arg8[%dma_wait3A_118, %dma_wait3A_119] : memref<256x128xf32, #tpu.memory_space<vmem>> -> memref<64x128xf32, #tpu.memory_space<vmem>>
        %dma_wait3A_121 = arith.constant 0 : i32
        %dma_wait3A_122 = arith.constant 0 : i32
        %dma_wait3A_123 = tpu.memref_slice %arg4[%dma_wait3A_121, %dma_wait3A_122] : memref<20480x128xf32, #tpu.memory_space<hbm>> -> memref<64x128xf32, #tpu.memory_space<hbm>>
        %dma_wait3A_124 = arith.constant 0 : i32
        %dma_wait3A_125 = arith.constant 0 : i32
        %dma_wait3A_126 = tpu.memref_slice %arg8[%dma_wait3A_124, %dma_wait3A_125] : memref<256x128xf32, #tpu.memory_space<vmem>> -> memref<64x128xf32, #tpu.memory_space<vmem>>
        %dma_wait3A_127 = arith.constant 0 : i32
        %dma_wait3A_128 = arith.constant 0 : i32
        %dma_wait3A_129 = tpu.memref_slice %arg4[%dma_wait3A_127, %dma_wait3A_128] : memref<20480x128xf32, #tpu.memory_space<hbm>> -> memref<64x128xf32, #tpu.memory_space<hbm>>
        tpu.wait_dma2 semaphore(%arg11 : memref<!tpu.dma_semaphore, #tpu.memory_space<semaphore_mem>>) src(%dma_wait3A_129 : memref<64x128xf32, #tpu.memory_space<hbm>>) dst(%dma_wait3A_126 : memref<64x128xf32, #tpu.memory_space<vmem>>)
      }
      %scan3A_42 = arith.constant 20 : i32
    }
    %scan3A_7 = arith.constant 8 : i32
    %barrier3A_8 = arith.constant 0 : index
    tpu.barrier barrier_id(%barrier3A_8)
    %mul3A_9 = arith.constant 10240 : i32
    %mul3A_10 = arith.muli %arg0, %mul3A_9 : i32
    %add3A_11 = arith.addi %mul3A_10, %mul3A_0 : i32
    "tpu.region"() ({
      %run_scoped3A = tpu.sem_alloc : memref<!tpu.dma_semaphore, #tpu.memory_space<semaphore_mem>>
      %dma_start3A = arith.constant 0 : i32
      %dma_start3A_12 = tpu.memref_slice %arg5[%add3A_11, %dma_start3A] : memref<20480x128xf32, #tpu.memory_space<hbm>> -> memref<640x128xf32, #tpu.memory_space<hbm>>
      %dma_start3A_13 = arith.constant 0 : i32
      %dma_start3A_14 = tpu.memref_slice %arg9[%mul3A_0, %dma_start3A_13] : memref<10240x128xf32, #tpu.memory_space<vmem_shared>> -> memref<640x128xf32, #tpu.memory_space<vmem_shared>>
      tpu.enqueue_dma source(%dma_start3A_14 : memref<640x128xf32, #tpu.memory_space<vmem_shared>>) target(%dma_start3A_12 : memref<640x128xf32, #tpu.memory_space<hbm>>) target_semaphore(%run_scoped3A : memref<!tpu.dma_semaphore, #tpu.memory_space<semaphore_mem>>)
      %dma_wait3A = arith.constant 0 : i32
      %dma_wait3A_15 = tpu.memref_slice %arg5[%add3A_11, %dma_wait3A] : memref<20480x128xf32, #tpu.memory_space<hbm>> -> memref<640x128xf32, #tpu.memory_space<hbm>>
      %dma_wait3A_16 = arith.constant 0 : i32
      %dma_wait3A_17 = tpu.memref_slice %arg9[%mul3A_0, %dma_wait3A_16] : memref<10240x128xf32, #tpu.memory_space<vmem_shared>> -> memref<640x128xf32, #tpu.memory_space<vmem_shared>>
      tpu.wait_dma2 semaphore(%run_scoped3A : memref<!tpu.dma_semaphore, #tpu.memory_space<semaphore_mem>>) src(%dma_wait3A_17 : memref<640x128xf32, #tpu.memory_space<vmem_shared>>) dst(%dma_wait3A_15 : memref<640x128xf32, #tpu.memory_space<hbm>>)
      tpu.yield
    }) : () -> ()
    return
  }
}

module attributes {stable_mosaic.version = 14 : i64} {
  func.func @_in_body(%arg0: i32, %arg1: memref<1000x128xf32, #tpu.memory_space<vmem>>, %arg2: memref<128x256xf32, #tpu.memory_space<vmem>>, %arg3: memref<1x256xf32, #tpu.memory_space<vmem>>, %arg4: memref<1000x256xf32, #tpu.memory_space<vmem>>) attributes {dimension_semantics = [#tpu.dimension_semantics<arbitrary>], iteration_bounds = array<i64: 10>, scalar_prefetch = 0 : i64, scratch_operands = 0 : i64, tpu.core_type = #tpu.core_type<tc>, window_params = [{transform_indices = @transform_0, window_bounds = array<i64: 1000, 128>}, {pipeline_mode = #tpu.pipeline_mode<synchronous>, transform_indices = @transform_1, window_bounds = array<i64: 128, 256>}, {pipeline_mode = #tpu.pipeline_mode<synchronous>, transform_indices = @transform_2, window_bounds = array<i64: 1, 256>}, {transform_indices = @transform_3, window_bounds = array<i64: 1000, 256>}]} {
    %get3A = arith.constant 0 : index
    %get3A_0 = arith.constant 0 : index
    %get3A_1 = vector.load %arg1[%get3A, %get3A_0] : memref<1000x128xf32, #tpu.memory_space<vmem>>, vector<1000x128xf32>
    %get3A_2 = arith.constant 0 : index
    %get3A_3 = arith.constant 0 : index
    %get3A_4 = vector.load %arg2[%get3A_2, %get3A_3] : memref<128x256xf32, #tpu.memory_space<vmem>>, vector<128x256xf32>
    %dot_general3A = arith.constant dense<0.000000e+00> : vector<1000x256xf32>
    %dot_general3A_5 = tpu.matmul %get3A_1, %get3A_4, %dot_general3A {dimension_numbers = #tpu.dot_dimension_numbers<[1], [0], [0], [1], [0, 0, 1, 1], [], []>, transpose_lhs_hint = false} : vector<1000x128xf32>, vector<128x256xf32>, vector<1000x256xf32> -> vector<1000x256xf32>
    %get3A_6 = arith.constant 0 : index
    %get3A_7 = arith.constant 0 : index
    %get3A_8 = vector.load %arg3[%get3A_6, %get3A_7] : memref<1x256xf32, #tpu.memory_space<vmem>>, vector<1x256xf32>
    %add3A = vector.broadcast %get3A_8 : vector<1x256xf32> to vector<1000x256xf32>
    %add3A_9 = arith.addf %dot_general3A_5, %add3A : vector<1000x256xf32>
    %mul3A = arith.constant 5.000000e-01 : f32
    %mul3A_10 = vector.broadcast %mul3A : f32 to vector<1000x256xf32>
    %mul3A_11 = arith.mulf %mul3A_10, %add3A_9 : vector<1000x256xf32>
    %mul3A_12 = arith.constant 0.707106769 : f32
    %mul3A_13 = vector.broadcast %mul3A_12 : f32 to vector<1000x256xf32>
    %mul3A_14 = arith.mulf %add3A_9, %mul3A_13 : vector<1000x256xf32>
    %erf3A = math.erf %mul3A_14 : vector<1000x256xf32>
    %add3A_15 = arith.constant 1.000000e+00 : f32
    %add3A_16 = vector.broadcast %add3A_15 : f32 to vector<1000x256xf32>
    %add3A_17 = arith.addf %add3A_16, %erf3A : vector<1000x256xf32>
    %mul3A_18 = arith.mulf %mul3A_11, %add3A_17 : vector<1000x256xf32>
    %swap3A = arith.constant 0 : index
    %swap3A_19 = arith.constant 0 : index
    %swap3A_20 = vector.load %arg4[%swap3A, %swap3A_19] : memref<1000x256xf32, #tpu.memory_space<vmem>>, vector<1000x256xf32>
    tpu.vector_store %arg4[%swap3A, %swap3A_19], %mul3A_18 {strides = array<i32>} : memref<1000x256xf32, #tpu.memory_space<vmem>>, vector<1000x256xf32>,
    return
  }
  func.func @transform_0(%arg0: i32) -> (i32, i32) {
    %c0_i32 = arith.constant 0 : i32
    %c0_i32_0 = arith.constant 0 : i32
    return %arg0, %c0_i32 : i32, i32
  }
  func.func @transform_1(%arg0: i32) -> (i32, i32) {
    %c0_i32 = arith.constant 0 : i32
    %c0_i32_0 = arith.constant 0 : i32
    %c0_i32_1 = arith.constant 0 : i32
    return %c0_i32, %c0_i32_0 : i32, i32
  }
  func.func @transform_2(%arg0: i32) -> (i32, i32) {
    %c0_i32 = arith.constant 0 : i32
    %c0_i32_0 = arith.constant 0 : i32
    %c0_i32_1 = arith.constant 0 : i32
    return %c0_i32, %c0_i32_0 : i32, i32
  }
  func.func @transform_3(%arg0: i32) -> (i32, i32) {
    %c0_i32 = arith.constant 0 : i32
    %c0_i32_0 = arith.constant 0 : i32
    return %arg0, %c0_i32 : i32, i32
  }
}

module attributes {stable_mosaic.version = 14 : i64} {
  func.func @_a_body(%arg0: i32, %arg1: memref<1000x256xf32, #tpu.memory_space<vmem>>, %arg2: memref<1x256xf32, #tpu.memory_space<vmem>>, %arg3: memref<1x256xf32, #tpu.memory_space<vmem>>, %arg4: memref<256x256xf32, #tpu.memory_space<vmem>>, %arg5: memref<2x1000x128xf32, #tpu.memory_space<vmem>>, %arg6: memref<2x1000x128xf32, #tpu.memory_space<vmem>>) attributes {dimension_semantics = [#tpu.dimension_semantics<arbitrary>], iteration_bounds = array<i64: 10>, scalar_prefetch = 0 : i64, scratch_operands = 0 : i64, tpu.core_type = #tpu.core_type<tc>, window_params = [{transform_indices = @transform_0, window_bounds = array<i64: 1000, 256>}, {pipeline_mode = #tpu.pipeline_mode<synchronous>, transform_indices = @transform_1, window_bounds = array<i64: 1, 256>}, {pipeline_mode = #tpu.pipeline_mode<synchronous>, transform_indices = @transform_2, window_bounds = array<i64: 1, 256>}, {pipeline_mode = #tpu.pipeline_mode<synchronous>, transform_indices = @transform_3, window_bounds = array<i64: 256, 256>}, {transform_indices = @transform_4, window_bounds = array<i64: 2, 1000, 128>}, {transform_indices = @transform_5, window_bounds = array<i64: 2, 1000, 128>}]} {
    %get3A = arith.constant 0 : index
    %get3A_0 = arith.constant 0 : index
    %get3A_1 = vector.load %arg1[%get3A, %get3A_0] : memref<1000x256xf32, #tpu.memory_space<vmem>>, vector<1000x256xf32>
    %get3A_2 = arith.constant 0 : index
    %get3A_3 = arith.constant 0 : index
    %get3A_4 = vector.load %arg2[%get3A_2, %get3A_3] : memref<1x256xf32, #tpu.memory_space<vmem>>, vector<1x256xf32>
    %get3A_5 = arith.constant 0 : index
    %get3A_6 = arith.constant 0 : index
    %get3A_7 = vector.load %arg3[%get3A_5, %get3A_6] : memref<1x256xf32, #tpu.memory_space<vmem>>, vector<1x256xf32>
    %reduce_sum3A = arith.constant dense<0.000000e+00> : vector<1000xf32>
    %reduce_sum3A_8 = vector.multi_reduction <add>, %get3A_1, %reduce_sum3A [1] : vector<1000x256xf32> to vector<1000xf32>
    %broadcast_in_dim3A = vector.shape_cast %reduce_sum3A_8 : vector<1000xf32> to vector<1000x1xf32>
    %div3A = arith.constant 2.560000e+02 : f32
    %div3A_9 = vector.broadcast %div3A : f32 to vector<1000x1xf32>
    %div3A_10 = arith.divf %broadcast_in_dim3A, %div3A_9 : vector<1000x1xf32>
    %sub3A = vector.broadcast %div3A_10 : vector<1000x1xf32> to vector<1000x256xf32>
    %sub3A_11 = arith.subf %get3A_1, %sub3A : vector<1000x256xf32>
    %integer_pow3A = arith.mulf %sub3A_11, %sub3A_11 : vector<1000x256xf32>
    %reduce_sum3A_12 = arith.constant dense<0.000000e+00> : vector<1000xf32>
    %reduce_sum3A_13 = vector.multi_reduction <add>, %integer_pow3A, %reduce_sum3A_12 [1] : vector<1000x256xf32> to vector<1000xf32>
    %broadcast_in_dim3A_14 = vector.shape_cast %reduce_sum3A_13 : vector<1000xf32> to vector<1000x1xf32>
    %div3A_15 = arith.constant 2.560000e+02 : f32
    %div3A_16 = vector.broadcast %div3A_15 : f32 to vector<1000x1xf32>
    %div3A_17 = arith.divf %broadcast_in_dim3A_14, %div3A_16 : vector<1000x1xf32>
    %sub3A_18 = vector.broadcast %div3A_10 : vector<1000x1xf32> to vector<1000x256xf32>
    %sub3A_19 = arith.subf %get3A_1, %sub3A_18 : vector<1000x256xf32>
    %add3A = arith.constant 9.99999974E-6 : f32
    %add3A_20 = vector.broadcast %add3A : f32 to vector<1000x1xf32>
    %add3A_21 = arith.addf %div3A_17, %add3A_20 : vector<1000x1xf32>
    %rsqrt3A = math.rsqrt %add3A_21 : vector<1000x1xf32>
    %mul3A = vector.broadcast %rsqrt3A : vector<1000x1xf32> to vector<1000x256xf32>
    %mul3A_22 = arith.mulf %sub3A_19, %mul3A : vector<1000x256xf32>
    %mul3A_23 = vector.broadcast %get3A_4 : vector<1x256xf32> to vector<1000x256xf32>
    %mul3A_24 = arith.mulf %mul3A_22, %mul3A_23 : vector<1000x256xf32>
    %add3A_25 = vector.broadcast %get3A_7 : vector<1x256xf32> to vector<1000x256xf32>
    %add3A_26 = arith.addf %mul3A_24, %add3A_25 : vector<1000x256xf32>
    %get3A_27 = arith.constant 0 : index
    %get3A_28 = arith.constant 0 : index
    %get3A_29 = vector.load %arg4[%get3A_27, %get3A_28] : memref<256x256xf32, #tpu.memory_space<vmem>>, vector<256x256xf32>
    %dot_general3A = arith.constant dense<0.000000e+00> : vector<1000x256xf32>
    %dot_general3A_30 = tpu.matmul %add3A_26, %get3A_29, %dot_general3A {dimension_numbers = #tpu.dot_dimension_numbers<[1], [0], [0], [1], [0, 0, 1, 1], [], []>, transpose_lhs_hint = false} : vector<1000x256xf32>, vector<256x256xf32>, vector<1000x256xf32> -> vector<1000x256xf32>
    %get3A_31 = arith.constant 0 : index
    %get3A_32 = arith.constant 0 : index
    %get3A_33 = arith.constant 0 : index
    %get3A_34 = vector.load %arg5[%get3A_31, %get3A_32, %get3A_33] : memref<2x1000x128xf32, #tpu.memory_space<vmem>>, vector<1x1000x1xf32>
    %get3A_35 = vector.shape_cast %get3A_34 : vector<1x1000x1xf32> to vector<1000x1xf32>
    %get3A_36 = arith.constant 1 : index
    %get3A_37 = arith.constant 0 : index
    %get3A_38 = arith.constant 0 : index
    %get3A_39 = vector.load %arg5[%get3A_36, %get3A_37, %get3A_38] : memref<2x1000x128xf32, #tpu.memory_space<vmem>>, vector<1x1000x1xf32>
    %get3A_40 = vector.shape_cast %get3A_39 : vector<1x1000x1xf32> to vector<1000x1xf32>
    %add3A_41 = arith.addf %get3A_35, %get3A_40 : vector<1000x1xf32>
    %sub3A_42 = arith.constant 1.000000e+00 : f32
    %sub3A_43 = vector.broadcast %sub3A_42 : f32 to vector<1000x1xf32>
    %sub3A_44 = arith.subf %add3A_41, %sub3A_43 : vector<1000x1xf32>
    %rsqrt3A_45 = math.rsqrt %sub3A_44 : vector<1000x1xf32>
    %mul3A_46 = vector.broadcast %rsqrt3A_45 : vector<1000x1xf32> to vector<1000x256xf32>
    %mul3A_47 = arith.mulf %dot_general3A_30, %mul3A_46 : vector<1000x256xf32>
    %slice3A = vector.extract_strided_slice %mul3A_47 {offsets = [0, 0], sizes = [1000, 128], strides = [1, 1]} : vector<1000x256xf32> to vector<1000x128xf32>
    %swap3A = arith.constant 0 : index
    %swap3A_48 = arith.constant 0 : index
    %swap3A_49 = arith.constant 0 : index
    %swap3A_50 = vector.load %arg6[%swap3A, %swap3A_48, %swap3A_49] : memref<2x1000x128xf32, #tpu.memory_space<vmem>>, vector<1x1000x128xf32>
    %swap3A_51 = vector.shape_cast %swap3A_50 : vector<1x1000x128xf32> to vector<1000x128xf32>
    %swap3A_52 = vector.shape_cast %slice3A : vector<1000x128xf32> to vector<1x1000x128xf32>
    tpu.vector_store %arg6[%swap3A, %swap3A_48, %swap3A_49], %swap3A_52 {strides = array<i32>} : memref<2x1000x128xf32, #tpu.memory_space<vmem>>, vector<1x1000x128xf32>,
    %slice3A_53 = vector.extract_strided_slice %mul3A_47 {offsets = [0, 128], sizes = [1000, 128], strides = [1, 1]} : vector<1000x256xf32> to vector<1000x128xf32>
    %swap3A_54 = arith.constant 1 : index
    %swap3A_55 = arith.constant 0 : index
    %swap3A_56 = arith.constant 0 : index
    %swap3A_57 = vector.load %arg6[%swap3A_54, %swap3A_55, %swap3A_56] : memref<2x1000x128xf32, #tpu.memory_space<vmem>>, vector<1x1000x128xf32>
    %swap3A_58 = vector.shape_cast %swap3A_57 : vector<1x1000x128xf32> to vector<1000x128xf32>
    %swap3A_59 = vector.shape_cast %slice3A_53 : vector<1000x128xf32> to vector<1x1000x128xf32>
    tpu.vector_store %arg6[%swap3A_54, %swap3A_55, %swap3A_56], %swap3A_59 {strides = array<i32>} : memref<2x1000x128xf32, #tpu.memory_space<vmem>>, vector<1x1000x128xf32>,
    return
  }
  func.func @transform_0(%arg0: i32) -> (i32, i32) {
    %c0_i32 = arith.constant 0 : i32
    %c0_i32_0 = arith.constant 0 : i32
    return %arg0, %c0_i32 : i32, i32
  }
  func.func @transform_1(%arg0: i32) -> (i32, i32) {
    %c0_i32 = arith.constant 0 : i32
    %c0_i32_0 = arith.constant 0 : i32
    %c0_i32_1 = arith.constant 0 : i32
    return %c0_i32, %c0_i32_0 : i32, i32
  }
  func.func @transform_2(%arg0: i32) -> (i32, i32) {
    %c0_i32 = arith.constant 0 : i32
    %c0_i32_0 = arith.constant 0 : i32
    %c0_i32_1 = arith.constant 0 : i32
    return %c0_i32, %c0_i32_0 : i32, i32
  }
  func.func @transform_3(%arg0: i32) -> (i32, i32) {
    %c0_i32 = arith.constant 0 : i32
    %c0_i32_0 = arith.constant 0 : i32
    %c0_i32_1 = arith.constant 0 : i32
    return %c0_i32, %c0_i32_0 : i32, i32
  }
  func.func @transform_4(%arg0: i32) -> (i32, i32, i32) {
    %c0_i32 = arith.constant 0 : i32
    %c0_i32_0 = arith.constant 0 : i32
    %c0_i32_1 = arith.constant 0 : i32
    return %c0_i32, %arg0, %c0_i32_0 : i32, i32, i32
  }
  func.func @transform_5(%arg0: i32) -> (i32, i32, i32) {
    %c0_i32 = arith.constant 0 : i32
    %c0_i32_0 = arith.constant 0 : i32
    %c0_i32_1 = arith.constant 0 : i32
    return %c0_i32, %arg0, %c0_i32_0 : i32, i32, i32
  }
}

module attributes {stable_mosaic.version = 14 : i64} {
  func.func @_b_body(%arg0: i32, %arg1: memref<1000x256xf32, #tpu.memory_space<vmem>>, %arg2: memref<2x1000x128xf32, #tpu.memory_space<vmem>>, %arg3: memref<2x1000x128xf32, #tpu.memory_space<vmem>>, %arg4: memref<1x256xf32, #tpu.memory_space<vmem>>, %arg5: memref<256x256xf32, #tpu.memory_space<vmem>>, %arg6: memref<1x256xf32, #tpu.memory_space<vmem>>, %arg7: memref<256x256xf32, #tpu.memory_space<vmem>>, %arg8: memref<1x256xf32, #tpu.memory_space<vmem>>, %arg9: memref<1000x256xf32, #tpu.memory_space<vmem>>) attributes {dimension_semantics = [#tpu.dimension_semantics<arbitrary>], iteration_bounds = array<i64: 10>, scalar_prefetch = 0 : i64, scratch_operands = 0 : i64, tpu.core_type = #tpu.core_type<tc>, window_params = [{transform_indices = @transform_0, window_bounds = array<i64: 1000, 256>}, {transform_indices = @transform_1, window_bounds = array<i64: 2, 1000, 128>}, {transform_indices = @transform_2, window_bounds = array<i64: 2, 1000, 128>}, {pipeline_mode = #tpu.pipeline_mode<synchronous>, transform_indices = @transform_3, window_bounds = array<i64: 1, 256>}, {pipeline_mode = #tpu.pipeline_mode<synchronous>, transform_indices = @transform_4, window_bounds = array<i64: 256, 256>}, {pipeline_mode = #tpu.pipeline_mode<synchronous>, transform_indices = @transform_5, window_bounds = array<i64: 1, 256>}, {pipeline_mode = #tpu.pipeline_mode<synchronous>, transform_indices = @transform_6, window_bounds = array<i64: 256, 256>}, {pipeline_mode = #tpu.pipeline_mode<synchronous>, transform_indices = @transform_7, window_bounds = array<i64: 1, 256>}, {transform_indices = @transform_8, window_bounds = array<i64: 1000, 256>}]} {
    %get3A = arith.constant 0 : index
    %get3A_0 = arith.constant 0 : index
    %get3A_1 = arith.constant 0 : index
    %get3A_2 = vector.load %arg3[%get3A, %get3A_0, %get3A_1] : memref<2x1000x128xf32, #tpu.memory_space<vmem>>, vector<1x1000x1xf32>
    %get3A_3 = vector.shape_cast %get3A_2 : vector<1x1000x1xf32> to vector<1000x1xf32>
    %get3A_4 = arith.constant 1 : index
    %get3A_5 = arith.constant 0 : index
    %get3A_6 = arith.constant 0 : index
    %get3A_7 = vector.load %arg3[%get3A_4, %get3A_5, %get3A_6] : memref<2x1000x128xf32, #tpu.memory_space<vmem>>, vector<1x1000x1xf32>
    %get3A_8 = vector.shape_cast %get3A_7 : vector<1x1000x1xf32> to vector<1000x1xf32>
    %add3A = arith.addf %get3A_3, %get3A_8 : vector<1000x1xf32>
    %sub3A = arith.constant 1.000000e+00 : f32
    %sub3A_9 = vector.broadcast %sub3A : f32 to vector<1000x1xf32>
    %sub3A_10 = arith.subf %add3A, %sub3A_9 : vector<1000x1xf32>
    %rsqrt3A = math.rsqrt %sub3A_10 : vector<1000x1xf32>
    %get3A_11 = arith.constant 0 : index
    %get3A_12 = arith.constant 0 : index
    %get3A_13 = arith.constant 0 : index
    %get3A_14 = vector.load %arg2[%get3A_11, %get3A_12, %get3A_13] : memref<2x1000x128xf32, #tpu.memory_space<vmem>>, vector<1x1000x128xf32>
    %get3A_15 = vector.shape_cast %get3A_14 : vector<1x1000x128xf32> to vector<1000x128xf32>
    %get3A_16 = arith.constant 1 : index
    %get3A_17 = arith.constant 0 : index
    %get3A_18 = arith.constant 0 : index
    %get3A_19 = vector.load %arg2[%get3A_16, %get3A_17, %get3A_18] : memref<2x1000x128xf32, #tpu.memory_space<vmem>>, vector<1x1000x128xf32>
    %get3A_20 = vector.shape_cast %get3A_19 : vector<1x1000x128xf32> to vector<1000x128xf32>
    %concatenate3A = tpu.concatenate %get3A_15, %get3A_20 in 1 : vector<1000x128xf32>, vector<1000x128xf32> -> vector<1000x256xf32>
    %mul3A = vector.broadcast %rsqrt3A : vector<1000x1xf32> to vector<1000x256xf32>
    %mul3A_21 = arith.mulf %concatenate3A, %mul3A : vector<1000x256xf32>
    %get3A_22 = arith.constant 0 : index
    %get3A_23 = arith.constant 0 : index
    %get3A_24 = vector.load %arg4[%get3A_22, %get3A_23] : memref<1x256xf32, #tpu.memory_space<vmem>>, vector<1x256xf32>
    %add3A_25 = vector.broadcast %get3A_24 : vector<1x256xf32> to vector<1000x256xf32>
    %add3A_26 = arith.addf %mul3A_21, %add3A_25 : vector<1000x256xf32>
    %get3A_27 = arith.constant 0 : index
    %get3A_28 = arith.constant 0 : index
    %get3A_29 = vector.load %arg5[%get3A_27, %get3A_28] : memref<256x256xf32, #tpu.memory_space<vmem>>, vector<256x256xf32>
    %dot_general3A = arith.constant dense<0.000000e+00> : vector<1000x256xf32>
    %dot_general3A_30 = tpu.matmul %add3A_26, %get3A_29, %dot_general3A {dimension_numbers = #tpu.dot_dimension_numbers<[1], [0], [0], [1], [0, 0, 1, 1], [], []>, transpose_lhs_hint = false} : vector<1000x256xf32>, vector<256x256xf32>, vector<1000x256xf32> -> vector<1000x256xf32>
    %get3A_31 = arith.constant 0 : index
    %get3A_32 = arith.constant 0 : index
    %get3A_33 = vector.load %arg6[%get3A_31, %get3A_32] : memref<1x256xf32, #tpu.memory_space<vmem>>, vector<1x256xf32>
    %add3A_34 = vector.broadcast %get3A_33 : vector<1x256xf32> to vector<1000x256xf32>
    %add3A_35 = arith.addf %dot_general3A_30, %add3A_34 : vector<1000x256xf32>
    %mul3A_36 = arith.constant 5.000000e-01 : f32
    %mul3A_37 = vector.broadcast %mul3A_36 : f32 to vector<1000x256xf32>
    %mul3A_38 = arith.mulf %mul3A_37, %add3A_35 : vector<1000x256xf32>
    %mul3A_39 = arith.constant 0.707106769 : f32
    %mul3A_40 = vector.broadcast %mul3A_39 : f32 to vector<1000x256xf32>
    %mul3A_41 = arith.mulf %add3A_35, %mul3A_40 : vector<1000x256xf32>
    %erf3A = math.erf %mul3A_41 : vector<1000x256xf32>
    %add3A_42 = arith.constant 1.000000e+00 : f32
    %add3A_43 = vector.broadcast %add3A_42 : f32 to vector<1000x256xf32>
    %add3A_44 = arith.addf %add3A_43, %erf3A : vector<1000x256xf32>
    %mul3A_45 = arith.mulf %mul3A_38, %add3A_44 : vector<1000x256xf32>
    %get3A_46 = arith.constant 0 : index
    %get3A_47 = arith.constant 0 : index
    %get3A_48 = vector.load %arg7[%get3A_46, %get3A_47] : memref<256x256xf32, #tpu.memory_space<vmem>>, vector<256x256xf32>
    %dot_general3A_49 = arith.constant dense<0.000000e+00> : vector<1000x256xf32>
    %dot_general3A_50 = tpu.matmul %mul3A_45, %get3A_48, %dot_general3A_49 {dimension_numbers = #tpu.dot_dimension_numbers<[1], [0], [0], [1], [0, 0, 1, 1], [], []>, transpose_lhs_hint = false} : vector<1000x256xf32>, vector<256x256xf32>, vector<1000x256xf32> -> vector<1000x256xf32>
    %get3A_51 = arith.constant 0 : index
    %get3A_52 = arith.constant 0 : index
    %get3A_53 = vector.load %arg8[%get3A_51, %get3A_52] : memref<1x256xf32, #tpu.memory_space<vmem>>, vector<1x256xf32>
    %add3A_54 = vector.broadcast %get3A_53 : vector<1x256xf32> to vector<1000x256xf32>
    %add3A_55 = arith.addf %dot_general3A_50, %add3A_54 : vector<1000x256xf32>
    %get3A_56 = arith.constant 0 : index
    %get3A_57 = arith.constant 0 : index
    %get3A_58 = vector.load %arg1[%get3A_56, %get3A_57] : memref<1000x256xf32, #tpu.memory_space<vmem>>, vector<1000x256xf32>
    %add3A_59 = arith.addf %get3A_58, %add3A_55 : vector<1000x256xf32>
    %swap3A = arith.constant 0 : index
    %swap3A_60 = arith.constant 0 : index
    %swap3A_61 = vector.load %arg9[%swap3A, %swap3A_60] : memref<1000x256xf32, #tpu.memory_space<vmem>>, vector<1000x256xf32>
    tpu.vector_store %arg9[%swap3A, %swap3A_60], %add3A_59 {strides = array<i32>} : memref<1000x256xf32, #tpu.memory_space<vmem>>, vector<1000x256xf32>,
    return
  }
  func.func @transform_0(%arg0: i32) -> (i32, i32) {
    %c0_i32 = arith.constant 0 : i32
    %c0_i32_0 = arith.constant 0 : i32
    return %arg0, %c0_i32 : i32, i32
  }
  func.func @transform_1(%arg0: i32) -> (i32, i32, i32) {
    %c0_i32 = arith.constant 0 : i32
    %c0_i32_0 = arith.constant 0 : i32
    %c0_i32_1 = arith.constant 0 : i32
    return %c0_i32, %arg0, %c0_i32_0 : i32, i32, i32
  }
  func.func @transform_2(%arg0: i32) -> (i32, i32, i32) {
    %c0_i32 = arith.constant 0 : i32
    %c0_i32_0 = arith.constant 0 : i32
    %c0_i32_1 = arith.constant 0 : i32
    return %c0_i32, %arg0, %c0_i32_0 : i32, i32, i32
  }
  func.func @transform_3(%arg0: i32) -> (i32, i32) {
    %c0_i32 = arith.constant 0 : i32
    %c0_i32_0 = arith.constant 0 : i32
    %c0_i32_1 = arith.constant 0 : i32
    return %c0_i32, %c0_i32_0 : i32, i32
  }
  func.func @transform_4(%arg0: i32) -> (i32, i32) {
    %c0_i32 = arith.constant 0 : i32
    %c0_i32_0 = arith.constant 0 : i32
    %c0_i32_1 = arith.constant 0 : i32
    return %c0_i32, %c0_i32_0 : i32, i32
  }
  func.func @transform_5(%arg0: i32) -> (i32, i32) {
    %c0_i32 = arith.constant 0 : i32
    %c0_i32_0 = arith.constant 0 : i32
    %c0_i32_1 = arith.constant 0 : i32
    return %c0_i32, %c0_i32_0 : i32, i32
  }
  func.func @transform_6(%arg0: i32) -> (i32, i32) {
    %c0_i32 = arith.constant 0 : i32
    %c0_i32_0 = arith.constant 0 : i32
    %c0_i32_1 = arith.constant 0 : i32
    return %c0_i32, %c0_i32_0 : i32, i32
  }
  func.func @transform_7(%arg0: i32) -> (i32, i32) {
    %c0_i32 = arith.constant 0 : i32
    %c0_i32_0 = arith.constant 0 : i32
    %c0_i32_1 = arith.constant 0 : i32
    return %c0_i32, %c0_i32_0 : i32, i32
  }
  func.func @transform_8(%arg0: i32) -> (i32, i32) {
    %c0_i32 = arith.constant 0 : i32
    %c0_i32_0 = arith.constant 0 : i32
    return %arg0, %c0_i32 : i32, i32
  }
}

module attributes {stable_mosaic.version = 14 : i64} {
  func.func @_out_body(%arg0: i32, %arg1: memref<1000x256xf32, #tpu.memory_space<vmem>>, %arg2: memref<1x256xf32, #tpu.memory_space<vmem>>, %arg3: memref<1x256xf32, #tpu.memory_space<vmem>>, %arg4: memref<256x10xf32, #tpu.memory_space<vmem>>, %arg5: memref<1x10xf32, #tpu.memory_space<vmem>>, %arg6: memref<1000x10xf32, #tpu.memory_space<vmem>>) attributes {dimension_semantics = [#tpu.dimension_semantics<arbitrary>], iteration_bounds = array<i64: 10>, scalar_prefetch = 0 : i64, scratch_operands = 0 : i64, tpu.core_type = #tpu.core_type<tc>, window_params = [{transform_indices = @transform_0, window_bounds = array<i64: 1000, 256>}, {pipeline_mode = #tpu.pipeline_mode<synchronous>, transform_indices = @transform_1, window_bounds = array<i64: 1, 256>}, {pipeline_mode = #tpu.pipeline_mode<synchronous>, transform_indices = @transform_2, window_bounds = array<i64: 1, 256>}, {pipeline_mode = #tpu.pipeline_mode<synchronous>, transform_indices = @transform_3, window_bounds = array<i64: 256, 10>}, {pipeline_mode = #tpu.pipeline_mode<synchronous>, transform_indices = @transform_4, window_bounds = array<i64: 1, 10>}, {transform_indices = @transform_5, window_bounds = array<i64: 1000, 10>}]} {
    %get3A = arith.constant 0 : index
    %get3A_0 = arith.constant 0 : index
    %get3A_1 = vector.load %arg1[%get3A, %get3A_0] : memref<1000x256xf32, #tpu.memory_space<vmem>>, vector<1000x256xf32>
    %get3A_2 = arith.constant 0 : index
    %get3A_3 = arith.constant 0 : index
    %get3A_4 = vector.load %arg2[%get3A_2, %get3A_3] : memref<1x256xf32, #tpu.memory_space<vmem>>, vector<1x256xf32>
    %get3A_5 = arith.constant 0 : index
    %get3A_6 = arith.constant 0 : index
    %get3A_7 = vector.load %arg3[%get3A_5, %get3A_6] : memref<1x256xf32, #tpu.memory_space<vmem>>, vector<1x256xf32>
    %reduce_sum3A = arith.constant dense<0.000000e+00> : vector<1000xf32>
    %reduce_sum3A_8 = vector.multi_reduction <add>, %get3A_1, %reduce_sum3A [1] : vector<1000x256xf32> to vector<1000xf32>
    %broadcast_in_dim3A = vector.shape_cast %reduce_sum3A_8 : vector<1000xf32> to vector<1000x1xf32>
    %div3A = arith.constant 2.560000e+02 : f32
    %div3A_9 = vector.broadcast %div3A : f32 to vector<1000x1xf32>
    %div3A_10 = arith.divf %broadcast_in_dim3A, %div3A_9 : vector<1000x1xf32>
    %sub3A = vector.broadcast %div3A_10 : vector<1000x1xf32> to vector<1000x256xf32>
    %sub3A_11 = arith.subf %get3A_1, %sub3A : vector<1000x256xf32>
    %integer_pow3A = arith.mulf %sub3A_11, %sub3A_11 : vector<1000x256xf32>
    %reduce_sum3A_12 = arith.constant dense<0.000000e+00> : vector<1000xf32>
    %reduce_sum3A_13 = vector.multi_reduction <add>, %integer_pow3A, %reduce_sum3A_12 [1] : vector<1000x256xf32> to vector<1000xf32>
    %broadcast_in_dim3A_14 = vector.shape_cast %reduce_sum3A_13 : vector<1000xf32> to vector<1000x1xf32>
    %div3A_15 = arith.constant 2.560000e+02 : f32
    %div3A_16 = vector.broadcast %div3A_15 : f32 to vector<1000x1xf32>
    %div3A_17 = arith.divf %broadcast_in_dim3A_14, %div3A_16 : vector<1000x1xf32>
    %sub3A_18 = vector.broadcast %div3A_10 : vector<1000x1xf32> to vector<1000x256xf32>
    %sub3A_19 = arith.subf %get3A_1, %sub3A_18 : vector<1000x256xf32>
    %add3A = arith.constant 9.99999974E-6 : f32
    %add3A_20 = vector.broadcast %add3A : f32 to vector<1000x1xf32>
    %add3A_21 = arith.addf %div3A_17, %add3A_20 : vector<1000x1xf32>
    %rsqrt3A = math.rsqrt %add3A_21 : vector<1000x1xf32>
    %mul3A = vector.broadcast %rsqrt3A : vector<1000x1xf32> to vector<1000x256xf32>
    %mul3A_22 = arith.mulf %sub3A_19, %mul3A : vector<1000x256xf32>
    %mul3A_23 = vector.broadcast %get3A_4 : vector<1x256xf32> to vector<1000x256xf32>
    %mul3A_24 = arith.mulf %mul3A_22, %mul3A_23 : vector<1000x256xf32>
    %add3A_25 = vector.broadcast %get3A_7 : vector<1x256xf32> to vector<1000x256xf32>
    %add3A_26 = arith.addf %mul3A_24, %add3A_25 : vector<1000x256xf32>
    %get3A_27 = arith.constant 0 : index
    %get3A_28 = arith.constant 0 : index
    %get3A_29 = vector.load %arg4[%get3A_27, %get3A_28] : memref<256x10xf32, #tpu.memory_space<vmem>>, vector<256x10xf32>
    %dot_general3A = arith.constant dense<0.000000e+00> : vector<1000x10xf32>
    %dot_general3A_30 = tpu.matmul %add3A_26, %get3A_29, %dot_general3A {dimension_numbers = #tpu.dot_dimension_numbers<[1], [0], [0], [1], [0, 0, 1, 1], [], []>, transpose_lhs_hint = false} : vector<1000x256xf32>, vector<256x10xf32>, vector<1000x10xf32> -> vector<1000x10xf32>
    %get3A_31 = arith.constant 0 : index
    %get3A_32 = arith.constant 0 : index
    %get3A_33 = vector.load %arg5[%get3A_31, %get3A_32] : memref<1x10xf32, #tpu.memory_space<vmem>>, vector<1x10xf32>
    %add3A_34 = vector.broadcast %get3A_33 : vector<1x10xf32> to vector<1000x10xf32>
    %add3A_35 = arith.addf %dot_general3A_30, %add3A_34 : vector<1000x10xf32>
    %reduce_max3A = arith.constant dense<0xFF800000> : vector<1000xf32>
    %reduce_max3A_36 = vector.multi_reduction <maximumf>, %add3A_35, %reduce_max3A [1] : vector<1000x10xf32> to vector<1000xf32>
    %broadcast_in_dim3A_37 = vector.shape_cast %reduce_max3A_36 : vector<1000xf32> to vector<1000x1xf32>
    %sub3A_38 = vector.broadcast %broadcast_in_dim3A_37 : vector<1000x1xf32> to vector<1000x10xf32>
    %sub3A_39 = arith.subf %add3A_35, %sub3A_38 : vector<1000x10xf32>
    %exp3A = math.exp %sub3A_39 : vector<1000x10xf32>
    %reduce_sum3A_40 = arith.constant dense<0.000000e+00> : vector<1000xf32>
    %reduce_sum3A_41 = vector.multi_reduction <add>, %exp3A, %reduce_sum3A_40 [1] : vector<1000x10xf32> to vector<1000xf32>
    %broadcast_in_dim3A_42 = vector.shape_cast %reduce_sum3A_41 : vector<1000xf32> to vector<1000x1xf32>
    %log3A = math.log %broadcast_in_dim3A_42 : vector<1000x1xf32>
    %sub3A_43 = vector.broadcast %log3A : vector<1000x1xf32> to vector<1000x10xf32>
    %sub3A_44 = arith.subf %sub3A_39, %sub3A_43 : vector<1000x10xf32>
    %swap3A = arith.constant 0 : index
    %swap3A_45 = arith.constant 0 : index
    %swap3A_46 = vector.load %arg6[%swap3A, %swap3A_45] : memref<1000x10xf32, #tpu.memory_space<vmem>>, vector<1000x10xf32>
    tpu.vector_store %arg6[%swap3A, %swap3A_45], %sub3A_44 {strides = array<i32>} : memref<1000x10xf32, #tpu.memory_space<vmem>>, vector<1000x10xf32>,
    return
  }
  func.func @transform_0(%arg0: i32) -> (i32, i32) {
    %c0_i32 = arith.constant 0 : i32
    %c0_i32_0 = arith.constant 0 : i32
    return %arg0, %c0_i32 : i32, i32
  }
  func.func @transform_1(%arg0: i32) -> (i32, i32) {
    %c0_i32 = arith.constant 0 : i32
    %c0_i32_0 = arith.constant 0 : i32
    %c0_i32_1 = arith.constant 0 : i32
    return %c0_i32, %c0_i32_0 : i32, i32
  }
  func.func @transform_2(%arg0: i32) -> (i32, i32) {
    %c0_i32 = arith.constant 0 : i32
    %c0_i32_0 = arith.constant 0 : i32
    %c0_i32_1 = arith.constant 0 : i32
    return %c0_i32, %c0_i32_0 : i32, i32
  }
  func.func @transform_3(%arg0: i32) -> (i32, i32) {
    %c0_i32 = arith.constant 0 : i32
    %c0_i32_0 = arith.constant 0 : i32
    %c0_i32_1 = arith.constant 0 : i32
    return %c0_i32, %c0_i32_0 : i32, i32
  }
  func.func @transform_4(%arg0: i32) -> (i32, i32) {
    %c0_i32 = arith.constant 0 : i32
    %c0_i32_0 = arith.constant 0 : i32
    %c0_i32_1 = arith.constant 0 : i32
    return %c0_i32, %c0_i32_0 : i32, i32
  }
  func.func @transform_5(%arg0: i32) -> (i32, i32) {
    %c0_i32 = arith.constant 0 : i32
    %c0_i32_0 = arith.constant 0 : i32
    return %arg0, %c0_i32 : i32, i32
  }
}

</mosaic_0001>

<sc_bundles>
// kernel: kernel.17.cloned.1.call-start
scs
__scs_entry_jumppad:
0x0: {  	(pc) =	sbr.rel $0x88, $3  }
0x1: {  	(tag) =	ssettag $0x0;
	lr =	simm.s32 $0x1  }
0x2: {  	[smem:$0x3F79] =	sst lr;
	_ =	strace $0xD0000000  }
0x3: {  	_ = 	snop  }
0x4: {  	_ = 	snop  }
0x5: {  	_ = 	snop  }
0x6: {  	_ = 	snop  }
0x7: {  	_ = 	snop  }
__scs_overlays_trampoline_lowered:
0x8: {  	[smem:$0x3F88] =	sst s0  }
0x9: {  	[smem:$0x3F89] =	sst s1  }
0xa: {  	[smem:$0x3F8A] =	sst s2  }
0xb: {  	[smem:$0x3F8B] =	sst s3  }
0xc: {  	[smem:$0x3F8C] =	sst s4  }
0xd: {  	[smem:$0x3F8D] =	sst s5  }
0xe: {  	[smem:$0x3F8E] =	sst s6  }
0xf: {  	[smem:$0x3F8F] =	sst s7  }
0x10: {  	[smem:$0x3F90] =	sst s8  }
0x11: {  	[smem:$0x3F91] =	sst s9;
	s0 =	simm.s32 @!p0 $0x0  }
0x12: {  	s1 =	sld [smem:$0x3F77];
	s0 =	simm.s32 @p0 $0x1  }
0x13: {  	[smem:$0x3F92] =	sst s0;
	s0 =	simm.s32 @!p1 $0x0  }
0x14: {  	s2 =	sld [smem:$0x3F76];
	s0 =	simm.s32 @p1 $0x1  }
0x15: {  	[smem:$0x3F93] =	sst s0;
	s0 =	simm.s32 @!p2 $0x0  }
0x16: {  	s3 =	sld [smem:$0x3FDB];
	s0 =	simm.s32 @p2 $0x1  }
0x17: {  	s4 =	simm.s32 $0x1BF5;
	[smem:$0x3F95] =	sst s0  }
0x18: {  	s0 =	sld [smem:$0x3F78];
	_ =	swait.ge [sflag:s4], $0x0  }
0x19: {  	s7 =	sld [smem:$0x3F79]  }
0x1a: {  	s8 =	sadd.s32 $0xFFFFE003, lr  }
0x1b: {  	s9 =	sadd.s32 $0xFFFFFEF7, lr;
	s5 =	simm.s32 $0xFFFFFFFF;
	p2 =	slt.u32 s8, $0xFFFFF086  }
0x1c: {  	p1 =	slt.u32 s9, $0xF7A;
	s5 =	simm.s32 @!p2 $0x0  }
0x1d: {  	s5 =	simm.s32 @p1 $0x1;
	p0 =	seq.s32 s7, s2  }
0x1e: {  	s7 =	smul.u32 @!p0 $0xF7A, s2;
	p2 =	seq.s32 @!p0 s5, $0x0  }
0x1f: {  	s9 =	smul.u32 $0xF7A, s1;
	s8 =	simm.s32 @!p0 $0x1BF5;
	p2 =	por !p2, p0  }
0x20: {  	[sflag:s8] =	ssyncset.s32 @!p0 $0xFFFFF086;
	s6 =	sadd.s32 @!p0 s3, s7;
	s7 =	simm.s32 @!p0 $0x108  }
0x21: {  	s3 =	sadd.s32 s3, s9;
	s6 =	sadd.s32 @!p0 $0x88, s6;
	s7 =	simm.s32 @p2 $0x1082  }
0x22: {  	[simem:s7], [sflag:s8] =	dma.local @!p0 [hbm:s6], $0xF7A  }
0x23: {  	s9 =	sor.u32 $0xD0000000, s2;
	s6 =	simm.s32 $0x108;
	_ =	swait.ge @!p0 [sflag:s8], $0x0  }
0x24: {  	s3 =	sadd.s32 $0x88, s3;
	s6 =	simm.s32 @!p1 $0x1082;
	[sflag:s4] =	ssyncset.s32 $0xFFFFF086  }
0x25: {  	[simem:s6], [sflag:s4] =	dma.local [hbm:s3], $0xF7A  }
0x26: {  	[smem:$0x3F79] =	sst s1;
	(tag) =	ssettag s2;
	_ =	strace s9  }
0x27: {  	s1 =	sld [smem:$0x3F89]  }
0x28: {  	s2 =	sld [smem:$0x3F8A]  }
0x29: {  	s4 =	sld [smem:$0x3F8C]  }
0x2a: {  	p0 =	seq.s32 s5, $0x0;
	s5 =	sld [smem:$0x3F8D]  }
0x2b: {  	s6 =	sld [smem:$0x3F8E]  }
0x2c: {  	s7 =	sld [smem:$0x3F8F]  }
0x2d: {  	s3 =	simm.s32 $0x108;
	s8 =	sld [smem:$0x3F90]  }
0x2e: {  	s3 =	simm.s32 @!p0 $0x1082;
	s9 =	sld [smem:$0x3F91]  }
0x2f: {  	lr =	sadd.s32 s0, s3;
	s0 =	sld [smem:$0x3F88]  }
0x30: {  	s3 =	sld [smem:$0x3F8B]  }
0x31: {  	[smem:$0x3F94] =	sst s10  }
0x32: {  	s10 =	sld [smem:$0x3F92];
	_ =	sdelay $0x3  }
0x33: {  	p0 =	seq.s32 s10, $0x1;
	s10 =	sld [smem:$0x3F94];
	_ =	sdelay $0x3  }
0x34: {  	[smem:$0x3F94] =	sst s10  }
0x35: {  	s10 =	sld [smem:$0x3F93];
	_ =	sdelay $0x3  }
0x36: {  	p1 =	seq.s32 s10, $0x1;
	s10 =	sld [smem:$0x3F94];
	_ =	sdelay $0x3  }
0x37: {  	[smem:$0x3F94] =	sst s10  }
0x38: {  	s10 =	sld [smem:$0x3F95]  }
0x39: {  	_ = 	snop;
	(pc) =	sbr.ind lr, $3  }
0x3a: {  	_ = 	snop  }
0x3b: {  	_ = 	snop  }
0x3c: {  	p2 =	seq.s32 s10, $0x1;
	s10 =	sld [smem:$0x3F94]  }
0x3d: {  	_ =	shalt  }
0x3e: {  	_ =	shalt  }
0x3f: {  	_ =	shalt  }
0x40: {  	_ =	shalt  }
0x41: {  	_ =	shalt  }
0x42: {  	_ =	shalt  }
0x43: {  	_ =	shalt  }
0x44: {  	_ =	shalt  }
0x45: {  	_ =	shalt  }
0x46: {  	_ =	shalt  }
0x47: {  	_ =	shalt  }
0x48: {  	_ =	shalt  }
0x49: {  	_ =	shalt  }
0x4a: {  	_ =	shalt  }
0x4b: {  	_ =	shalt  }
0x4c: {  	_ =	shalt  }
0x4d: {  	_ =	shalt  }
0x4e: {  	_ =	shalt  }
0x4f: {  	_ =	shalt  }
0x50: {  	_ =	shalt  }
0x51: {  	_ =	shalt  }
0x52: {  	_ =	shalt  }
0x53: {  	_ =	shalt  }
0x54: {  	_ =	shalt  }
0x55: {  	_ =	shalt  }
0x56: {  	_ =	shalt  }
0x57: {  	_ =	shalt  }
0x58: {  	_ =	shalt  }
0x59: {  	_ =	shalt  }
0x5a: {  	_ =	shalt  }
0x5b: {  	_ =	shalt  }
0x5c: {  	_ =	shalt  }
0x5d: {  	_ =	shalt  }
0x5e: {  	_ =	shalt  }
0x5f: {  	_ =	shalt  }
0x60: {  	_ =	shalt  }
0x61: {  	_ =	shalt  }
0x62: {  	_ =	shalt  }
0x63: {  	_ =	shalt  }
0x64: {  	_ =	shalt  }
0x65: {  	_ =	shalt  }
0x66: {  	_ =	shalt  }
0x67: {  	_ =	shalt  }
0x68: {  	_ =	shalt  }
0x69: {  	_ =	shalt  }
0x6a: {  	_ =	shalt  }
0x6b: {  	_ =	shalt  }
0x6c: {  	_ =	shalt  }
0x6d: {  	_ =	shalt  }
0x6e: {  	_ =	shalt  }
0x6f: {  	_ =	shalt  }
0x70: {  	_ =	shalt  }
0x71: {  	_ =	shalt  }
0x72: {  	_ =	shalt  }
0x73: {  	_ =	shalt  }
0x74: {  	_ =	shalt  }
0x75: {  	_ =	shalt  }
0x76: {  	_ =	shalt  }
0x77: {  	_ =	shalt  }
0x78: {  	_ =	shalt  }
0x79: {  	_ =	shalt  }
0x7a: {  	_ =	shalt  }
0x7b: {  	_ =	shalt  }
0x7c: {  	_ =	shalt  }
0x7d: {  	_ =	shalt  }
0x7e: {  	_ =	shalt  }
0x7f: {  	_ =	shalt  }
0x80: {  	_ =	shalt  }
0x81: {  	_ =	shalt  }
0x82: {  	_ =	shalt  }
0x83: {  	_ =	shalt  }
0x84: {  	_ =	shalt  }
0x85: {  	_ =	shalt  }
0x86: {  	_ =	shalt  }
0x87: {  	_ =	shalt  }
.Lfunc_end0:
.L_simem_size_0:
called_computation_lowered:
.L_overlay_start_0:
0x88: {  	s2 =	sld [smem:$0x3FD9]  }
0x89: {  	s3 =	sld [smem:$0x3FFE];
	_ =	sdelay $0x1  }
0x8a: {  	s1 =	srdreg.scid  }
0x8b: {  	s0 =	sand.u32 $0x1, s1  }
0x8c: {  	s16 =	sshll.u32 s0, $0xA;
	s2 =	sadd.s32 s3, s2  }
0x8d: {  	s2 =	sadd.s32 s2, s16  }
0x8e: {  	[smem:$0x3FA0] =	sst s2  }
0x8f: {  	_ = 	snop  }
0x90: {  	(tm) =	ssettm $0x1  }
0x91: {  	s17 =	sld [smem:$0x3FFB];
	_ =	sdelay $0x3  }
0x92: {  	_ =	strace s17  }
0x93: {  	s2 =	sld [smem:$0x3FFC];
	_ =	sdelay $0x3  }
0x94: {  	_ =	strace s2  }
0x95: {  	s2 =	sld [smem:$0x3FFD];
	_ =	sdelay $0x3  }
0x96: {  	_ =	strace s2  }
0x97: {  	_ =	strace $0x8FFFFFFF  }
0x98: {  	s18 =	sld [smem:$0x3FDB];
	_ =	sdelay $0x1  }
0x99: {  	s19 =	simm.s32 $_scs_section_size  }
0x9a: {  	s4 =	simm.s32 $_size__tile_overlayer_lowered;
	s5 =	simm.s32 $_tile_overlayer_lowered  }
0x9b: {  	s22 =	simm.s32 $0x1BFF;
	s21 =	sshll.u32 s5, $0x1;
	s2 =	sadd.s32 s19, s18  }
0x9c: {  	s6 =	simm.s32 $0x0;
	s20 =	sshll.u32 s4, $0x1;
	s4 =	sadd.s32 s21, s2  }
0x9d: {  	[timem:s6], [sflag:s22] =	dma.local [hbm:s4], s20  }
0x9e: {  	_ =	swait.ge [sflag:s22], s20  }
0x9f: {  	s3 =	ssub.s32 $0x0, s20;
	[sflag:s22] =	ssyncset.done $0x0  }
0xa0: {  	[sflag:s22] =	ssyncadd.s32 s3;
	_ =	sdelay $0x1  }
0xa1: {  	s23 =	simm.s32 $0x1B8B  }
0xa2: {  	_ =	swait.ge [sflag:s23], $0x1  }
0xa3: {  	[sflag:s23] =	ssyncset.done $0x0  }
0xa4: {  	s25 =	simm.s32 $0x1B8E;
	s24 =	sld [smem:$0x3FFE];
	[sflag:s23] =	ssyncadd.s32 $0xFFFFFFFF  }
0xa5: {  	s26 =	simm.s32 $execute0_lowered;
	[smem:$0x3FD2] =	sst s25  }
0xa6: {  	s4 =	sshll.u32 s26, $0x1;
	_ =	strace $0x80000046;
	[dreg:$0x1] =	wrdreg $0xFFFFFFFF  }
0xa7: {  	s28 =	simm.s32 $_size_execute0_lowered;
	s2 =	sadd.s32 s2, s4;
	[dreg:$0x0] =	wrdreg $0x0  }
0xa8: {  	s4 =	sshll.u32 s28, $0x1;
	[dreg:$0x2] =	wrdreg s2  }
0xa9: {  	[dreg:$0x3] =	wrdreg s4  }
0xaa: {  	[dreg:$0x4] =	wrdreg $0xC0  }
0xab: {  	_ =	task [dreg:s6], $0x5FFFF  }
0xac: {  	[dreg:$0x1] =	wrdreg $0xFFFFFFFF  }
0xad: {  	[dreg:$0x0] =	wrdreg $0x60  }
0xae: {  	[dreg:$0x2] =	wrdreg s24  }
0xaf: {  	[dreg:$0x3] =	wrdreg $0x70000  }
0xb0: {  	[dreg:$0x4] =	wrdreg $0x9  }
0xb1: {  	_ =	task.clear_ibuf [dreg:s6], $0x5FFFF;
	_ =	strace $0x90000046  }
0xb2: {  	s29 =	simm.s32 $0x9;
	_ =	strace $0x80000048  }
0xb3: {  	_ =	swait.ge [sflag:s29], $0x1  }
0xb4: {  	[sflag:s29] =	ssyncadd.s32 $0xFFFFFFFF  }
0xb5: {  	_ =	strace $0x90000048  }
0xb6: {  	_ =	sfence  }
0xb7: {  	s30 =	sld [smem:$0x0];
	_ =	sdelay $0x2  }
0xb8: {  	s31 =	sshll.u32 s1, $0xD;
	s1 =	sshrl.u32 s1, $0x2  }
0xb9: {  	s3 =	sand.u32 $0x4000, s31;
	s1 =	sadd.s32 s1, s30  }
0xba: {  	s0 =	sor.u32 s3, s0;
	s1 =	sshll.u32 s1, $0x11  }
0xbb: {  	s0 =	sor.u32 s1, s0  }
0xbc: {  	s0 =	sadd.s32 $0x8F2B, s0  }
0xbd: {  	[sflag:s0] =	ssyncadd.remote.s32 $0x1  }
0xbe: {  	_ =	sfence.sel $0xFFFF  }
0xbf: {  	[dreg:$0x0] =	wrdreg $0xFFFFFFFF;
	(pc) =	sbr.abs _section_cstart, $3  }
0xc0: {  	[dreg:$0x1] =	wrdreg $0xFFFFFFFF  }
0xc1: {  	_ =	task.clear_ibuf [dreg:s6], $0x2FFFF;
	_ =	strace $0x9FFFFFFF  }
0xc2: {  	(tm) =	ssettm $0x7FFFFFFF  }
0xc3: {  	_ =	shalt  }
tec
execute0_lowered:
.L_overlay_start_1:
0x0: {  	(tag) =	ssettag $0x1  }
0x1: {  	s0 =	srdreg.scid;
	s5 =	rddreg [dreg:$0x0]  }
0x2: {  	s2 =	rddreg [dreg:$0x1];
	s4 =	sand.u32 $0x1, s0  }
0x3: {  	s0 =	stileid.u32;
	s6 =	smul.u32 $0xA000, s4  }
0x4: {  	s1 =	rddreg [dreg:$0x2];
	s3 =	simm.s32 $0x0;
	s7 =	smul.u32 $0xA00, s0  }
0x5: {  	s13 =	simm.s32 $0x40;
	s14 =	simm.s32 $0x1;
	s8 =	smul.u32 $0x2800, s0  }
0x6: {  	s15 =	simm.s32 $0x0;
	[smem:$0x7FF] =	sst s3;
	s25 =	smul.u32 $0x28000, s4  }
0x7: {  	_ =	strace $0x80000047;
	s28 =	ssub.s32 $0x2, s4;
	s10 =	smul.u32 $0x50000, s0  }
0x8: {  	s4 =	sadd.s32 $0x1C600, s5;
	s31 =	sshll.u32 s0, $0x6;
	s29 =	sshrl.u32 s28, $0x1  }
0x9: {  	s6 =	sadd.s32 s7, s6;
	s26 =	sadd.s32 s8, s25;
	s12 =	ssub.s32 s28, s29  }
0xa: {  	s30 =	sshrl.u32 s10, $0x2;
	s9 =	sadd.s32 s6, s5;
	s11 =	sadd.s32 s26, s5  }
0xb: {  	s10 =	sadd.s32 s30, s2;
	s5 =	sadd.s32 s4, s8;
	s6 =	sor.u32 $0x1C02, s31  }
0xc: {  	s7 =	sadd.s32 $0x8600, s9;
	s8 =	sadd.s32 $0x6C600, s11;
	s9 =	smax.u32 s12, $0x1  }
0xd: {  	s10 =	sshrl.u32 s10, $0x3;
	s11 =	simm.s32 $0x2;
	s12 =	simm.s32 $0x5000  }
.LBB2_1:
0xe: {  	[spmem:s10], [sflag:s6] =	dma.local [hbm:s5], $0x2800  }
0xf: {  	_ =	swait.ge [sflag:s11], $0x2800  }
0x10: {  	[sflag:s11] =	ssyncset.done $0x0  }
0x11: {  	[sflag:s11] =	ssyncadd.s32 $0xFFFFD800  }
0x12: {  	[tilespmem:s12], [sflag:$0x2] =	stream.linear.gather [hbm4b:s4+s3], $0x2000, $0x38;
	[tilespmem:$0x1B000] =	vst v63  }
0x13: {  	_ =	swait.ge [sflag:s11], $0x2000  }
0x14: {  	[sflag:s11] =	ssyncset.done $0x0  }
0x15: {  	[sflag:s11] =	ssyncadd.s32 $0xFFFFE000  }
0x16: {  	[tilespmem:s3], [sflag:$0x2] =	stream.linear.gather [hbm4b:s7+s3], $0x5000, $0x38;
	[tilespmem:$0x1B000] =	vst v63  }
0x17: {  	_ =	swait.ge [sflag:s11], $0x5000  }
0x18: {  	[sflag:s11] =	ssyncset.done $0x0  }
0x19: {  	[sflag:s11] =	ssyncadd.s32 $0xFFFFB000  }
0x1a: {  	s16 =	simm.s32 $0x0;
	[bflag:$0x0] =	sbarrier.arrive $0xFFFF  }
.LBB2_2:
0x1b: {  	p0 =	sne.s32 s16, $0x13E00  }
.Ltmp0:
0x1c: {  	_ = 	snop;
	(pc) =	sbr.rel @p0 .LBB2_2-.Ltmp0, $3  }
0x1d: {  	_ =	sdelay $0x1  }
0x1e: {  	s17 =	sshra.s32 s16, $0x2;
	s16 =	sadd.s32 $0x200, s16  }
0x1f: {  	[spmem:s2] =	stream.indirect.scatter.add.f32 [tilespmem:s12], [sflag:$0x1], $0x80, s17, s13, $0xb8;
	[tilespmem:$0x1B000] =	vst v63  }
0x20: {  	_ =	swait.ge [sflag:s14], $0x2000  }
0x21: {  	s16 =	simm.s32 $0x9F;
	[sflag:s14] =	ssyncset.done $0x0  }
.LBB2_4:
0x22: {  	p0 =	sne.s32 s16, $0x1;
	s16 =	sadd.s32 $0xFFFFFFFF, s16;
	[sflag:s14] =	ssyncadd.s32 $0xFFFFE000  }
.Ltmp1:
0x23: {  	(pc) =	sbr.rel @p0 .LBB2_4-.Ltmp1, $3  }
0x24: {  	_ =	sdelay $0x1  }
0x25: {  	_ =	swait.ge [sflag:s14], $0x2000  }
0x26: {  	[sflag:s14] =	ssyncset.done $0x0  }
0x27: {  	s15 =	sadd.s32 $0x1, s15  }
0x28: {  	[sflag:s14] =	ssyncadd.s32 $0xFFFFE000;
	p0 =	sne.s32 s15, s9  }
.Ltmp2:
0x29: {  	[bflag:$0x0] =	sbarrier.arrive $0xFFFF;
	(pc) =	sbr.rel @p0 .LBB2_1-.Ltmp2, $4  }
0x2a: {  	[hbm:s8], [sflag:s6] =	dma.local [spmem:s10], $0x2800  }
0x2b: {  	_ =	swait.ge [sflag:s11], $0x2800  }
0x2c: {  	[sflag:s11] =	ssyncset.done $0x0  }
0x2d: {  	[sflag:s11] =	ssyncadd.s32 $0xFFFFD800  }
0x2e: {  	_ =	sfence.sel $0x180000  }
0x2f: {  	[bflag:$0x0] =	sbarrier.arrive $0xFFFF  }
0x30: {  	p0 =	sne.s32 s0, $0x0;
	_ =	strace $0x90000047  }
0x31: {  	s0 =	sadd.s32 @!p0 $0x100000, s1;
	[bflag:$0x2] =	sbarrier.arrive $0xFFFF  }
0x32: {  	[sflag:s0] =	ssyncadd.tile.s32 @!p0 $0x1;
	_ =	shalt  }
.Lfunc_end2:
_tile_overlayer_lowered:
.L_overlay_start_2:
0x33: {  	(tag) =	ssettag $0x2  }
0x34: {  	s0 =	rddreg [dreg:$0x0];
	s2 =	stileid.u32  }
0x35: {  	s1 =	rddreg [dreg:$0x1];
	p0 =	sne.s32 s2, $0x0  }
0x36: {  	s3 =	rddreg [dreg:$0x2];
	[bflag:$0x3] =	sbarrier.arrive $0xFFFF;
	s2 =	simm.s32 @!p0 $0x1C02  }
0x37: {  	[timem:s3], [sflag:s2] =	dma.local @!p0 [hbm:s0], s1  }
0x38: {  	s0 =	simm.s32 @!p0 $0x2  }
0x39: {  	_ =	swait.ge @!p0 [sflag:s0], s1  }
0x3a: {  	s1 =	ssub.s32 @!p0 $0x0, s1;
	[sflag:s0] =	ssyncset.done @!p0 $0x0  }
0x3b: {  	[sflag:s0] =	ssyncadd.s32 @!p0 s1  }
0x3c: {  	[bflag:$0x3] =	sbarrier.arrive $0xFFFF  }
0x3d: {  	_ =	shalt  }

// kernel: kernel.20.cloned.1.call-start
scs
__scs_entry_jumppad:
0x0: {  	(pc) =	sbr.rel $0x88, $3  }
0x1: {  	(tag) =	ssettag $0x0;
	lr =	simm.s32 $0x1  }
0x2: {  	[smem:$0x3F79] =	sst lr;
	_ =	strace $0xD0000000  }
0x3: {  	_ = 	snop  }
0x4: {  	_ = 	snop  }
0x5: {  	_ = 	snop  }
0x6: {  	_ = 	snop  }
0x7: {  	_ = 	snop  }
__scs_overlays_trampoline_lowered:
0x8: {  	[smem:$0x3F88] =	sst s0  }
0x9: {  	[smem:$0x3F89] =	sst s1  }
0xa: {  	[smem:$0x3F8A] =	sst s2  }
0xb: {  	[smem:$0x3F8B] =	sst s3  }
0xc: {  	[smem:$0x3F8C] =	sst s4  }
0xd: {  	[smem:$0x3F8D] =	sst s5  }
0xe: {  	[smem:$0x3F8E] =	sst s6  }
0xf: {  	[smem:$0x3F8F] =	sst s7  }
0x10: {  	[smem:$0x3F90] =	sst s8  }
0x11: {  	[smem:$0x3F91] =	sst s9;
	s0 =	simm.s32 @!p0 $0x0  }
0x12: {  	s1 =	sld [smem:$0x3F77];
	s0 =	simm.s32 @p0 $0x1  }
0x13: {  	[smem:$0x3F92] =	sst s0;
	s0 =	simm.s32 @!p1 $0x0  }
0x14: {  	s2 =	sld [smem:$0x3F76];
	s0 =	simm.s32 @p1 $0x1  }
0x15: {  	[smem:$0x3F93] =	sst s0;
	s0 =	simm.s32 @!p2 $0x0  }
0x16: {  	s3 =	sld [smem:$0x3FDB];
	s0 =	simm.s32 @p2 $0x1  }
0x17: {  	s4 =	simm.s32 $0x1BF5;
	[smem:$0x3F95] =	sst s0  }
0x18: {  	s0 =	sld [smem:$0x3F78];
	_ =	swait.ge [sflag:s4], $0x0  }
0x19: {  	s7 =	sld [smem:$0x3F79]  }
0x1a: {  	s8 =	sadd.s32 $0xFFFFE003, lr  }
0x1b: {  	s9 =	sadd.s32 $0xFFFFFEF7, lr;
	s5 =	simm.s32 $0xFFFFFFFF;
	p2 =	slt.u32 s8, $0xFFFFF086  }
0x1c: {  	p1 =	slt.u32 s9, $0xF7A;
	s5 =	simm.s32 @!p2 $0x0  }
0x1d: {  	s5 =	simm.s32 @p1 $0x1;
	p0 =	seq.s32 s7, s2  }
0x1e: {  	s7 =	smul.u32 @!p0 $0xF7A, s2;
	p2 =	seq.s32 @!p0 s5, $0x0  }
0x1f: {  	s9 =	smul.u32 $0xF7A, s1;
	s8 =	simm.s32 @!p0 $0x1BF5;
	p2 =	por !p2, p0  }
0x20: {  	[sflag:s8] =	ssyncset.s32 @!p0 $0xFFFFF086;
	s6 =	sadd.s32 @!p0 s3, s7;
	s7 =	simm.s32 @!p0 $0x108  }
0x21: {  	s3 =	sadd.s32 s3, s9;
	s6 =	sadd.s32 @!p0 $0x88, s6;
	s7 =	simm.s32 @p2 $0x1082  }
0x22: {  	[simem:s7], [sflag:s8] =	dma.local @!p0 [hbm:s6], $0xF7A  }
0x23: {  	s9 =	sor.u32 $0xD0000000, s2;
	s6 =	simm.s32 $0x108;
	_ =	swait.ge @!p0 [sflag:s8], $0x0  }
0x24: {  	s3 =	sadd.s32 $0x88, s3;
	s6 =	simm.s32 @!p1 $0x1082;
	[sflag:s4] =	ssyncset.s32 $0xFFFFF086  }
0x25: {  	[simem:s6], [sflag:s4] =	dma.local [hbm:s3], $0xF7A  }
0x26: {  	[smem:$0x3F79] =	sst s1;
	(tag) =	ssettag s2;
	_ =	strace s9  }
0x27: {  	s1 =	sld [smem:$0x3F89]  }
0x28: {  	s2 =	sld [smem:$0x3F8A]  }
0x29: {  	s4 =	sld [smem:$0x3F8C]  }
0x2a: {  	p0 =	seq.s32 s5, $0x0;
	s5 =	sld [smem:$0x3F8D]  }
0x2b: {  	s6 =	sld [smem:$0x3F8E]  }
0x2c: {  	s7 =	sld [smem:$0x3F8F]  }
0x2d: {  	s3 =	simm.s32 $0x108;
	s8 =	sld [smem:$0x3F90]  }
0x2e: {  	s3 =	simm.s32 @!p0 $0x1082;
	s9 =	sld [smem:$0x3F91]  }
0x2f: {  	lr =	sadd.s32 s0, s3;
	s0 =	sld [smem:$0x3F88]  }
0x30: {  	s3 =	sld [smem:$0x3F8B]  }
0x31: {  	[smem:$0x3F94] =	sst s10  }
0x32: {  	s10 =	sld [smem:$0x3F92];
	_ =	sdelay $0x3  }
0x33: {  	p0 =	seq.s32 s10, $0x1;
	s10 =	sld [smem:$0x3F94];
	_ =	sdelay $0x3  }
0x34: {  	[smem:$0x3F94] =	sst s10  }
0x35: {  	s10 =	sld [smem:$0x3F93];
	_ =	sdelay $0x3  }
0x36: {  	p1 =	seq.s32 s10, $0x1;
	s10 =	sld [smem:$0x3F94];
	_ =	sdelay $0x3  }
0x37: {  	[smem:$0x3F94] =	sst s10  }
0x38: {  	s10 =	sld [smem:$0x3F95]  }
0x39: {  	_ = 	snop;
	(pc) =	sbr.ind lr, $3  }
0x3a: {  	_ = 	snop  }
0x3b: {  	_ = 	snop  }
0x3c: {  	p2 =	seq.s32 s10, $0x1;
	s10 =	sld [smem:$0x3F94]  }
0x3d: {  	_ =	shalt  }
0x3e: {  	_ =	shalt  }
0x3f: {  	_ =	shalt  }
0x40: {  	_ =	shalt  }
0x41: {  	_ =	shalt  }
0x42: {  	_ =	shalt  }
0x43: {  	_ =	shalt  }
0x44: {  	_ =	shalt  }
0x45: {  	_ =	shalt  }
0x46: {  	_ =	shalt  }
0x47: {  	_ =	shalt  }
0x48: {  	_ =	shalt  }
0x49: {  	_ =	shalt  }
0x4a: {  	_ =	shalt  }
0x4b: {  	_ =	shalt  }
0x4c: {  	_ =	shalt  }
0x4d: {  	_ =	shalt  }
0x4e: {  	_ =	shalt  }
0x4f: {  	_ =	shalt  }
0x50: {  	_ =	shalt  }
0x51: {  	_ =	shalt  }
0x52: {  	_ =	shalt  }
0x53: {  	_ =	shalt  }
0x54: {  	_ =	shalt  }
0x55: {  	_ =	shalt  }
0x56: {  	_ =	shalt  }
0x57: {  	_ =	shalt  }
0x58: {  	_ =	shalt  }
0x59: {  	_ =	shalt  }
0x5a: {  	_ =	shalt  }
0x5b: {  	_ =	shalt  }
0x5c: {  	_ =	shalt  }
0x5d: {  	_ =	shalt  }
0x5e: {  	_ =	shalt  }
0x5f: {  	_ =	shalt  }
0x60: {  	_ =	shalt  }
0x61: {  	_ =	shalt  }
0x62: {  	_ =	shalt  }
0x63: {  	_ =	shalt  }
0x64: {  	_ =	shalt  }
0x65: {  	_ =	shalt  }
0x66: {  	_ =	shalt  }
0x67: {  	_ =	shalt  }
0x68: {  	_ =	shalt  }
0x69: {  	_ =	shalt  }
0x6a: {  	_ =	shalt  }
0x6b: {  	_ =	shalt  }
0x6c: {  	_ =	shalt  }
0x6d: {  	_ =	shalt  }
0x6e: {  	_ =	shalt  }
0x6f: {  	_ =	shalt  }
0x70: {  	_ =	shalt  }
0x71: {  	_ =	shalt  }
0x72: {  	_ =	shalt  }
0x73: {  	_ =	shalt  }
0x74: {  	_ =	shalt  }
0x75: {  	_ =	shalt  }
0x76: {  	_ =	shalt  }
0x77: {  	_ =	shalt  }
0x78: {  	_ =	shalt  }
0x79: {  	_ =	shalt  }
0x7a: {  	_ =	shalt  }
0x7b: {  	_ =	shalt  }
0x7c: {  	_ =	shalt  }
0x7d: {  	_ =	shalt  }
0x7e: {  	_ =	shalt  }
0x7f: {  	_ =	shalt  }
0x80: {  	_ =	shalt  }
0x81: {  	_ =	shalt  }
0x82: {  	_ =	shalt  }
0x83: {  	_ =	shalt  }
0x84: {  	_ =	shalt  }
0x85: {  	_ =	shalt  }
0x86: {  	_ =	shalt  }
0x87: {  	_ =	shalt  }
.Lfunc_end0:
.L_simem_size_0:
called_computation.1_lowered:
.L_overlay_start_0:
0x88: {  	s2 =	sld [smem:$0x3FD9]  }
0x89: {  	s3 =	sld [smem:$0x3FFE];
	_ =	sdelay $0x1  }
0x8a: {  	s1 =	srdreg.scid  }
0x8b: {  	s0 =	sand.u32 $0x1, s1  }
0x8c: {  	s16 =	sshll.u32 s0, $0xA;
	s2 =	sadd.s32 s3, s2  }
0x8d: {  	s2 =	sadd.s32 s2, s16  }
0x8e: {  	[smem:$0x3FA0] =	sst s2  }
0x8f: {  	_ = 	snop  }
0x90: {  	(tm) =	ssettm $0x1  }
0x91: {  	s17 =	sld [smem:$0x3FFB];
	_ =	sdelay $0x3  }
0x92: {  	_ =	strace s17  }
0x93: {  	s2 =	sld [smem:$0x3FFC];
	_ =	sdelay $0x3  }
0x94: {  	_ =	strace s2  }
0x95: {  	s2 =	sld [smem:$0x3FFD];
	_ =	sdelay $0x3  }
0x96: {  	_ =	strace s2  }
0x97: {  	_ =	strace $0x8FFFFFFF  }
0x98: {  	s18 =	sld [smem:$0x3FDB];
	_ =	sdelay $0x1  }
0x99: {  	s19 =	simm.s32 $_scs_section_size  }
0x9a: {  	s4 =	simm.s32 $_size__tile_overlayer_lowered;
	s5 =	simm.s32 $_tile_overlayer_lowered  }
0x9b: {  	s22 =	simm.s32 $0x1BFF;
	s21 =	sshll.u32 s5, $0x1;
	s2 =	sadd.s32 s19, s18  }
0x9c: {  	s6 =	simm.s32 $0x0;
	s20 =	sshll.u32 s4, $0x1;
	s4 =	sadd.s32 s21, s2  }
0x9d: {  	[timem:s6], [sflag:s22] =	dma.local [hbm:s4], s20  }
0x9e: {  	_ =	swait.ge [sflag:s22], s20  }
0x9f: {  	s3 =	ssub.s32 $0x0, s20;
	[sflag:s22] =	ssyncset.done $0x0  }
0xa0: {  	[sflag:s22] =	ssyncadd.s32 s3;
	_ =	sdelay $0x1  }
0xa1: {  	s23 =	simm.s32 $0x1B8B  }
0xa2: {  	_ =	swait.ge [sflag:s23], $0x1  }
0xa3: {  	[sflag:s23] =	ssyncset.done $0x0  }
0xa4: {  	s25 =	simm.s32 $0x1B8E;
	s24 =	sld [smem:$0x3FFE];
	[sflag:s23] =	ssyncadd.s32 $0xFFFFFFFF  }
0xa5: {  	s26 =	simm.s32 $execute0_lowered;
	[smem:$0x3FD2] =	sst s25  }
0xa6: {  	s4 =	sshll.u32 s26, $0x1;
	_ =	strace $0x80000049;
	[dreg:$0x1] =	wrdreg $0xFFFFFFFF  }
0xa7: {  	s28 =	simm.s32 $_size_execute0_lowered;
	s2 =	sadd.s32 s2, s4;
	[dreg:$0x0] =	wrdreg $0x0  }
0xa8: {  	s4 =	sshll.u32 s28, $0x1;
	[dreg:$0x2] =	wrdreg s2  }
0xa9: {  	[dreg:$0x3] =	wrdreg s4  }
0xaa: {  	[dreg:$0x4] =	wrdreg $0xC0  }
0xab: {  	_ =	task [dreg:s6], $0x5FFFF  }
0xac: {  	[dreg:$0x1] =	wrdreg $0xFFFFFFFF  }
0xad: {  	[dreg:$0x0] =	wrdreg $0x60  }
0xae: {  	[dreg:$0x2] =	wrdreg s24  }
0xaf: {  	[dreg:$0x3] =	wrdreg $0xA8000  }
0xb0: {  	[dreg:$0x4] =	wrdreg $0x9  }
0xb1: {  	_ =	task.clear_ibuf [dreg:s6], $0x5FFFF;
	_ =	strace $0x90000049  }
0xb2: {  	s29 =	simm.s32 $0x9;
	_ =	strace $0x8000004B  }
0xb3: {  	_ =	swait.ge [sflag:s29], $0x1  }
0xb4: {  	[sflag:s29] =	ssyncadd.s32 $0xFFFFFFFF  }
0xb5: {  	_ =	strace $0x9000004B  }
0xb6: {  	_ =	sfence  }
0xb7: {  	s30 =	sld [smem:$0x0];
	_ =	sdelay $0x2  }
0xb8: {  	s31 =	sshll.u32 s1, $0xD;
	s1 =	sshrl.u32 s1, $0x2  }
0xb9: {  	s3 =	sand.u32 $0x4000, s31;
	s1 =	sadd.s32 s1, s30  }
0xba: {  	s0 =	sor.u32 s3, s0;
	s1 =	sshll.u32 s1, $0x11  }
0xbb: {  	s0 =	sor.u32 s1, s0  }
0xbc: {  	s0 =	sadd.s32 $0x8F2B, s0  }
0xbd: {  	[sflag:s0] =	ssyncadd.remote.s32 $0x1  }
0xbe: {  	_ =	sfence.sel $0xFFFF  }
0xbf: {  	[dreg:$0x0] =	wrdreg $0xFFFFFFFF;
	(pc) =	sbr.abs _section_cstart, $3  }
0xc0: {  	[dreg:$0x1] =	wrdreg $0xFFFFFFFF  }
0xc1: {  	_ =	task.clear_ibuf [dreg:s6], $0x2FFFF;
	_ =	strace $0x9FFFFFFF  }
0xc2: {  	(tm) =	ssettm $0x7FFFFFFF  }
0xc3: {  	_ =	shalt  }
tec
execute0_lowered:
.L_overlay_start_1:
0x0: {  	(tag) =	ssettag $0x1  }
0x1: {  	s6 =	rddreg [dreg:$0x0]  }
0x2: {  	s0 =	srdreg.scid;
	s1 =	rddreg [dreg:$0x1];
	s3 =	simm.s32 $0x0  }
0x3: {  	s28 =	stileid.u32;
	s14 =	simm.s32 $0x1400;
	s15 =	simm.s32 $0x40  }
0x4: {  	s16 =	simm.s32 $0x2800;
	s17 =	simm.s32 $0x80;
	s18 =	simm.s32 $0x4800  }
0x5: {  	s19 =	simm.s32 $0x1;
	s20 =	simm.s32 $0x2;
	s21 =	simm.s32 $0x2700  }
0x6: {  	s22 =	simm.s32 $0x6800;
	s23 =	simm.s32 $0x2780;
	s8 =	smul.u32 $0x280, s28  }
0x7: {  	s24 =	simm.s32 $0x8800;
	s5 =	sand.u32 $0x1, s0;
	s10 =	smul.u32 $0x50000, s28  }
0x8: {  	[smem:$0x7FF] =	sst s3;
	s31 =	sshll.u32 s28, $0x6;
	s4 =	smul.u32 $0x14000, s5  }
0x9: {  	s7 =	smul.u32 $0x2800, s5;
	_ =	strace $0x8000004A;
	s29 =	ssub.s32 $0x2, s5  }
0xa: {  	s5 =	sadd.s32 $0x1C600, s6;
	s11 =	sshrl.u32 s29, $0x1;
	s30 =	sshrl.u32 s10, $0x2  }
0xb: {  	s9 =	sadd.s32 s4, s6;
	s4 =	sadd.s32 $0x8600, s6;
	s7 =	sadd.s32 s8, s7  }
0xc: {  	s11 =	ssub.s32 s29, s11;
	s13 =	sadd.s32 s30, s1;
	s8 =	smul.u32 $0x140, s28  }
0xd: {  	s7 =	sshll.u32 s7, $0x4;
	s9 =	sadd.s32 $0xBC600, s9;
	s11 =	smax.u32 s11, $0x1  }
0xe: {  	s12 =	sadd.s32 s7, s6;
	s6 =	sadd.s32 s5, s7;
	s7 =	sor.u32 $0x1C03, s31  }
0xf: {  	s10 =	sadd.s32 $0xE4600, s12;
	s12 =	sshrl.u32 s13, $0x3;
	s13 =	simm.s32 $0x3  }
.LBB2_1:
0x10: {  	[spmem:s12], [sflag:s7] =	dma.local [hbm:s6], $0x2800  }
0x11: {  	_ =	swait.ge [sflag:s13], $0x2800  }
0x12: {  	[sflag:s13] =	ssyncset.done $0x0  }
0x13: {  	[sflag:s13] =	ssyncadd.s32 $0xFFFFD800  }
0x14: {  	s25 =	simm.s32 $0x0;
	[bflag:$0x0] =	sbarrier.arrive $0xFFFF  }
.LBB2_2:
0x15: {  	s26 =	smul.u32 $0x28, s25;
	_ =	sdelay $0x1  }
0x16: {  	s26 =	sadd.s32 s8, s26  }
0x17: {  	s26 =	sshll.u32 s26, $0x4  }
0x18: {  	s29 =	simm.s32 $0x0;
	s28 =	sadd.s32 s26, s9  }
0x19: {  	[tilespmem:s29], [sflag:$0x3] =	stream.linear.gather [hbm4b:s28+s29], $0x1400, $0x38;
	[tilespmem:$0x1E800] =	vst v63  }
0x1a: {  	_ =	swait.ge [sflag:s13], $0x1400  }
0x1b: {  	[sflag:s13] =	ssyncset.done $0x0  }
0x1c: {  	s26 =	sadd.s32 s4, s26;
	[sflag:s13] =	ssyncadd.s32 $0xFFFFEC00  }
0x1d: {  	[tilespmem:s14], [sflag:$0x3] =	stream.linear.gather [hbm4b:s26+s29], $0x1400, $0x38;
	[tilespmem:$0x1E800] =	vst v63  }
0x1e: {  	_ =	swait.ge [sflag:s13], $0x1400  }
0x1f: {  	[sflag:s13] =	ssyncset.done $0x0  }
0x20: {  	[sflag:s13] =	ssyncadd.s32 $0xFFFFEC00  }
0x21: {  	[tilespmem:s16], [sflag:$0x1] =	stream.indirect.gather [hbm4b:s5+s15], $0x80, s29, s15, $0xb8;
	[tilespmem:$0x1E800] =	vst v63  }
0x22: {  	_ = 	snop  }
0x23: {  	[tilespmem:s18], [sflag:$0x1] =	stream.indirect.gather [hbm4b:s5+s15], $0x80, s17, s15, $0xb8;
	[tilespmem:$0x1E800] =	vst v63  }
0x24: {  	_ =	swait.ge [sflag:s19], $0x2000  }
0x25: {  	[sflag:s19] =	ssyncset.done $0x0  }
0x26: {  	s28 =	sand.u32 $0x10000, s29;
	[sflag:s19] =	ssyncadd.s32 $0xFFFFE000  }
0x27: {  	s30 =	sxor.u32 $0x10000, s28;
	_ =	swait.ge [sflag:s19], $0x2000  }
0x28: {  	s29 =	sshrl.u32 s30, $0x2;
	[sflag:s19] =	ssyncset.done $0x0  }
0x29: {  	s30 =	simm.s32 $0x100;
	s26 =	sor.u32 $0x2800, s29;
	[sflag:s19] =	ssyncadd.s32 $0xFFFFE000  }
0x2a: {  	[tilespmem:s26], [sflag:$0x1] =	stream.indirect.gather [hbm4b:s5+s15], $0x80, s30, s15, $0xb8;
	[tilespmem:$0x1E800] =	vst v63  }
0x2b: {  	s31 =	sshrl.u32 s28, $0x2;
	s28 =	sadd.s32 $0x4800, s29;
	s26 =	simm.s32 $0x180  }
0x2c: {  	[tilespmem:s28], [sflag:$0x1] =	stream.indirect.gather [hbm4b:s5+s15], $0x80, s26, s15, $0xb8;
	[tilespmem:$0x1E800] =	vst v63  }
0x2d: {  	s29 =	simm.s32 $0x1400;
	s28 =	sor.u32 $0x2800, s31  }
0x2e: {  	[spmem:s1] =	stream.indirect.scatter.add.f32 [tilespmem:s28], [sflag:$0x2], $0x80, s29, s15, $0xb8;
	[tilespmem:$0x1E800] =	vst v63  }
0x2f: {  	s28 =	simm.s32 $0x1480;
	s29 =	sadd.s32 $0x4800, s31  }
0x30: {  	[spmem:s1] =	stream.indirect.scatter.add.f32 [tilespmem:s29], [sflag:$0x2], $0x80, s28, s15, $0xb8;
	[tilespmem:$0x1E800] =	vst v63  }
0x31: {  	_ =	swait.ge [sflag:s20], $0x2000  }
0x32: {  	[sflag:s20] =	ssyncset.done $0x0  }
0x33: {  	[sflag:s20] =	ssyncadd.s32 $0xFFFFE000  }
0x34: {  	_ =	swait.ge [sflag:s20], $0x2000  }
0x35: {  	s29 =	simm.s32 $0x10000;
	[sflag:s20] =	ssyncset.done $0x0  }
.LBB2_3:
0x36: {  	[sflag:s20] =	ssyncadd.s32 $0xFFFFE000  }
0x37: {  	s28 =	sadd.s32 $0x100, s28;
	s26 =	sadd.s32 $0x100, s26;
	s30 =	smov.u32 s29  }
0x38: {  	p0 =	sne.s32 s29, $0x120000;
	s29 =	sadd.s32 $0x10000, s29;
	_ =	swait.ge [sflag:s19], $0x2000  }
0x39: {  	[sflag:s19] =	ssyncset.done $0x0  }
0x3a: {  	s30 =	sand.u32 $0x10000, s30;
	[sflag:s19] =	ssyncadd.s32 $0xFFFFE000  }
0x3b: {  	s31 =	sxor.u32 $0x10000, s30;
	s30 =	sshrl.u32 s30, $0x2;
	_ =	swait.ge [sflag:s19], $0x2000  }
0x3c: {  	s31 =	sshrl.u32 s31, $0x2;
	[sflag:s19] =	ssyncset.done $0x0  }
0x3d: {  	s2 =	sadd.s32 $0xFFFFFF80, s26;
	s0 =	sor.u32 $0x2800, s31;
	[sflag:s19] =	ssyncadd.s32 $0xFFFFE000  }
0x3e: {  	[tilespmem:s0], [sflag:$0x1] =	stream.indirect.gather [hbm4b:s5+s15], $0x80, s2, s15, $0xb8;
	[tilespmem:$0x1E800] =	vst v63  }
0x3f: {  	s0 =	sadd.s32 $0x4800, s31  }
0x40: {  	[tilespmem:s0], [sflag:$0x1] =	stream.indirect.gather [hbm4b:s5+s15], $0x80, s26, s15, $0xb8;
	[tilespmem:$0x1E800] =	vst v63  }
0x41: {  	s2 =	sadd.s32 $0xFFFFFF80, s28;
	s0 =	sor.u32 $0x2800, s30  }
0x42: {  	[spmem:s1] =	stream.indirect.scatter.add.f32 [tilespmem:s0], [sflag:$0x2], $0x80, s2, s15, $0xb8;
	[tilespmem:$0x1E800] =	vst v63  }
0x43: {  	s0 =	sadd.s32 $0x4800, s30  }
0x44: {  	[spmem:s1] =	stream.indirect.scatter.add.f32 [tilespmem:s0], [sflag:$0x2], $0x80, s28, s15, $0xb8;
	[tilespmem:$0x1E800] =	vst v63  }
.Ltmp0:
0x45: {  	_ =	swait.ge [sflag:s20], $0x2000;
	(pc) =	sbr.rel @p0 .LBB2_3-.Ltmp0, $4  }
0x46: {  	[sflag:s20] =	ssyncset.done $0x0  }
0x47: {  	[sflag:s20] =	ssyncadd.s32 $0xFFFFE000  }
0x48: {  	_ =	swait.ge [sflag:s20], $0x2000  }
0x49: {  	[sflag:s20] =	ssyncset.done $0x0  }
0x4a: {  	[sflag:s20] =	ssyncadd.s32 $0xFFFFE000  }
0x4b: {  	_ =	swait.ge [sflag:s19], $0x2000  }
0x4c: {  	[sflag:s19] =	ssyncset.done $0x0  }
0x4d: {  	[sflag:s19] =	ssyncadd.s32 $0xFFFFE000  }
0x4e: {  	_ =	swait.ge [sflag:s19], $0x2000  }
0x4f: {  	[sflag:s19] =	ssyncset.done $0x0  }
0x50: {  	[sflag:s19] =	ssyncadd.s32 $0xFFFFE000  }
0x51: {  	[spmem:s1] =	stream.indirect.scatter.add.f32 [tilespmem:s22], [sflag:$0x2], $0x80, s21, s15, $0xb8;
	[tilespmem:$0x1E800] =	vst v63  }
0x52: {  	s25 =	sadd.s32 $0x1, s25  }
0x53: {  	[spmem:s1] =	stream.indirect.scatter.add.f32 [tilespmem:s24], [sflag:$0x2], $0x80, s23, s15, $0xb8;
	[tilespmem:$0x1E800] =	vst v63  }
0x54: {  	p0 =	sne.s32 s25, $0x8;
	_ =	swait.ge [sflag:s20], $0x2000  }
.Ltmp1:
0x55: {  	[sflag:s20] =	ssyncset.done $0x0;
	(pc) =	sbr.rel @p0 .LBB2_2-.Ltmp1, $4  }
0x56: {  	[sflag:s20] =	ssyncadd.s32 $0xFFFFE000  }
0x57: {  	_ =	swait.ge [sflag:s20], $0x2000  }
0x58: {  	[sflag:s20] =	ssyncset.done $0x0  }
0x59: {  	[sflag:s20] =	ssyncadd.s32 $0xFFFFE000  }
0x5a: {  	s3 =	sadd.s32 $0x1, s3  }
0x5b: {  	p0 =	sne.s32 s3, s11  }
.Ltmp2:
0x5c: {  	[bflag:$0x0] =	sbarrier.arrive $0xFFFF;
	(pc) =	sbr.rel @p0 .LBB2_1-.Ltmp2, $4  }
0x5d: {  	[hbm:s10], [sflag:s7] =	dma.local [spmem:s12], $0x2800  }
0x5e: {  	_ =	swait.ge [sflag:s13], $0x2800  }
0x5f: {  	[sflag:s13] =	ssyncset.done $0x0  }
0x60: {  	[sflag:s13] =	ssyncadd.s32 $0xFFFFD800  }
0x61: {  	_ =	sfence.sel $0x180000  }
0x62: {  	[bflag:$0x0] =	sbarrier.arrive $0xFFFF  }
0x63: {  	_ =	strace $0x9000004A  }
0x64: {  	s0 =	stileid.u32;
	[bflag:$0x2] =	sbarrier.arrive $0xFFFF  }
0x65: {  	p0 =	sne.s32 s0, $0x0;
	s0 =	rddreg [dreg:$0x2]  }
0x66: {  	s0 =	sadd.s32 @!p0 $0x100000, s0  }
0x67: {  	[sflag:s0] =	ssyncadd.tile.s32 @!p0 $0x1;
	_ =	shalt  }
.Lfunc_end2:
_tile_overlayer_lowered:
.L_overlay_start_2:
0x68: {  	(tag) =	ssettag $0x2  }
0x69: {  	s0 =	rddreg [dreg:$0x0];
	s2 =	stileid.u32  }
0x6a: {  	s1 =	rddreg [dreg:$0x1];
	p0 =	sne.s32 s2, $0x0  }
0x6b: {  	s3 =	rddreg [dreg:$0x2];
	[bflag:$0x3] =	sbarrier.arrive $0xFFFF;
	s2 =	simm.s32 @!p0 $0x1C03  }
0x6c: {  	[timem:s3], [sflag:s2] =	dma.local @!p0 [hbm:s0], s1  }
0x6d: {  	s0 =	simm.s32 @!p0 $0x3  }
0x6e: {  	_ =	swait.ge @!p0 [sflag:s0], s1  }
0x6f: {  	s1 =	ssub.s32 @!p0 $0x0, s1;
	[sflag:s0] =	ssyncset.done @!p0 $0x0  }
0x70: {  	[sflag:s0] =	ssyncadd.s32 @!p0 s1  }
0x71: {  	[bflag:$0x3] =	sbarrier.arrive $0xFFFF  }
0x72: {  	_ =	shalt  }

// kernel: kernel.23.cloned.1.call-start
scs
__scs_entry_jumppad:
0x0: {  	(pc) =	sbr.rel $0x88, $3  }
0x1: {  	(tag) =	ssettag $0x0;
	lr =	simm.s32 $0x1  }
0x2: {  	[smem:$0x3F79] =	sst lr;
	_ =	strace $0xD0000000  }
0x3: {  	_ = 	snop  }
0x4: {  	_ = 	snop  }
0x5: {  	_ = 	snop  }
0x6: {  	_ = 	snop  }
0x7: {  	_ = 	snop  }
__scs_overlays_trampoline_lowered:
0x8: {  	[smem:$0x3F88] =	sst s0  }
0x9: {  	[smem:$0x3F89] =	sst s1  }
0xa: {  	[smem:$0x3F8A] =	sst s2  }
0xb: {  	[smem:$0x3F8B] =	sst s3  }
0xc: {  	[smem:$0x3F8C] =	sst s4  }
0xd: {  	[smem:$0x3F8D] =	sst s5  }
0xe: {  	[smem:$0x3F8E] =	sst s6  }
0xf: {  	[smem:$0x3F8F] =	sst s7  }
0x10: {  	[smem:$0x3F90] =	sst s8  }
0x11: {  	[smem:$0x3F91] =	sst s9;
	s0 =	simm.s32 @!p0 $0x0  }
0x12: {  	s1 =	sld [smem:$0x3F77];
	s0 =	simm.s32 @p0 $0x1  }
0x13: {  	[smem:$0x3F92] =	sst s0;
	s0 =	simm.s32 @!p1 $0x0  }
0x14: {  	s2 =	sld [smem:$0x3F76];
	s0 =	simm.s32 @p1 $0x1  }
0x15: {  	[smem:$0x3F93] =	sst s0;
	s0 =	simm.s32 @!p2 $0x0  }
0x16: {  	s3 =	sld [smem:$0x3FDB];
	s0 =	simm.s32 @p2 $0x1  }
0x17: {  	s4 =	simm.s32 $0x1BF5;
	[smem:$0x3F95] =	sst s0  }
0x18: {  	s0 =	sld [smem:$0x3F78];
	_ =	swait.ge [sflag:s4], $0x0  }
0x19: {  	s7 =	sld [smem:$0x3F79]  }
0x1a: {  	s8 =	sadd.s32 $0xFFFFE003, lr  }
0x1b: {  	s9 =	sadd.s32 $0xFFFFFEF7, lr;
	s5 =	simm.s32 $0xFFFFFFFF;
	p2 =	slt.u32 s8, $0xFFFFF086  }
0x1c: {  	p1 =	slt.u32 s9, $0xF7A;
	s5 =	simm.s32 @!p2 $0x0  }
0x1d: {  	s5 =	simm.s32 @p1 $0x1;
	p0 =	seq.s32 s7, s2  }
0x1e: {  	s7 =	smul.u32 @!p0 $0xF7A, s2;
	p2 =	seq.s32 @!p0 s5, $0x0  }
0x1f: {  	s9 =	smul.u32 $0xF7A, s1;
	s8 =	simm.s32 @!p0 $0x1BF5;
	p2 =	por !p2, p0  }
0x20: {  	[sflag:s8] =	ssyncset.s32 @!p0 $0xFFFFF086;
	s6 =	sadd.s32 @!p0 s3, s7;
	s7 =	simm.s32 @!p0 $0x108  }
0x21: {  	s3 =	sadd.s32 s3, s9;
	s6 =	sadd.s32 @!p0 $0x88, s6;
	s7 =	simm.s32 @p2 $0x1082  }
0x22: {  	[simem:s7], [sflag:s8] =	dma.local @!p0 [hbm:s6], $0xF7A  }
0x23: {  	s9 =	sor.u32 $0xD0000000, s2;
	s6 =	simm.s32 $0x108;
	_ =	swait.ge @!p0 [sflag:s8], $0x0  }
0x24: {  	s3 =	sadd.s32 $0x88, s3;
	s6 =	simm.s32 @!p1 $0x1082;
	[sflag:s4] =	ssyncset.s32 $0xFFFFF086  }
0x25: {  	[simem:s6], [sflag:s4] =	dma.local [hbm:s3], $0xF7A  }
0x26: {  	[smem:$0x3F79] =	sst s1;
	(tag) =	ssettag s2;
	_ =	strace s9  }
0x27: {  	s1 =	sld [smem:$0x3F89]  }
0x28: {  	s2 =	sld [smem:$0x3F8A]  }
0x29: {  	s4 =	sld [smem:$0x3F8C]  }
0x2a: {  	p0 =	seq.s32 s5, $0x0;
	s5 =	sld [smem:$0x3F8D]  }
0x2b: {  	s6 =	sld [smem:$0x3F8E]  }
0x2c: {  	s7 =	sld [smem:$0x3F8F]  }
0x2d: {  	s3 =	simm.s32 $0x108;
	s8 =	sld [smem:$0x3F90]  }
0x2e: {  	s3 =	simm.s32 @!p0 $0x1082;
	s9 =	sld [smem:$0x3F91]  }
0x2f: {  	lr =	sadd.s32 s0, s3;
	s0 =	sld [smem:$0x3F88]  }
0x30: {  	s3 =	sld [smem:$0x3F8B]  }
0x31: {  	[smem:$0x3F94] =	sst s10  }
0x32: {  	s10 =	sld [smem:$0x3F92];
	_ =	sdelay $0x3  }
0x33: {  	p0 =	seq.s32 s10, $0x1;
	s10 =	sld [smem:$0x3F94];
	_ =	sdelay $0x3  }
0x34: {  	[smem:$0x3F94] =	sst s10  }
0x35: {  	s10 =	sld [smem:$0x3F93];
	_ =	sdelay $0x3  }
0x36: {  	p1 =	seq.s32 s10, $0x1;
	s10 =	sld [smem:$0x3F94];
	_ =	sdelay $0x3  }
0x37: {  	[smem:$0x3F94] =	sst s10  }
0x38: {  	s10 =	sld [smem:$0x3F95]  }
0x39: {  	_ = 	snop;
	(pc) =	sbr.ind lr, $3  }
0x3a: {  	_ = 	snop  }
0x3b: {  	_ = 	snop  }
0x3c: {  	p2 =	seq.s32 s10, $0x1;
	s10 =	sld [smem:$0x3F94]  }
0x3d: {  	_ =	shalt  }
0x3e: {  	_ =	shalt  }
0x3f: {  	_ =	shalt  }
0x40: {  	_ =	shalt  }
0x41: {  	_ =	shalt  }
0x42: {  	_ =	shalt  }
0x43: {  	_ =	shalt  }
0x44: {  	_ =	shalt  }
0x45: {  	_ =	shalt  }
0x46: {  	_ =	shalt  }
0x47: {  	_ =	shalt  }
0x48: {  	_ =	shalt  }
0x49: {  	_ =	shalt  }
0x4a: {  	_ =	shalt  }
0x4b: {  	_ =	shalt  }
0x4c: {  	_ =	shalt  }
0x4d: {  	_ =	shalt  }
0x4e: {  	_ =	shalt  }
0x4f: {  	_ =	shalt  }
0x50: {  	_ =	shalt  }
0x51: {  	_ =	shalt  }
0x52: {  	_ =	shalt  }
0x53: {  	_ =	shalt  }
0x54: {  	_ =	shalt  }
0x55: {  	_ =	shalt  }
0x56: {  	_ =	shalt  }
0x57: {  	_ =	shalt  }
0x58: {  	_ =	shalt  }
0x59: {  	_ =	shalt  }
0x5a: {  	_ =	shalt  }
0x5b: {  	_ =	shalt  }
0x5c: {  	_ =	shalt  }
0x5d: {  	_ =	shalt  }
0x5e: {  	_ =	shalt  }
0x5f: {  	_ =	shalt  }
0x60: {  	_ =	shalt  }
0x61: {  	_ =	shalt  }
0x62: {  	_ =	shalt  }
0x63: {  	_ =	shalt  }
0x64: {  	_ =	shalt  }
0x65: {  	_ =	shalt  }
0x66: {  	_ =	shalt  }
0x67: {  	_ =	shalt  }
0x68: {  	_ =	shalt  }
0x69: {  	_ =	shalt  }
0x6a: {  	_ =	shalt  }
0x6b: {  	_ =	shalt  }
0x6c: {  	_ =	shalt  }
0x6d: {  	_ =	shalt  }
0x6e: {  	_ =	shalt  }
0x6f: {  	_ =	shalt  }
0x70: {  	_ =	shalt  }
0x71: {  	_ =	shalt  }
0x72: {  	_ =	shalt  }
0x73: {  	_ =	shalt  }
0x74: {  	_ =	shalt  }
0x75: {  	_ =	shalt  }
0x76: {  	_ =	shalt  }
0x77: {  	_ =	shalt  }
0x78: {  	_ =	shalt  }
0x79: {  	_ =	shalt  }
0x7a: {  	_ =	shalt  }
0x7b: {  	_ =	shalt  }
0x7c: {  	_ =	shalt  }
0x7d: {  	_ =	shalt  }
0x7e: {  	_ =	shalt  }
0x7f: {  	_ =	shalt  }
0x80: {  	_ =	shalt  }
0x81: {  	_ =	shalt  }
0x82: {  	_ =	shalt  }
0x83: {  	_ =	shalt  }
0x84: {  	_ =	shalt  }
0x85: {  	_ =	shalt  }
0x86: {  	_ =	shalt  }
0x87: {  	_ =	shalt  }
.Lfunc_end0:
.L_simem_size_0:
called_computation.2_lowered:
.L_overlay_start_0:
0x88: {  	s2 =	sld [smem:$0x3FD9]  }
0x89: {  	s3 =	sld [smem:$0x3FFE];
	_ =	sdelay $0x1  }
0x8a: {  	s1 =	srdreg.scid  }
0x8b: {  	s0 =	sand.u32 $0x1, s1  }
0x8c: {  	s16 =	sshll.u32 s0, $0xA;
	s2 =	sadd.s32 s3, s2  }
0x8d: {  	s2 =	sadd.s32 s2, s16  }
0x8e: {  	[smem:$0x3FA0] =	sst s2  }
0x8f: {  	_ = 	snop  }
0x90: {  	(tm) =	ssettm $0x1  }
0x91: {  	s17 =	sld [smem:$0x3FFB];
	_ =	sdelay $0x3  }
0x92: {  	_ =	strace s17  }
0x93: {  	s2 =	sld [smem:$0x3FFC];
	_ =	sdelay $0x3  }
0x94: {  	_ =	strace s2  }
0x95: {  	s2 =	sld [smem:$0x3FFD];
	_ =	sdelay $0x3  }
0x96: {  	_ =	strace s2  }
0x97: {  	_ =	strace $0x8FFFFFFF  }
0x98: {  	s18 =	sld [smem:$0x3FDB];
	_ =	sdelay $0x1  }
0x99: {  	s19 =	simm.s32 $_scs_section_size  }
0x9a: {  	s4 =	simm.s32 $_size__tile_overlayer_lowered;
	s5 =	simm.s32 $_tile_overlayer_lowered  }
0x9b: {  	s22 =	simm.s32 $0x1BFF;
	s21 =	sshll.u32 s5, $0x1;
	s2 =	sadd.s32 s19, s18  }
0x9c: {  	s6 =	simm.s32 $0x0;
	s20 =	sshll.u32 s4, $0x1;
	s4 =	sadd.s32 s21, s2  }
0x9d: {  	[timem:s6], [sflag:s22] =	dma.local [hbm:s4], s20  }
0x9e: {  	_ =	swait.ge [sflag:s22], s20  }
0x9f: {  	s3 =	ssub.s32 $0x0, s20;
	[sflag:s22] =	ssyncset.done $0x0  }
0xa0: {  	[sflag:s22] =	ssyncadd.s32 s3;
	_ =	sdelay $0x1  }
0xa1: {  	s23 =	simm.s32 $0x1B8B  }
0xa2: {  	_ =	swait.ge [sflag:s23], $0x1  }
0xa3: {  	[sflag:s23] =	ssyncset.done $0x0  }
0xa4: {  	s25 =	simm.s32 $0x1B8E;
	s24 =	sld [smem:$0x3FFE];
	[sflag:s23] =	ssyncadd.s32 $0xFFFFFFFF  }
0xa5: {  	s26 =	simm.s32 $execute0_lowered;
	[smem:$0x3FD2] =	sst s25  }
0xa6: {  	s4 =	sshll.u32 s26, $0x1;
	_ =	strace $0x8000004C;
	[dreg:$0x1] =	wrdreg $0xFFFFFFFF  }
0xa7: {  	s28 =	simm.s32 $_size_execute0_lowered;
	s2 =	sadd.s32 s2, s4;
	[dreg:$0x0] =	wrdreg $0x0  }
0xa8: {  	s4 =	sshll.u32 s28, $0x1;
	[dreg:$0x2] =	wrdreg s2  }
0xa9: {  	[dreg:$0x3] =	wrdreg s4  }
0xaa: {  	[dreg:$0x4] =	wrdreg $0xC0  }
0xab: {  	_ =	task [dreg:s6], $0x5FFFF  }
0xac: {  	[dreg:$0x1] =	wrdreg $0xFFFFFFFF  }
0xad: {  	[dreg:$0x0] =	wrdreg $0x60  }
0xae: {  	[dreg:$0x2] =	wrdreg s24  }
0xaf: {  	[dreg:$0x3] =	wrdreg $0xA8000  }
0xb0: {  	[dreg:$0x4] =	wrdreg $0x9  }
0xb1: {  	_ =	task.clear_ibuf [dreg:s6], $0x5FFFF;
	_ =	strace $0x9000004C  }
0xb2: {  	s29 =	simm.s32 $0x9;
	_ =	strace $0x8000004E  }
0xb3: {  	_ =	swait.ge [sflag:s29], $0x1  }
0xb4: {  	[sflag:s29] =	ssyncadd.s32 $0xFFFFFFFF  }
0xb5: {  	_ =	strace $0x9000004E  }
0xb6: {  	_ =	sfence  }
0xb7: {  	s30 =	sld [smem:$0x0];
	_ =	sdelay $0x2  }
0xb8: {  	s31 =	sshll.u32 s1, $0xD;
	s1 =	sshrl.u32 s1, $0x2  }
0xb9: {  	s3 =	sand.u32 $0x4000, s31;
	s1 =	sadd.s32 s1, s30  }
0xba: {  	s0 =	sor.u32 s3, s0;
	s1 =	sshll.u32 s1, $0x11  }
0xbb: {  	s0 =	sor.u32 s1, s0  }
0xbc: {  	s0 =	sadd.s32 $0x8F2B, s0  }
0xbd: {  	[sflag:s0] =	ssyncadd.remote.s32 $0x1  }
0xbe: {  	_ =	sfence.sel $0xFFFF  }
0xbf: {  	[dreg:$0x0] =	wrdreg $0xFFFFFFFF;
	(pc) =	sbr.abs _section_cstart, $3  }
0xc0: {  	[dreg:$0x1] =	wrdreg $0xFFFFFFFF  }
0xc1: {  	_ =	task.clear_ibuf [dreg:s6], $0x2FFFF;
	_ =	strace $0x9FFFFFFF  }
0xc2: {  	(tm) =	ssettm $0x7FFFFFFF  }
0xc3: {  	_ =	shalt  }
tec
execute0_lowered:
.L_overlay_start_1:
0x0: {  	(tag) =	ssettag $0x1  }
0x1: {  	s6 =	rddreg [dreg:$0x0]  }
0x2: {  	s0 =	srdreg.scid;
	s1 =	rddreg [dreg:$0x1];
	s3 =	simm.s32 $0x0  }
0x3: {  	s28 =	stileid.u32;
	s14 =	simm.s32 $0x1400;
	s15 =	simm.s32 $0x40  }
0x4: {  	s16 =	simm.s32 $0x2800;
	s17 =	simm.s32 $0x80;
	s18 =	simm.s32 $0x4800  }
0x5: {  	s19 =	simm.s32 $0x1;
	s20 =	simm.s32 $0x2;
	s21 =	simm.s32 $0x2700  }
0x6: {  	s22 =	simm.s32 $0x6800;
	s23 =	simm.s32 $0x2780;
	s8 =	smul.u32 $0x280, s28  }
0x7: {  	s24 =	simm.s32 $0x8800;
	s5 =	sand.u32 $0x1, s0;
	s10 =	smul.u32 $0x50000, s28  }
0x8: {  	[smem:$0x7FF] =	sst s3;
	s31 =	sshll.u32 s28, $0x6;
	s4 =	smul.u32 $0x14000, s5  }
0x9: {  	s7 =	smul.u32 $0x2800, s5;
	_ =	strace $0x8000004D;
	s29 =	ssub.s32 $0x2, s5  }
0xa: {  	s5 =	sadd.s32 $0xE4600, s6;
	s11 =	sshrl.u32 s29, $0x1;
	s30 =	sshrl.u32 s10, $0x2  }
0xb: {  	s9 =	sadd.s32 s4, s6;
	s4 =	sadd.s32 $0x8600, s6;
	s7 =	sadd.s32 s8, s7  }
0xc: {  	s11 =	ssub.s32 s29, s11;
	s13 =	sadd.s32 s30, s1;
	s8 =	smul.u32 $0x140, s28  }
0xd: {  	s7 =	sshll.u32 s7, $0x4;
	s9 =	sadd.s32 $0xBC600, s9;
	s11 =	smax.u32 s11, $0x1  }
0xe: {  	s12 =	sadd.s32 s7, s6;
	s6 =	sadd.s32 s5, s7;
	s7 =	sor.u32 $0x1C03, s31  }
0xf: {  	s10 =	sadd.s32 $0x134600, s12;
	s12 =	sshrl.u32 s13, $0x3;
	s13 =	simm.s32 $0x3  }
.LBB2_1:
0x10: {  	[spmem:s12], [sflag:s7] =	dma.local [hbm:s6], $0x2800  }
0x11: {  	_ =	swait.ge [sflag:s13], $0x2800  }
0x12: {  	[sflag:s13] =	ssyncset.done $0x0  }
0x13: {  	[sflag:s13] =	ssyncadd.s32 $0xFFFFD800  }
0x14: {  	s25 =	simm.s32 $0x0;
	[bflag:$0x0] =	sbarrier.arrive $0xFFFF  }
.LBB2_2:
0x15: {  	s26 =	smul.u32 $0x28, s25;
	_ =	sdelay $0x1  }
0x16: {  	s26 =	sadd.s32 s8, s26  }
0x17: {  	s26 =	sshll.u32 s26, $0x4  }
0x18: {  	s29 =	simm.s32 $0x0;
	s28 =	sadd.s32 s26, s9  }
0x19: {  	[tilespmem:s29], [sflag:$0x3] =	stream.linear.gather [hbm4b:s28+s29], $0x1400, $0x38;
	[tilespmem:$0x1E800] =	vst v63  }
0x1a: {  	_ =	swait.ge [sflag:s13], $0x1400  }
0x1b: {  	[sflag:s13] =	ssyncset.done $0x0  }
0x1c: {  	s26 =	sadd.s32 s4, s26;
	[sflag:s13] =	ssyncadd.s32 $0xFFFFEC00  }
0x1d: {  	[tilespmem:s14], [sflag:$0x3] =	stream.linear.gather [hbm4b:s26+s29], $0x1400, $0x38;
	[tilespmem:$0x1E800] =	vst v63  }
0x1e: {  	_ =	swait.ge [sflag:s13], $0x1400  }
0x1f: {  	[sflag:s13] =	ssyncset.done $0x0  }
0x20: {  	[sflag:s13] =	ssyncadd.s32 $0xFFFFEC00  }
0x21: {  	[tilespmem:s16], [sflag:$0x1] =	stream.indirect.gather [hbm4b:s5+s15], $0x80, s29, s15, $0xb8;
	[tilespmem:$0x1E800] =	vst v63  }
0x22: {  	_ = 	snop  }
0x23: {  	[tilespmem:s18], [sflag:$0x1] =	stream.indirect.gather [hbm4b:s5+s15], $0x80, s17, s15, $0xb8;
	[tilespmem:$0x1E800] =	vst v63  }
0x24: {  	_ =	swait.ge [sflag:s19], $0x2000  }
0x25: {  	[sflag:s19] =	ssyncset.done $0x0  }
0x26: {  	s28 =	sand.u32 $0x10000, s29;
	[sflag:s19] =	ssyncadd.s32 $0xFFFFE000  }
0x27: {  	s30 =	sxor.u32 $0x10000, s28;
	_ =	swait.ge [sflag:s19], $0x2000  }
0x28: {  	s29 =	sshrl.u32 s30, $0x2;
	[sflag:s19] =	ssyncset.done $0x0  }
0x29: {  	s30 =	simm.s32 $0x100;
	s26 =	sor.u32 $0x2800, s29;
	[sflag:s19] =	ssyncadd.s32 $0xFFFFE000  }
0x2a: {  	[tilespmem:s26], [sflag:$0x1] =	stream.indirect.gather [hbm4b:s5+s15], $0x80, s30, s15, $0xb8;
	[tilespmem:$0x1E800] =	vst v63  }
0x2b: {  	s31 =	sshrl.u32 s28, $0x2;
	s28 =	sadd.s32 $0x4800, s29;
	s26 =	simm.s32 $0x180  }
0x2c: {  	[tilespmem:s28], [sflag:$0x1] =	stream.indirect.gather [hbm4b:s5+s15], $0x80, s26, s15, $0xb8;
	[tilespmem:$0x1E800] =	vst v63  }
0x2d: {  	s29 =	simm.s32 $0x1400;
	s28 =	sor.u32 $0x2800, s31  }
0x2e: {  	[spmem:s1] =	stream.indirect.scatter.add.f32 [tilespmem:s28], [sflag:$0x2], $0x80, s29, s15, $0xb8;
	[tilespmem:$0x1E800] =	vst v63  }
0x2f: {  	s28 =	simm.s32 $0x1480;
	s29 =	sadd.s32 $0x4800, s31  }
0x30: {  	[spmem:s1] =	stream.indirect.scatter.add.f32 [tilespmem:s29], [sflag:$0x2], $0x80, s28, s15, $0xb8;
	[tilespmem:$0x1E800] =	vst v63  }
0x31: {  	_ =	swait.ge [sflag:s20], $0x2000  }
0x32: {  	[sflag:s20] =	ssyncset.done $0x0  }
0x33: {  	[sflag:s20] =	ssyncadd.s32 $0xFFFFE000  }
0x34: {  	_ =	swait.ge [sflag:s20], $0x2000  }
0x35: {  	s29 =	simm.s32 $0x10000;
	[sflag:s20] =	ssyncset.done $0x0  }
.LBB2_3:
0x36: {  	[sflag:s20] =	ssyncadd.s32 $0xFFFFE000  }
0x37: {  	s28 =	sadd.s32 $0x100, s28;
	s26 =	sadd.s32 $0x100, s26;
	s30 =	smov.u32 s29  }
0x38: {  	p0 =	sne.s32 s29, $0x120000;
	s29 =	sadd.s32 $0x10000, s29;
	_ =	swait.ge [sflag:s19], $0x2000  }
0x39: {  	[sflag:s19] =	ssyncset.done $0x0  }
0x3a: {  	s30 =	sand.u32 $0x10000, s30;
	[sflag:s19] =	ssyncadd.s32 $0xFFFFE000  }
0x3b: {  	s31 =	sxor.u32 $0x10000, s30;
	s30 =	sshrl.u32 s30, $0x2;
	_ =	swait.ge [sflag:s19], $0x2000  }
0x3c: {  	s31 =	sshrl.u32 s31, $0x2;
	[sflag:s19] =	ssyncset.done $0x0  }
0x3d: {  	s2 =	sadd.s32 $0xFFFFFF80, s26;
	s0 =	sor.u32 $0x2800, s31;
	[sflag:s19] =	ssyncadd.s32 $0xFFFFE000  }
0x3e: {  	[tilespmem:s0], [sflag:$0x1] =	stream.indirect.gather [hbm4b:s5+s15], $0x80, s2, s15, $0xb8;
	[tilespmem:$0x1E800] =	vst v63  }
0x3f: {  	s0 =	sadd.s32 $0x4800, s31  }
0x40: {  	[tilespmem:s0], [sflag:$0x1] =	stream.indirect.gather [hbm4b:s5+s15], $0x80, s26, s15, $0xb8;
	[tilespmem:$0x1E800] =	vst v63  }
0x41: {  	s2 =	sadd.s32 $0xFFFFFF80, s28;
	s0 =	sor.u32 $0x2800, s30  }
0x42: {  	[spmem:s1] =	stream.indirect.scatter.add.f32 [tilespmem:s0], [sflag:$0x2], $0x80, s2, s15, $0xb8;
	[tilespmem:$0x1E800] =	vst v63  }
0x43: {  	s0 =	sadd.s32 $0x4800, s30  }
0x44: {  	[spmem:s1] =	stream.indirect.scatter.add.f32 [tilespmem:s0], [sflag:$0x2], $0x80, s28, s15, $0xb8;
	[tilespmem:$0x1E800] =	vst v63  }
.Ltmp0:
0x45: {  	_ =	swait.ge [sflag:s20], $0x2000;
	(pc) =	sbr.rel @p0 .LBB2_3-.Ltmp0, $4  }
0x46: {  	[sflag:s20] =	ssyncset.done $0x0  }
0x47: {  	[sflag:s20] =	ssyncadd.s32 $0xFFFFE000  }
0x48: {  	_ =	swait.ge [sflag:s20], $0x2000  }
0x49: {  	[sflag:s20] =	ssyncset.done $0x0  }
0x4a: {  	[sflag:s20] =	ssyncadd.s32 $0xFFFFE000  }
0x4b: {  	_ =	swait.ge [sflag:s19], $0x2000  }
0x4c: {  	[sflag:s19] =	ssyncset.done $0x0  }
0x4d: {  	[sflag:s19] =	ssyncadd.s32 $0xFFFFE000  }
0x4e: {  	_ =	swait.ge [sflag:s19], $0x2000  }
0x4f: {  	[sflag:s19] =	ssyncset.done $0x0  }
0x50: {  	[sflag:s19] =	ssyncadd.s32 $0xFFFFE000  }
0x51: {  	[spmem:s1] =	stream.indirect.scatter.add.f32 [tilespmem:s22], [sflag:$0x2], $0x80, s21, s15, $0xb8;
	[tilespmem:$0x1E800] =	vst v63  }
0x52: {  	s25 =	sadd.s32 $0x1, s25  }
0x53: {  	[spmem:s1] =	stream.indirect.scatter.add.f32 [tilespmem:s24], [sflag:$0x2], $0x80, s23, s15, $0xb8;
	[tilespmem:$0x1E800] =	vst v63  }
0x54: {  	p0 =	sne.s32 s25, $0x8;
	_ =	swait.ge [sflag:s20], $0x2000  }
.Ltmp1:
0x55: {  	[sflag:s20] =	ssyncset.done $0x0;
	(pc) =	sbr.rel @p0 .LBB2_2-.Ltmp1, $4  }
0x56: {  	[sflag:s20] =	ssyncadd.s32 $0xFFFFE000  }
0x57: {  	_ =	swait.ge [sflag:s20], $0x2000  }
0x58: {  	[sflag:s20] =	ssyncset.done $0x0  }
0x59: {  	[sflag:s20] =	ssyncadd.s32 $0xFFFFE000  }
0x5a: {  	s3 =	sadd.s32 $0x1, s3  }
0x5b: {  	p0 =	sne.s32 s3, s11  }
.Ltmp2:
0x5c: {  	[bflag:$0x0] =	sbarrier.arrive $0xFFFF;
	(pc) =	sbr.rel @p0 .LBB2_1-.Ltmp2, $4  }
0x5d: {  	[hbm:s10], [sflag:s7] =	dma.local [spmem:s12], $0x2800  }
0x5e: {  	_ =	swait.ge [sflag:s13], $0x2800  }
0x5f: {  	[sflag:s13] =	ssyncset.done $0x0  }
0x60: {  	[sflag:s13] =	ssyncadd.s32 $0xFFFFD800  }
0x61: {  	_ =	sfence.sel $0x180000  }
0x62: {  	[bflag:$0x0] =	sbarrier.arrive $0xFFFF  }
0x63: {  	_ =	strace $0x9000004D  }
0x64: {  	s0 =	stileid.u32;
	[bflag:$0x2] =	sbarrier.arrive $0xFFFF  }
0x65: {  	p0 =	sne.s32 s0, $0x0;
	s0 =	rddreg [dreg:$0x2]  }
0x66: {  	s0 =	sadd.s32 @!p0 $0x100000, s0  }
0x67: {  	[sflag:s0] =	ssyncadd.tile.s32 @!p0 $0x1;
	_ =	shalt  }
.Lfunc_end2:
_tile_overlayer_lowered:
.L_overlay_start_2:
0x68: {  	(tag) =	ssettag $0x2  }
0x69: {  	s0 =	rddreg [dreg:$0x0];
	s2 =	stileid.u32  }
0x6a: {  	s1 =	rddreg [dreg:$0x1];
	p0 =	sne.s32 s2, $0x0  }
0x6b: {  	s3 =	rddreg [dreg:$0x2];
	[bflag:$0x3] =	sbarrier.arrive $0xFFFF;
	s2 =	simm.s32 @!p0 $0x1C03  }
0x6c: {  	[timem:s3], [sflag:s2] =	dma.local @!p0 [hbm:s0], s1  }
0x6d: {  	s0 =	simm.s32 @!p0 $0x3  }
0x6e: {  	_ =	swait.ge @!p0 [sflag:s0], s1  }
0x6f: {  	s1 =	ssub.s32 @!p0 $0x0, s1;
	[sflag:s0] =	ssyncset.done @!p0 $0x0  }
0x70: {  	[sflag:s0] =	ssyncadd.s32 @!p0 s1  }
0x71: {  	[bflag:$0x3] =	sbarrier.arrive $0xFFFF  }
0x72: {  	_ =	shalt  }

// kernel: kernel.26.cloned.1.call-start
scs
__scs_entry_jumppad:
0x0: {  	(pc) =	sbr.rel $0x88, $3  }
0x1: {  	(tag) =	ssettag $0x0;
	lr =	simm.s32 $0x1  }
0x2: {  	[smem:$0x3F79] =	sst lr;
	_ =	strace $0xD0000000  }
0x3: {  	_ = 	snop  }
0x4: {  	_ = 	snop  }
0x5: {  	_ = 	snop  }
0x6: {  	_ = 	snop  }
0x7: {  	_ = 	snop  }
__scs_overlays_trampoline_lowered:
0x8: {  	[smem:$0x3F88] =	sst s0  }
0x9: {  	[smem:$0x3F89] =	sst s1  }
0xa: {  	[smem:$0x3F8A] =	sst s2  }
0xb: {  	[smem:$0x3F8B] =	sst s3  }
0xc: {  	[smem:$0x3F8C] =	sst s4  }
0xd: {  	[smem:$0x3F8D] =	sst s5  }
0xe: {  	[smem:$0x3F8E] =	sst s6  }
0xf: {  	[smem:$0x3F8F] =	sst s7  }
0x10: {  	[smem:$0x3F90] =	sst s8  }
0x11: {  	[smem:$0x3F91] =	sst s9;
	s0 =	simm.s32 @!p0 $0x0  }
0x12: {  	s1 =	sld [smem:$0x3F77];
	s0 =	simm.s32 @p0 $0x1  }
0x13: {  	[smem:$0x3F92] =	sst s0;
	s0 =	simm.s32 @!p1 $0x0  }
0x14: {  	s2 =	sld [smem:$0x3F76];
	s0 =	simm.s32 @p1 $0x1  }
0x15: {  	[smem:$0x3F93] =	sst s0;
	s0 =	simm.s32 @!p2 $0x0  }
0x16: {  	s3 =	sld [smem:$0x3FDB];
	s0 =	simm.s32 @p2 $0x1  }
0x17: {  	s4 =	simm.s32 $0x1BF5;
	[smem:$0x3F95] =	sst s0  }
0x18: {  	s0 =	sld [smem:$0x3F78];
	_ =	swait.ge [sflag:s4], $0x0  }
0x19: {  	s7 =	sld [smem:$0x3F79]  }
0x1a: {  	s8 =	sadd.s32 $0xFFFFE003, lr  }
0x1b: {  	s9 =	sadd.s32 $0xFFFFFEF7, lr;
	s5 =	simm.s32 $0xFFFFFFFF;
	p2 =	slt.u32 s8, $0xFFFFF086  }
0x1c: {  	p1 =	slt.u32 s9, $0xF7A;
	s5 =	simm.s32 @!p2 $0x0  }
0x1d: {  	s5 =	simm.s32 @p1 $0x1;
	p0 =	seq.s32 s7, s2  }
0x1e: {  	s7 =	smul.u32 @!p0 $0xF7A, s2;
	p2 =	seq.s32 @!p0 s5, $0x0  }
0x1f: {  	s9 =	smul.u32 $0xF7A, s1;
	s8 =	simm.s32 @!p0 $0x1BF5;
	p2 =	por !p2, p0  }
0x20: {  	[sflag:s8] =	ssyncset.s32 @!p0 $0xFFFFF086;
	s6 =	sadd.s32 @!p0 s3, s7;
	s7 =	simm.s32 @!p0 $0x108  }
0x21: {  	s3 =	sadd.s32 s3, s9;
	s6 =	sadd.s32 @!p0 $0x88, s6;
	s7 =	simm.s32 @p2 $0x1082  }
0x22: {  	[simem:s7], [sflag:s8] =	dma.local @!p0 [hbm:s6], $0xF7A  }
0x23: {  	s9 =	sor.u32 $0xD0000000, s2;
	s6 =	simm.s32 $0x108;
	_ =	swait.ge @!p0 [sflag:s8], $0x0  }
0x24: {  	s3 =	sadd.s32 $0x88, s3;
	s6 =	simm.s32 @!p1 $0x1082;
	[sflag:s4] =	ssyncset.s32 $0xFFFFF086  }
0x25: {  	[simem:s6], [sflag:s4] =	dma.local [hbm:s3], $0xF7A  }
0x26: {  	[smem:$0x3F79] =	sst s1;
	(tag) =	ssettag s2;
	_ =	strace s9  }
0x27: {  	s1 =	sld [smem:$0x3F89]  }
0x28: {  	s2 =	sld [smem:$0x3F8A]  }
0x29: {  	s4 =	sld [smem:$0x3F8C]  }
0x2a: {  	p0 =	seq.s32 s5, $0x0;
	s5 =	sld [smem:$0x3F8D]  }
0x2b: {  	s6 =	sld [smem:$0x3F8E]  }
0x2c: {  	s7 =	sld [smem:$0x3F8F]  }
0x2d: {  	s3 =	simm.s32 $0x108;
	s8 =	sld [smem:$0x3F90]  }
0x2e: {  	s3 =	simm.s32 @!p0 $0x1082;
	s9 =	sld [smem:$0x3F91]  }
0x2f: {  	lr =	sadd.s32 s0, s3;
	s0 =	sld [smem:$0x3F88]  }
0x30: {  	s3 =	sld [smem:$0x3F8B]  }
0x31: {  	[smem:$0x3F94] =	sst s10  }
0x32: {  	s10 =	sld [smem:$0x3F92];
	_ =	sdelay $0x3  }
0x33: {  	p0 =	seq.s32 s10, $0x1;
	s10 =	sld [smem:$0x3F94];
	_ =	sdelay $0x3  }
0x34: {  	[smem:$0x3F94] =	sst s10  }
0x35: {  	s10 =	sld [smem:$0x3F93];
	_ =	sdelay $0x3  }
0x36: {  	p1 =	seq.s32 s10, $0x1;
	s10 =	sld [smem:$0x3F94];
	_ =	sdelay $0x3  }
0x37: {  	[smem:$0x3F94] =	sst s10  }
0x38: {  	s10 =	sld [smem:$0x3F95]  }
0x39: {  	_ = 	snop;
	(pc) =	sbr.ind lr, $3  }
0x3a: {  	_ = 	snop  }
0x3b: {  	_ = 	snop  }
0x3c: {  	p2 =	seq.s32 s10, $0x1;
	s10 =	sld [smem:$0x3F94]  }
0x3d: {  	_ =	shalt  }
0x3e: {  	_ =	shalt  }
0x3f: {  	_ =	shalt  }
0x40: {  	_ =	shalt  }
0x41: {  	_ =	shalt  }
0x42: {  	_ =	shalt  }
0x43: {  	_ =	shalt  }
0x44: {  	_ =	shalt  }
0x45: {  	_ =	shalt  }
0x46: {  	_ =	shalt  }
0x47: {  	_ =	shalt  }
0x48: {  	_ =	shalt  }
0x49: {  	_ =	shalt  }
0x4a: {  	_ =	shalt  }
0x4b: {  	_ =	shalt  }
0x4c: {  	_ =	shalt  }
0x4d: {  	_ =	shalt  }
0x4e: {  	_ =	shalt  }
0x4f: {  	_ =	shalt  }
0x50: {  	_ =	shalt  }
0x51: {  	_ =	shalt  }
0x52: {  	_ =	shalt  }
0x53: {  	_ =	shalt  }
0x54: {  	_ =	shalt  }
0x55: {  	_ =	shalt  }
0x56: {  	_ =	shalt  }
0x57: {  	_ =	shalt  }
0x58: {  	_ =	shalt  }
0x59: {  	_ =	shalt  }
0x5a: {  	_ =	shalt  }
0x5b: {  	_ =	shalt  }
0x5c: {  	_ =	shalt  }
0x5d: {  	_ =	shalt  }
0x5e: {  	_ =	shalt  }
0x5f: {  	_ =	shalt  }
0x60: {  	_ =	shalt  }
0x61: {  	_ =	shalt  }
0x62: {  	_ =	shalt  }
0x63: {  	_ =	shalt  }
0x64: {  	_ =	shalt  }
0x65: {  	_ =	shalt  }
0x66: {  	_ =	shalt  }
0x67: {  	_ =	shalt  }
0x68: {  	_ =	shalt  }
0x69: {  	_ =	shalt  }
0x6a: {  	_ =	shalt  }
0x6b: {  	_ =	shalt  }
0x6c: {  	_ =	shalt  }
0x6d: {  	_ =	shalt  }
0x6e: {  	_ =	shalt  }
0x6f: {  	_ =	shalt  }
0x70: {  	_ =	shalt  }
0x71: {  	_ =	shalt  }
0x72: {  	_ =	shalt  }
0x73: {  	_ =	shalt  }
0x74: {  	_ =	shalt  }
0x75: {  	_ =	shalt  }
0x76: {  	_ =	shalt  }
0x77: {  	_ =	shalt  }
0x78: {  	_ =	shalt  }
0x79: {  	_ =	shalt  }
0x7a: {  	_ =	shalt  }
0x7b: {  	_ =	shalt  }
0x7c: {  	_ =	shalt  }
0x7d: {  	_ =	shalt  }
0x7e: {  	_ =	shalt  }
0x7f: {  	_ =	shalt  }
0x80: {  	_ =	shalt  }
0x81: {  	_ =	shalt  }
0x82: {  	_ =	shalt  }
0x83: {  	_ =	shalt  }
0x84: {  	_ =	shalt  }
0x85: {  	_ =	shalt  }
0x86: {  	_ =	shalt  }
0x87: {  	_ =	shalt  }
.Lfunc_end0:
.L_simem_size_0:
called_computation.3_lowered:
.L_overlay_start_0:
0x88: {  	s2 =	sld [smem:$0x3FD9]  }
0x89: {  	s3 =	sld [smem:$0x3FFE];
	_ =	sdelay $0x1  }
0x8a: {  	s1 =	srdreg.scid  }
0x8b: {  	s0 =	sand.u32 $0x1, s1  }
0x8c: {  	s16 =	sshll.u32 s0, $0xA;
	s2 =	sadd.s32 s3, s2  }
0x8d: {  	s2 =	sadd.s32 s2, s16  }
0x8e: {  	[smem:$0x3FA0] =	sst s2  }
0x8f: {  	_ = 	snop  }
0x90: {  	(tm) =	ssettm $0x1  }
0x91: {  	s17 =	sld [smem:$0x3FFB];
	_ =	sdelay $0x3  }
0x92: {  	_ =	strace s17  }
0x93: {  	s2 =	sld [smem:$0x3FFC];
	_ =	sdelay $0x3  }
0x94: {  	_ =	strace s2  }
0x95: {  	s2 =	sld [smem:$0x3FFD];
	_ =	sdelay $0x3  }
0x96: {  	_ =	strace s2  }
0x97: {  	_ =	strace $0x8FFFFFFF  }
0x98: {  	s18 =	sld [smem:$0x3FDB];
	_ =	sdelay $0x1  }
0x99: {  	s19 =	simm.s32 $_scs_section_size  }
0x9a: {  	s4 =	simm.s32 $_size__tile_overlayer_lowered;
	s5 =	simm.s32 $_tile_overlayer_lowered  }
0x9b: {  	s22 =	simm.s32 $0x1BFF;
	s21 =	sshll.u32 s5, $0x1;
	s2 =	sadd.s32 s19, s18  }
0x9c: {  	s6 =	simm.s32 $0x0;
	s20 =	sshll.u32 s4, $0x1;
	s4 =	sadd.s32 s21, s2  }
0x9d: {  	[timem:s6], [sflag:s22] =	dma.local [hbm:s4], s20  }
0x9e: {  	_ =	swait.ge [sflag:s22], s20  }
0x9f: {  	s3 =	ssub.s32 $0x0, s20;
	[sflag:s22] =	ssyncset.done $0x0  }
0xa0: {  	[sflag:s22] =	ssyncadd.s32 s3;
	_ =	sdelay $0x1  }
0xa1: {  	s23 =	simm.s32 $0x1B8B  }
0xa2: {  	_ =	swait.ge [sflag:s23], $0x1  }
0xa3: {  	[sflag:s23] =	ssyncset.done $0x0  }
0xa4: {  	s25 =	simm.s32 $0x1B8E;
	s24 =	sld [smem:$0x3FFE];
	[sflag:s23] =	ssyncadd.s32 $0xFFFFFFFF  }
0xa5: {  	s26 =	simm.s32 $execute0_lowered;
	[smem:$0x3FD2] =	sst s25  }
0xa6: {  	s4 =	sshll.u32 s26, $0x1;
	_ =	strace $0x8000004F;
	[dreg:$0x1] =	wrdreg $0xFFFFFFFF  }
0xa7: {  	s28 =	simm.s32 $_size_execute0_lowered;
	s2 =	sadd.s32 s2, s4;
	[dreg:$0x0] =	wrdreg $0x0  }
0xa8: {  	s4 =	sshll.u32 s28, $0x1;
	[dreg:$0x2] =	wrdreg s2  }
0xa9: {  	[dreg:$0x3] =	wrdreg s4  }
0xaa: {  	[dreg:$0x4] =	wrdreg $0xC0  }
0xab: {  	_ =	task [dreg:s6], $0x5FFFF  }
0xac: {  	[dreg:$0x1] =	wrdreg $0xFFFFFFFF  }
0xad: {  	[dreg:$0x0] =	wrdreg $0x60  }
0xae: {  	[dreg:$0x2] =	wrdreg s24  }
0xaf: {  	[dreg:$0x3] =	wrdreg $0xA8000  }
0xb0: {  	[dreg:$0x4] =	wrdreg $0x9  }
0xb1: {  	_ =	task.clear_ibuf [dreg:s6], $0x5FFFF;
	_ =	strace $0x9000004F  }
0xb2: {  	s29 =	simm.s32 $0x9;
	_ =	strace $0x80000051  }
0xb3: {  	_ =	swait.ge [sflag:s29], $0x1  }
0xb4: {  	[sflag:s29] =	ssyncadd.s32 $0xFFFFFFFF  }
0xb5: {  	_ =	strace $0x90000051  }
0xb6: {  	_ =	sfence  }
0xb7: {  	s30 =	sld [smem:$0x0];
	_ =	sdelay $0x2  }
0xb8: {  	s31 =	sshll.u32 s1, $0xD;
	s1 =	sshrl.u32 s1, $0x2  }
0xb9: {  	s3 =	sand.u32 $0x4000, s31;
	s1 =	sadd.s32 s1, s30  }
0xba: {  	s0 =	sor.u32 s3, s0;
	s1 =	sshll.u32 s1, $0x11  }
0xbb: {  	s0 =	sor.u32 s1, s0  }
0xbc: {  	s0 =	sadd.s32 $0x8F2B, s0  }
0xbd: {  	[sflag:s0] =	ssyncadd.remote.s32 $0x1  }
0xbe: {  	_ =	sfence.sel $0xFFFF  }
0xbf: {  	[dreg:$0x0] =	wrdreg $0xFFFFFFFF;
	(pc) =	sbr.abs _section_cstart, $3  }
0xc0: {  	[dreg:$0x1] =	wrdreg $0xFFFFFFFF  }
0xc1: {  	_ =	task.clear_ibuf [dreg:s6], $0x2FFFF;
	_ =	strace $0x9FFFFFFF  }
0xc2: {  	(tm) =	ssettm $0x7FFFFFFF  }
0xc3: {  	_ =	shalt  }
tec
execute0_lowered:
.L_overlay_start_1:
0x0: {  	(tag) =	ssettag $0x1  }
0x1: {  	s6 =	rddreg [dreg:$0x0]  }
0x2: {  	s0 =	srdreg.scid;
	s1 =	rddreg [dreg:$0x1];
	s3 =	simm.s32 $0x0  }
0x3: {  	s28 =	stileid.u32;
	s14 =	simm.s32 $0x1400;
	s15 =	simm.s32 $0x40  }
0x4: {  	s16 =	simm.s32 $0x2800;
	s17 =	simm.s32 $0x80;
	s18 =	simm.s32 $0x4800  }
0x5: {  	s19 =	simm.s32 $0x1;
	s20 =	simm.s32 $0x2;
	s21 =	simm.s32 $0x2700  }
0x6: {  	s22 =	simm.s32 $0x6800;
	s23 =	simm.s32 $0x2780;
	s8 =	smul.u32 $0x280, s28  }
0x7: {  	s24 =	simm.s32 $0x8800;
	s5 =	sand.u32 $0x1, s0;
	s10 =	smul.u32 $0x50000, s28  }
0x8: {  	[smem:$0x7FF] =	sst s3;
	s31 =	sshll.u32 s28, $0x6;
	s4 =	smul.u32 $0x14000, s5  }
0x9: {  	s7 =	smul.u32 $0x2800, s5;
	_ =	strace $0x80000050;
	s29 =	ssub.s32 $0x2, s5  }
0xa: {  	s5 =	sadd.s32 $0xE4600, s6;
	s11 =	sshrl.u32 s29, $0x1;
	s30 =	sshrl.u32 s10, $0x2  }
0xb: {  	s9 =	sadd.s32 s4, s6;
	s4 =	sadd.s32 $0x8600, s6;
	s7 =	sadd.s32 s8, s7  }
0xc: {  	s11 =	ssub.s32 s29, s11;
	s13 =	sadd.s32 s30, s1;
	s8 =	smul.u32 $0x140, s28  }
0xd: {  	s7 =	sshll.u32 s7, $0x4;
	s9 =	sadd.s32 $0xBC600, s9;
	s11 =	smax.u32 s11, $0x1  }
0xe: {  	s12 =	sadd.s32 s7, s6;
	s6 =	sadd.s32 s5, s7;
	s7 =	sor.u32 $0x1C03, s31  }
0xf: {  	s10 =	sadd.s32 $0x134600, s12;
	s12 =	sshrl.u32 s13, $0x3;
	s13 =	simm.s32 $0x3  }
.LBB2_1:
0x10: {  	[spmem:s12], [sflag:s7] =	dma.local [hbm:s6], $0x2800  }
0x11: {  	_ =	swait.ge [sflag:s13], $0x2800  }
0x12: {  	[sflag:s13] =	ssyncset.done $0x0  }
0x13: {  	[sflag:s13] =	ssyncadd.s32 $0xFFFFD800  }
0x14: {  	s25 =	simm.s32 $0x0;
	[bflag:$0x0] =	sbarrier.arrive $0xFFFF  }
.LBB2_2:
0x15: {  	s26 =	smul.u32 $0x28, s25;
	_ =	sdelay $0x1  }
0x16: {  	s26 =	sadd.s32 s8, s26  }
0x17: {  	s26 =	sshll.u32 s26, $0x4  }
0x18: {  	s29 =	simm.s32 $0x0;
	s28 =	sadd.s32 s26, s9  }
0x19: {  	[tilespmem:s29], [sflag:$0x3] =	stream.linear.gather [hbm4b:s28+s29], $0x1400, $0x38;
	[tilespmem:$0x1E800] =	vst v63  }
0x1a: {  	_ =	swait.ge [sflag:s13], $0x1400  }
0x1b: {  	[sflag:s13] =	ssyncset.done $0x0  }
0x1c: {  	s26 =	sadd.s32 s4, s26;
	[sflag:s13] =	ssyncadd.s32 $0xFFFFEC00  }
0x1d: {  	[tilespmem:s14], [sflag:$0x3] =	stream.linear.gather [hbm4b:s26+s29], $0x1400, $0x38;
	[tilespmem:$0x1E800] =	vst v63  }
0x1e: {  	_ =	swait.ge [sflag:s13], $0x1400  }
0x1f: {  	[sflag:s13] =	ssyncset.done $0x0  }
0x20: {  	[sflag:s13] =	ssyncadd.s32 $0xFFFFEC00  }
0x21: {  	[tilespmem:s16], [sflag:$0x1] =	stream.indirect.gather [hbm4b:s5+s15], $0x80, s29, s15, $0xb8;
	[tilespmem:$0x1E800] =	vst v63  }
0x22: {  	_ = 	snop  }
0x23: {  	[tilespmem:s18], [sflag:$0x1] =	stream.indirect.gather [hbm4b:s5+s15], $0x80, s17, s15, $0xb8;
	[tilespmem:$0x1E800] =	vst v63  }
0x24: {  	_ =	swait.ge [sflag:s19], $0x2000  }
0x25: {  	[sflag:s19] =	ssyncset.done $0x0  }
0x26: {  	s28 =	sand.u32 $0x10000, s29;
	[sflag:s19] =	ssyncadd.s32 $0xFFFFE000  }
0x27: {  	s30 =	sxor.u32 $0x10000, s28;
	_ =	swait.ge [sflag:s19], $0x2000  }
0x28: {  	s29 =	sshrl.u32 s30, $0x2;
	[sflag:s19] =	ssyncset.done $0x0  }
0x29: {  	s30 =	simm.s32 $0x100;
	s26 =	sor.u32 $0x2800, s29;
	[sflag:s19] =	ssyncadd.s32 $0xFFFFE000  }
0x2a: {  	[tilespmem:s26], [sflag:$0x1] =	stream.indirect.gather [hbm4b:s5+s15], $0x80, s30, s15, $0xb8;
	[tilespmem:$0x1E800] =	vst v63  }
0x2b: {  	s31 =	sshrl.u32 s28, $0x2;
	s28 =	sadd.s32 $0x4800, s29;
	s26 =	simm.s32 $0x180  }
0x2c: {  	[tilespmem:s28], [sflag:$0x1] =	stream.indirect.gather [hbm4b:s5+s15], $0x80, s26, s15, $0xb8;
	[tilespmem:$0x1E800] =	vst v63  }
0x2d: {  	s29 =	simm.s32 $0x1400;
	s28 =	sor.u32 $0x2800, s31  }
0x2e: {  	[spmem:s1] =	stream.indirect.scatter.add.f32 [tilespmem:s28], [sflag:$0x2], $0x80, s29, s15, $0xb8;
	[tilespmem:$0x1E800] =	vst v63  }
0x2f: {  	s28 =	simm.s32 $0x1480;
	s29 =	sadd.s32 $0x4800, s31  }
0x30: {  	[spmem:s1] =	stream.indirect.scatter.add.f32 [tilespmem:s29], [sflag:$0x2], $0x80, s28, s15, $0xb8;
	[tilespmem:$0x1E800] =	vst v63  }
0x31: {  	_ =	swait.ge [sflag:s20], $0x2000  }
0x32: {  	[sflag:s20] =	ssyncset.done $0x0  }
0x33: {  	[sflag:s20] =	ssyncadd.s32 $0xFFFFE000  }
0x34: {  	_ =	swait.ge [sflag:s20], $0x2000  }
0x35: {  	s29 =	simm.s32 $0x10000;
	[sflag:s20] =	ssyncset.done $0x0  }
.LBB2_3:
0x36: {  	[sflag:s20] =	ssyncadd.s32 $0xFFFFE000  }
0x37: {  	s28 =	sadd.s32 $0x100, s28;
	s26 =	sadd.s32 $0x100, s26;
	s30 =	smov.u32 s29  }
0x38: {  	p0 =	sne.s32 s29, $0x120000;
	s29 =	sadd.s32 $0x10000, s29;
	_ =	swait.ge [sflag:s19], $0x2000  }
0x39: {  	[sflag:s19] =	ssyncset.done $0x0  }
0x3a: {  	s30 =	sand.u32 $0x10000, s30;
	[sflag:s19] =	ssyncadd.s32 $0xFFFFE000  }
0x3b: {  	s31 =	sxor.u32 $0x10000, s30;
	s30 =	sshrl.u32 s30, $0x2;
	_ =	swait.ge [sflag:s19], $0x2000  }
0x3c: {  	s31 =	sshrl.u32 s31, $0x2;
	[sflag:s19] =	ssyncset.done $0x0  }
0x3d: {  	s2 =	sadd.s32 $0xFFFFFF80, s26;
	s0 =	sor.u32 $0x2800, s31;
	[sflag:s19] =	ssyncadd.s32 $0xFFFFE000  }
0x3e: {  	[tilespmem:s0], [sflag:$0x1] =	stream.indirect.gather [hbm4b:s5+s15], $0x80, s2, s15, $0xb8;
	[tilespmem:$0x1E800] =	vst v63  }
0x3f: {  	s0 =	sadd.s32 $0x4800, s31  }
0x40: {  	[tilespmem:s0], [sflag:$0x1] =	stream.indirect.gather [hbm4b:s5+s15], $0x80, s26, s15, $0xb8;
	[tilespmem:$0x1E800] =	vst v63  }
0x41: {  	s2 =	sadd.s32 $0xFFFFFF80, s28;
	s0 =	sor.u32 $0x2800, s30  }
0x42: {  	[spmem:s1] =	stream.indirect.scatter.add.f32 [tilespmem:s0], [sflag:$0x2], $0x80, s2, s15, $0xb8;
	[tilespmem:$0x1E800] =	vst v63  }
0x43: {  	s0 =	sadd.s32 $0x4800, s30  }
0x44: {  	[spmem:s1] =	stream.indirect.scatter.add.f32 [tilespmem:s0], [sflag:$0x2], $0x80, s28, s15, $0xb8;
	[tilespmem:$0x1E800] =	vst v63  }
.Ltmp0:
0x45: {  	_ =	swait.ge [sflag:s20], $0x2000;
	(pc) =	sbr.rel @p0 .LBB2_3-.Ltmp0, $4  }
0x46: {  	[sflag:s20] =	ssyncset.done $0x0  }
0x47: {  	[sflag:s20] =	ssyncadd.s32 $0xFFFFE000  }
0x48: {  	_ =	swait.ge [sflag:s20], $0x2000  }
0x49: {  	[sflag:s20] =	ssyncset.done $0x0  }
0x4a: {  	[sflag:s20] =	ssyncadd.s32 $0xFFFFE000  }
0x4b: {  	_ =	swait.ge [sflag:s19], $0x2000  }
0x4c: {  	[sflag:s19] =	ssyncset.done $0x0  }
0x4d: {  	[sflag:s19] =	ssyncadd.s32 $0xFFFFE000  }
0x4e: {  	_ =	swait.ge [sflag:s19], $0x2000  }
0x4f: {  	[sflag:s19] =	ssyncset.done $0x0  }
0x50: {  	[sflag:s19] =	ssyncadd.s32 $0xFFFFE000  }
0x51: {  	[spmem:s1] =	stream.indirect.scatter.add.f32 [tilespmem:s22], [sflag:$0x2], $0x80, s21, s15, $0xb8;
	[tilespmem:$0x1E800] =	vst v63  }
0x52: {  	s25 =	sadd.s32 $0x1, s25  }
0x53: {  	[spmem:s1] =	stream.indirect.scatter.add.f32 [tilespmem:s24], [sflag:$0x2], $0x80, s23, s15, $0xb8;
	[tilespmem:$0x1E800] =	vst v63  }
0x54: {  	p0 =	sne.s32 s25, $0x8;
	_ =	swait.ge [sflag:s20], $0x2000  }
.Ltmp1:
0x55: {  	[sflag:s20] =	ssyncset.done $0x0;
	(pc) =	sbr.rel @p0 .LBB2_2-.Ltmp1, $4  }
0x56: {  	[sflag:s20] =	ssyncadd.s32 $0xFFFFE000  }
0x57: {  	_ =	swait.ge [sflag:s20], $0x2000  }
0x58: {  	[sflag:s20] =	ssyncset.done $0x0  }
0x59: {  	[sflag:s20] =	ssyncadd.s32 $0xFFFFE000  }
0x5a: {  	s3 =	sadd.s32 $0x1, s3  }
0x5b: {  	p0 =	sne.s32 s3, s11  }
.Ltmp2:
0x5c: {  	[bflag:$0x0] =	sbarrier.arrive $0xFFFF;
	(pc) =	sbr.rel @p0 .LBB2_1-.Ltmp2, $4  }
0x5d: {  	[hbm:s10], [sflag:s7] =	dma.local [spmem:s12], $0x2800  }
0x5e: {  	_ =	swait.ge [sflag:s13], $0x2800  }
0x5f: {  	[sflag:s13] =	ssyncset.done $0x0  }
0x60: {  	[sflag:s13] =	ssyncadd.s32 $0xFFFFD800  }
0x61: {  	_ =	sfence.sel $0x180000  }
0x62: {  	[bflag:$0x0] =	sbarrier.arrive $0xFFFF  }
0x63: {  	_ =	strace $0x90000050  }
0x64: {  	s0 =	stileid.u32;
	[bflag:$0x2] =	sbarrier.arrive $0xFFFF  }
0x65: {  	p0 =	sne.s32 s0, $0x0;
	s0 =	rddreg [dreg:$0x2]  }
0x66: {  	s0 =	sadd.s32 @!p0 $0x100000, s0  }
0x67: {  	[sflag:s0] =	ssyncadd.tile.s32 @!p0 $0x1;
	_ =	shalt  }
.Lfunc_end2:
_tile_overlayer_lowered:
.L_overlay_start_2:
0x68: {  	(tag) =	ssettag $0x2  }
0x69: {  	s0 =	rddreg [dreg:$0x0];
	s2 =	stileid.u32  }
0x6a: {  	s1 =	rddreg [dreg:$0x1];
	p0 =	sne.s32 s2, $0x0  }
0x6b: {  	s3 =	rddreg [dreg:$0x2];
	[bflag:$0x3] =	sbarrier.arrive $0xFFFF;
	s2 =	simm.s32 @!p0 $0x1C03  }
0x6c: {  	[timem:s3], [sflag:s2] =	dma.local @!p0 [hbm:s0], s1  }
0x6d: {  	s0 =	simm.s32 @!p0 $0x3  }
0x6e: {  	_ =	swait.ge @!p0 [sflag:s0], s1  }
0x6f: {  	s1 =	ssub.s32 @!p0 $0x0, s1;
	[sflag:s0] =	ssyncset.done @!p0 $0x0  }
0x70: {  	[sflag:s0] =	ssyncadd.s32 @!p0 s1  }
0x71: {  	[bflag:$0x3] =	sbarrier.arrive $0xFFFF  }
0x72: {  	_ =	shalt  }

// kernel: kernel.29.cloned.1.call-start
scs
__scs_entry_jumppad:
0x0: {  	(pc) =	sbr.rel $0x88, $3  }
0x1: {  	(tag) =	ssettag $0x0;
	lr =	simm.s32 $0x1  }
0x2: {  	[smem:$0x3F79] =	sst lr;
	_ =	strace $0xD0000000  }
0x3: {  	_ = 	snop  }
0x4: {  	_ = 	snop  }
0x5: {  	_ = 	snop  }
0x6: {  	_ = 	snop  }
0x7: {  	_ = 	snop  }
__scs_overlays_trampoline_lowered:
0x8: {  	[smem:$0x3F88] =	sst s0  }
0x9: {  	[smem:$0x3F89] =	sst s1  }
0xa: {  	[smem:$0x3F8A] =	sst s2  }
0xb: {  	[smem:$0x3F8B] =	sst s3  }
0xc: {  	[smem:$0x3F8C] =	sst s4  }
0xd: {  	[smem:$0x3F8D] =	sst s5  }
0xe: {  	[smem:$0x3F8E] =	sst s6  }
0xf: {  	[smem:$0x3F8F] =	sst s7  }
0x10: {  	[smem:$0x3F90] =	sst s8  }
0x11: {  	[smem:$0x3F91] =	sst s9;
	s0 =	simm.s32 @!p0 $0x0  }
0x12: {  	s1 =	sld [smem:$0x3F77];
	s0 =	simm.s32 @p0 $0x1  }
0x13: {  	[smem:$0x3F92] =	sst s0;
	s0 =	simm.s32 @!p1 $0x0  }
0x14: {  	s2 =	sld [smem:$0x3F76];
	s0 =	simm.s32 @p1 $0x1  }
0x15: {  	[smem:$0x3F93] =	sst s0;
	s0 =	simm.s32 @!p2 $0x0  }
0x16: {  	s3 =	sld [smem:$0x3FDB];
	s0 =	simm.s32 @p2 $0x1  }
0x17: {  	s4 =	simm.s32 $0x1BF5;
	[smem:$0x3F95] =	sst s0  }
0x18: {  	s0 =	sld [smem:$0x3F78];
	_ =	swait.ge [sflag:s4], $0x0  }
0x19: {  	s7 =	sld [smem:$0x3F79]  }
0x1a: {  	s8 =	sadd.s32 $0xFFFFE003, lr  }
0x1b: {  	s9 =	sadd.s32 $0xFFFFFEF7, lr;
	s5 =	simm.s32 $0xFFFFFFFF;
	p2 =	slt.u32 s8, $0xFFFFF086  }
0x1c: {  	p1 =	slt.u32 s9, $0xF7A;
	s5 =	simm.s32 @!p2 $0x0  }
0x1d: {  	s5 =	simm.s32 @p1 $0x1;
	p0 =	seq.s32 s7, s2  }
0x1e: {  	s7 =	smul.u32 @!p0 $0xF7A, s2;
	p2 =	seq.s32 @!p0 s5, $0x0  }
0x1f: {  	s9 =	smul.u32 $0xF7A, s1;
	s8 =	simm.s32 @!p0 $0x1BF5;
	p2 =	por !p2, p0  }
0x20: {  	[sflag:s8] =	ssyncset.s32 @!p0 $0xFFFFF086;
	s6 =	sadd.s32 @!p0 s3, s7;
	s7 =	simm.s32 @!p0 $0x108  }
0x21: {  	s3 =	sadd.s32 s3, s9;
	s6 =	sadd.s32 @!p0 $0x88, s6;
	s7 =	simm.s32 @p2 $0x1082  }
0x22: {  	[simem:s7], [sflag:s8] =	dma.local @!p0 [hbm:s6], $0xF7A  }
0x23: {  	s9 =	sor.u32 $0xD0000000, s2;
	s6 =	simm.s32 $0x108;
	_ =	swait.ge @!p0 [sflag:s8], $0x0  }
0x24: {  	s3 =	sadd.s32 $0x88, s3;
	s6 =	simm.s32 @!p1 $0x1082;
	[sflag:s4] =	ssyncset.s32 $0xFFFFF086  }
0x25: {  	[simem:s6], [sflag:s4] =	dma.local [hbm:s3], $0xF7A  }
0x26: {  	[smem:$0x3F79] =	sst s1;
	(tag) =	ssettag s2;
	_ =	strace s9  }
0x27: {  	s1 =	sld [smem:$0x3F89]  }
0x28: {  	s2 =	sld [smem:$0x3F8A]  }
0x29: {  	s4 =	sld [smem:$0x3F8C]  }
0x2a: {  	p0 =	seq.s32 s5, $0x0;
	s5 =	sld [smem:$0x3F8D]  }
0x2b: {  	s6 =	sld [smem:$0x3F8E]  }
0x2c: {  	s7 =	sld [smem:$0x3F8F]  }
0x2d: {  	s3 =	simm.s32 $0x108;
	s8 =	sld [smem:$0x3F90]  }
0x2e: {  	s3 =	simm.s32 @!p0 $0x1082;
	s9 =	sld [smem:$0x3F91]  }
0x2f: {  	lr =	sadd.s32 s0, s3;
	s0 =	sld [smem:$0x3F88]  }
0x30: {  	s3 =	sld [smem:$0x3F8B]  }
0x31: {  	[smem:$0x3F94] =	sst s10  }
0x32: {  	s10 =	sld [smem:$0x3F92];
	_ =	sdelay $0x3  }
0x33: {  	p0 =	seq.s32 s10, $0x1;
	s10 =	sld [smem:$0x3F94];
	_ =	sdelay $0x3  }
0x34: {  	[smem:$0x3F94] =	sst s10  }
0x35: {  	s10 =	sld [smem:$0x3F93];
	_ =	sdelay $0x3  }
0x36: {  	p1 =	seq.s32 s10, $0x1;
	s10 =	sld [smem:$0x3F94];
	_ =	sdelay $0x3  }
0x37: {  	[smem:$0x3F94] =	sst s10  }
0x38: {  	s10 =	sld [smem:$0x3F95]  }
0x39: {  	_ = 	snop;
	(pc) =	sbr.ind lr, $3  }
0x3a: {  	_ = 	snop  }
0x3b: {  	_ = 	snop  }
0x3c: {  	p2 =	seq.s32 s10, $0x1;
	s10 =	sld [smem:$0x3F94]  }
0x3d: {  	_ =	shalt  }
0x3e: {  	_ =	shalt  }
0x3f: {  	_ =	shalt  }
0x40: {  	_ =	shalt  }
0x41: {  	_ =	shalt  }
0x42: {  	_ =	shalt  }
0x43: {  	_ =	shalt  }
0x44: {  	_ =	shalt  }
0x45: {  	_ =	shalt  }
0x46: {  	_ =	shalt  }
0x47: {  	_ =	shalt  }
0x48: {  	_ =	shalt  }
0x49: {  	_ =	shalt  }
0x4a: {  	_ =	shalt  }
0x4b: {  	_ =	shalt  }
0x4c: {  	_ =	shalt  }
0x4d: {  	_ =	shalt  }
0x4e: {  	_ =	shalt  }
0x4f: {  	_ =	shalt  }
0x50: {  	_ =	shalt  }
0x51: {  	_ =	shalt  }
0x52: {  	_ =	shalt  }
0x53: {  	_ =	shalt  }
0x54: {  	_ =	shalt  }
0x55: {  	_ =	shalt  }
0x56: {  	_ =	shalt  }
0x57: {  	_ =	shalt  }
0x58: {  	_ =	shalt  }
0x59: {  	_ =	shalt  }
0x5a: {  	_ =	shalt  }
0x5b: {  	_ =	shalt  }
0x5c: {  	_ =	shalt  }
0x5d: {  	_ =	shalt  }
0x5e: {  	_ =	shalt  }
0x5f: {  	_ =	shalt  }
0x60: {  	_ =	shalt  }
0x61: {  	_ =	shalt  }
0x62: {  	_ =	shalt  }
0x63: {  	_ =	shalt  }
0x64: {  	_ =	shalt  }
0x65: {  	_ =	shalt  }
0x66: {  	_ =	shalt  }
0x67: {  	_ =	shalt  }
0x68: {  	_ =	shalt  }
0x69: {  	_ =	shalt  }
0x6a: {  	_ =	shalt  }
0x6b: {  	_ =	shalt  }
0x6c: {  	_ =	shalt  }
0x6d: {  	_ =	shalt  }
0x6e: {  	_ =	shalt  }
0x6f: {  	_ =	shalt  }
0x70: {  	_ =	shalt  }
0x71: {  	_ =	shalt  }
0x72: {  	_ =	shalt  }
0x73: {  	_ =	shalt  }
0x74: {  	_ =	shalt  }
0x75: {  	_ =	shalt  }
0x76: {  	_ =	shalt  }
0x77: {  	_ =	shalt  }
0x78: {  	_ =	shalt  }
0x79: {  	_ =	shalt  }
0x7a: {  	_ =	shalt  }
0x7b: {  	_ =	shalt  }
0x7c: {  	_ =	shalt  }
0x7d: {  	_ =	shalt  }
0x7e: {  	_ =	shalt  }
0x7f: {  	_ =	shalt  }
0x80: {  	_ =	shalt  }
0x81: {  	_ =	shalt  }
0x82: {  	_ =	shalt  }
0x83: {  	_ =	shalt  }
0x84: {  	_ =	shalt  }
0x85: {  	_ =	shalt  }
0x86: {  	_ =	shalt  }
0x87: {  	_ =	shalt  }
.Lfunc_end0:
.L_simem_size_0:
called_computation.4_lowered:
.L_overlay_start_0:
0x88: {  	s2 =	sld [smem:$0x3FD9]  }
0x89: {  	s3 =	sld [smem:$0x3FFE];
	_ =	sdelay $0x1  }
0x8a: {  	s1 =	srdreg.scid  }
0x8b: {  	s0 =	sand.u32 $0x1, s1  }
0x8c: {  	s16 =	sshll.u32 s0, $0xA;
	s2 =	sadd.s32 s3, s2  }
0x8d: {  	s2 =	sadd.s32 s2, s16  }
0x8e: {  	[smem:$0x3FA0] =	sst s2  }
0x8f: {  	_ = 	snop  }
0x90: {  	(tm) =	ssettm $0x1  }
0x91: {  	s17 =	sld [smem:$0x3FFB];
	_ =	sdelay $0x3  }
0x92: {  	_ =	strace s17  }
0x93: {  	s2 =	sld [smem:$0x3FFC];
	_ =	sdelay $0x3  }
0x94: {  	_ =	strace s2  }
0x95: {  	s2 =	sld [smem:$0x3FFD];
	_ =	sdelay $0x3  }
0x96: {  	_ =	strace s2  }
0x97: {  	_ =	strace $0x8FFFFFFF  }
0x98: {  	s18 =	sld [smem:$0x3FDB];
	_ =	sdelay $0x1  }
0x99: {  	s19 =	simm.s32 $_scs_section_size  }
0x9a: {  	s4 =	simm.s32 $_size__tile_overlayer_lowered;
	s5 =	simm.s32 $_tile_overlayer_lowered  }
0x9b: {  	s22 =	simm.s32 $0x1BFF;
	s21 =	sshll.u32 s5, $0x1;
	s2 =	sadd.s32 s19, s18  }
0x9c: {  	s6 =	simm.s32 $0x0;
	s20 =	sshll.u32 s4, $0x1;
	s4 =	sadd.s32 s21, s2  }
0x9d: {  	[timem:s6], [sflag:s22] =	dma.local [hbm:s4], s20  }
0x9e: {  	_ =	swait.ge [sflag:s22], s20  }
0x9f: {  	s3 =	ssub.s32 $0x0, s20;
	[sflag:s22] =	ssyncset.done $0x0  }
0xa0: {  	[sflag:s22] =	ssyncadd.s32 s3;
	_ =	sdelay $0x1  }
0xa1: {  	s23 =	simm.s32 $0x1B8B  }
0xa2: {  	_ =	swait.ge [sflag:s23], $0x1  }
0xa3: {  	[sflag:s23] =	ssyncset.done $0x0  }
0xa4: {  	s25 =	simm.s32 $0x1B8E;
	s24 =	sld [smem:$0x3FFE];
	[sflag:s23] =	ssyncadd.s32 $0xFFFFFFFF  }
0xa5: {  	s26 =	simm.s32 $execute0_lowered;
	[smem:$0x3FD2] =	sst s25  }
0xa6: {  	s4 =	sshll.u32 s26, $0x1;
	_ =	strace $0x80000052;
	[dreg:$0x1] =	wrdreg $0xFFFFFFFF  }
0xa7: {  	s28 =	simm.s32 $_size_execute0_lowered;
	s2 =	sadd.s32 s2, s4;
	[dreg:$0x0] =	wrdreg $0x0  }
0xa8: {  	s4 =	sshll.u32 s28, $0x1;
	[dreg:$0x2] =	wrdreg s2  }
0xa9: {  	[dreg:$0x3] =	wrdreg s4  }
0xaa: {  	[dreg:$0x4] =	wrdreg $0xC0  }
0xab: {  	_ =	task [dreg:s6], $0x5FFFF  }
0xac: {  	[dreg:$0x1] =	wrdreg $0xFFFFFFFF  }
0xad: {  	[dreg:$0x0] =	wrdreg $0x60  }
0xae: {  	[dreg:$0x2] =	wrdreg s24  }
0xaf: {  	[dreg:$0x3] =	wrdreg $0xA8000  }
0xb0: {  	[dreg:$0x4] =	wrdreg $0x9  }
0xb1: {  	_ =	task.clear_ibuf [dreg:s6], $0x5FFFF;
	_ =	strace $0x90000052  }
0xb2: {  	s29 =	simm.s32 $0x9;
	_ =	strace $0x80000054  }
0xb3: {  	_ =	swait.ge [sflag:s29], $0x1  }
0xb4: {  	[sflag:s29] =	ssyncadd.s32 $0xFFFFFFFF  }
0xb5: {  	_ =	strace $0x90000054  }
0xb6: {  	_ =	sfence  }
0xb7: {  	s30 =	sld [smem:$0x0];
	_ =	sdelay $0x2  }
0xb8: {  	s31 =	sshll.u32 s1, $0xD;
	s1 =	sshrl.u32 s1, $0x2  }
0xb9: {  	s3 =	sand.u32 $0x4000, s31;
	s1 =	sadd.s32 s1, s30  }
0xba: {  	s0 =	sor.u32 s3, s0;
	s1 =	sshll.u32 s1, $0x11  }
0xbb: {  	s0 =	sor.u32 s1, s0  }
0xbc: {  	s0 =	sadd.s32 $0x8F2B, s0  }
0xbd: {  	[sflag:s0] =	ssyncadd.remote.s32 $0x1  }
0xbe: {  	_ =	sfence.sel $0xFFFF  }
0xbf: {  	[dreg:$0x0] =	wrdreg $0xFFFFFFFF;
	(pc) =	sbr.abs _section_cstart, $3  }
0xc0: {  	[dreg:$0x1] =	wrdreg $0xFFFFFFFF  }
0xc1: {  	_ =	task.clear_ibuf [dreg:s6], $0x2FFFF;
	_ =	strace $0x9FFFFFFF  }
0xc2: {  	(tm) =	ssettm $0x7FFFFFFF  }
0xc3: {  	_ =	shalt  }
tec
execute0_lowered:
.L_overlay_start_1:
0x0: {  	(tag) =	ssettag $0x1  }
0x1: {  	s6 =	rddreg [dreg:$0x0]  }
0x2: {  	s0 =	srdreg.scid;
	s1 =	rddreg [dreg:$0x1];
	s3 =	simm.s32 $0x0  }
0x3: {  	s28 =	stileid.u32;
	s14 =	simm.s32 $0x1400;
	s15 =	simm.s32 $0x40  }
0x4: {  	s16 =	simm.s32 $0x2800;
	s17 =	simm.s32 $0x80;
	s18 =	simm.s32 $0x4800  }
0x5: {  	s19 =	simm.s32 $0x1;
	s20 =	simm.s32 $0x2;
	s21 =	simm.s32 $0x2700  }
0x6: {  	s22 =	simm.s32 $0x6800;
	s23 =	simm.s32 $0x2780;
	s8 =	smul.u32 $0x280, s28  }
0x7: {  	s24 =	simm.s32 $0x8800;
	s5 =	sand.u32 $0x1, s0;
	s10 =	smul.u32 $0x50000, s28  }
0x8: {  	[smem:$0x7FF] =	sst s3;
	s31 =	sshll.u32 s28, $0x6;
	s4 =	smul.u32 $0x14000, s5  }
0x9: {  	s7 =	smul.u32 $0x2800, s5;
	_ =	strace $0x80000053;
	s29 =	ssub.s32 $0x2, s5  }
0xa: {  	s5 =	sadd.s32 $0x1C600, s6;
	s11 =	sshrl.u32 s29, $0x1;
	s30 =	sshrl.u32 s10, $0x2  }
0xb: {  	s9 =	sadd.s32 s4, s6;
	s4 =	sadd.s32 $0x8600, s6;
	s7 =	sadd.s32 s8, s7  }
0xc: {  	s11 =	ssub.s32 s29, s11;
	s13 =	sadd.s32 s30, s1;
	s8 =	smul.u32 $0x140, s28  }
0xd: {  	s7 =	sshll.u32 s7, $0x4;
	s9 =	sadd.s32 $0xBC600, s9;
	s11 =	smax.u32 s11, $0x1  }
0xe: {  	s12 =	sadd.s32 s7, s6;
	s6 =	sadd.s32 s5, s7;
	s7 =	sor.u32 $0x1C03, s31  }
0xf: {  	s10 =	sadd.s32 $0xE4600, s12;
	s12 =	sshrl.u32 s13, $0x3;
	s13 =	simm.s32 $0x3  }
.LBB2_1:
0x10: {  	[spmem:s12], [sflag:s7] =	dma.local [hbm:s6], $0x2800  }
0x11: {  	_ =	swait.ge [sflag:s13], $0x2800  }
0x12: {  	[sflag:s13] =	ssyncset.done $0x0  }
0x13: {  	[sflag:s13] =	ssyncadd.s32 $0xFFFFD800  }
0x14: {  	s25 =	simm.s32 $0x0;
	[bflag:$0x0] =	sbarrier.arrive $0xFFFF  }
.LBB2_2:
0x15: {  	s26 =	smul.u32 $0x28, s25;
	_ =	sdelay $0x1  }
0x16: {  	s26 =	sadd.s32 s8, s26  }
0x17: {  	s26 =	sshll.u32 s26, $0x4  }
0x18: {  	s29 =	simm.s32 $0x0;
	s28 =	sadd.s32 s26, s9  }
0x19: {  	[tilespmem:s29], [sflag:$0x3] =	stream.linear.gather [hbm4b:s28+s29], $0x1400, $0x38;
	[tilespmem:$0x1E800] =	vst v63  }
0x1a: {  	_ =	swait.ge [sflag:s13], $0x1400  }
0x1b: {  	[sflag:s13] =	ssyncset.done $0x0  }
0x1c: {  	s26 =	sadd.s32 s4, s26;
	[sflag:s13] =	ssyncadd.s32 $0xFFFFEC00  }
0x1d: {  	[tilespmem:s14], [sflag:$0x3] =	stream.linear.gather [hbm4b:s26+s29], $0x1400, $0x38;
	[tilespmem:$0x1E800] =	vst v63  }
0x1e: {  	_ =	swait.ge [sflag:s13], $0x1400  }
0x1f: {  	[sflag:s13] =	ssyncset.done $0x0  }
0x20: {  	[sflag:s13] =	ssyncadd.s32 $0xFFFFEC00  }
0x21: {  	[tilespmem:s16], [sflag:$0x1] =	stream.indirect.gather [hbm4b:s5+s15], $0x80, s29, s15, $0xb8;
	[tilespmem:$0x1E800] =	vst v63  }
0x22: {  	_ = 	snop  }
0x23: {  	[tilespmem:s18], [sflag:$0x1] =	stream.indirect.gather [hbm4b:s5+s15], $0x80, s17, s15, $0xb8;
	[tilespmem:$0x1E800] =	vst v63  }
0x24: {  	_ =	swait.ge [sflag:s19], $0x2000  }
0x25: {  	[sflag:s19] =	ssyncset.done $0x0  }
0x26: {  	s28 =	sand.u32 $0x10000, s29;
	[sflag:s19] =	ssyncadd.s32 $0xFFFFE000  }
0x27: {  	s30 =	sxor.u32 $0x10000, s28;
	_ =	swait.ge [sflag:s19], $0x2000  }
0x28: {  	s29 =	sshrl.u32 s30, $0x2;
	[sflag:s19] =	ssyncset.done $0x0  }
0x29: {  	s30 =	simm.s32 $0x100;
	s26 =	sor.u32 $0x2800, s29;
	[sflag:s19] =	ssyncadd.s32 $0xFFFFE000  }
0x2a: {  	[tilespmem:s26], [sflag:$0x1] =	stream.indirect.gather [hbm4b:s5+s15], $0x80, s30, s15, $0xb8;
	[tilespmem:$0x1E800] =	vst v63  }
0x2b: {  	s31 =	sshrl.u32 s28, $0x2;
	s28 =	sadd.s32 $0x4800, s29;
	s26 =	simm.s32 $0x180  }
0x2c: {  	[tilespmem:s28], [sflag:$0x1] =	stream.indirect.gather [hbm4b:s5+s15], $0x80, s26, s15, $0xb8;
	[tilespmem:$0x1E800] =	vst v63  }
0x2d: {  	s29 =	simm.s32 $0x1400;
	s28 =	sor.u32 $0x2800, s31  }
0x2e: {  	[spmem:s1] =	stream.indirect.scatter.add.f32 [tilespmem:s28], [sflag:$0x2], $0x80, s29, s15, $0xb8;
	[tilespmem:$0x1E800] =	vst v63  }
0x2f: {  	s28 =	simm.s32 $0x1480;
	s29 =	sadd.s32 $0x4800, s31  }
0x30: {  	[spmem:s1] =	stream.indirect.scatter.add.f32 [tilespmem:s29], [sflag:$0x2], $0x80, s28, s15, $0xb8;
	[tilespmem:$0x1E800] =	vst v63  }
0x31: {  	_ =	swait.ge [sflag:s20], $0x2000  }
0x32: {  	[sflag:s20] =	ssyncset.done $0x0  }
0x33: {  	[sflag:s20] =	ssyncadd.s32 $0xFFFFE000  }
0x34: {  	_ =	swait.ge [sflag:s20], $0x2000  }
0x35: {  	s29 =	simm.s32 $0x10000;
	[sflag:s20] =	ssyncset.done $0x0  }
.LBB2_3:
0x36: {  	[sflag:s20] =	ssyncadd.s32 $0xFFFFE000  }
0x37: {  	s28 =	sadd.s32 $0x100, s28;
	s26 =	sadd.s32 $0x100, s26;
	s30 =	smov.u32 s29  }
0x38: {  	p0 =	sne.s32 s29, $0x120000;
	s29 =	sadd.s32 $0x10000, s29;
	_ =	swait.ge [sflag:s19], $0x2000  }
0x39: {  	[sflag:s19] =	ssyncset.done $0x0  }
0x3a: {  	s30 =	sand.u32 $0x10000, s30;
	[sflag:s19] =	ssyncadd.s32 $0xFFFFE000  }
0x3b: {  	s31 =	sxor.u32 $0x10000, s30;
	s30 =	sshrl.u32 s30, $0x2;
	_ =	swait.ge [sflag:s19], $0x2000  }
0x3c: {  	s31 =	sshrl.u32 s31, $0x2;
	[sflag:s19] =	ssyncset.done $0x0  }
0x3d: {  	s2 =	sadd.s32 $0xFFFFFF80, s26;
	s0 =	sor.u32 $0x2800, s31;
	[sflag:s19] =	ssyncadd.s32 $0xFFFFE000  }
0x3e: {  	[tilespmem:s0], [sflag:$0x1] =	stream.indirect.gather [hbm4b:s5+s15], $0x80, s2, s15, $0xb8;
	[tilespmem:$0x1E800] =	vst v63  }
0x3f: {  	s0 =	sadd.s32 $0x4800, s31  }
0x40: {  	[tilespmem:s0], [sflag:$0x1] =	stream.indirect.gather [hbm4b:s5+s15], $0x80, s26, s15, $0xb8;
	[tilespmem:$0x1E800] =	vst v63  }
0x41: {  	s2 =	sadd.s32 $0xFFFFFF80, s28;
	s0 =	sor.u32 $0x2800, s30  }
0x42: {  	[spmem:s1] =	stream.indirect.scatter.add.f32 [tilespmem:s0], [sflag:$0x2], $0x80, s2, s15, $0xb8;
	[tilespmem:$0x1E800] =	vst v63  }
0x43: {  	s0 =	sadd.s32 $0x4800, s30  }
0x44: {  	[spmem:s1] =	stream.indirect.scatter.add.f32 [tilespmem:s0], [sflag:$0x2], $0x80, s28, s15, $0xb8;
	[tilespmem:$0x1E800] =	vst v63  }
.Ltmp0:
0x45: {  	_ =	swait.ge [sflag:s20], $0x2000;
	(pc) =	sbr.rel @p0 .LBB2_3-.Ltmp0, $4  }
0x46: {  	[sflag:s20] =	ssyncset.done $0x0  }
0x47: {  	[sflag:s20] =	ssyncadd.s32 $0xFFFFE000  }
0x48: {  	_ =	swait.ge [sflag:s20], $0x2000  }
0x49: {  	[sflag:s20] =	ssyncset.done $0x0  }
0x4a: {  	[sflag:s20] =	ssyncadd.s32 $0xFFFFE000  }
0x4b: {  	_ =	swait.ge [sflag:s19], $0x2000  }
0x4c: {  	[sflag:s19] =	ssyncset.done $0x0  }
0x4d: {  	[sflag:s19] =	ssyncadd.s32 $0xFFFFE000  }
0x4e: {  	_ =	swait.ge [sflag:s19], $0x2000  }
0x4f: {  	[sflag:s19] =	ssyncset.done $0x0  }
0x50: {  	[sflag:s19] =	ssyncadd.s32 $0xFFFFE000  }
0x51: {  	[spmem:s1] =	stream.indirect.scatter.add.f32 [tilespmem:s22], [sflag:$0x2], $0x80, s21, s15, $0xb8;
	[tilespmem:$0x1E800] =	vst v63  }
0x52: {  	s25 =	sadd.s32 $0x1, s25  }
0x53: {  	[spmem:s1] =	stream.indirect.scatter.add.f32 [tilespmem:s24], [sflag:$0x2], $0x80, s23, s15, $0xb8;
	[tilespmem:$0x1E800] =	vst v63  }
0x54: {  	p0 =	sne.s32 s25, $0x8;
	_ =	swait.ge [sflag:s20], $0x2000  }
.Ltmp1:
0x55: {  	[sflag:s20] =	ssyncset.done $0x0;
	(pc) =	sbr.rel @p0 .LBB2_2-.Ltmp1, $4  }
0x56: {  	[sflag:s20] =	ssyncadd.s32 $0xFFFFE000  }
0x57: {  	_ =	swait.ge [sflag:s20], $0x2000  }
0x58: {  	[sflag:s20] =	ssyncset.done $0x0  }
0x59: {  	[sflag:s20] =	ssyncadd.s32 $0xFFFFE000  }
0x5a: {  	s3 =	sadd.s32 $0x1, s3  }
0x5b: {  	p0 =	sne.s32 s3, s11  }
.Ltmp2:
0x5c: {  	[bflag:$0x0] =	sbarrier.arrive $0xFFFF;
	(pc) =	sbr.rel @p0 .LBB2_1-.Ltmp2, $4  }
0x5d: {  	[hbm:s10], [sflag:s7] =	dma.local [spmem:s12], $0x2800  }
0x5e: {  	_ =	swait.ge [sflag:s13], $0x2800  }
0x5f: {  	[sflag:s13] =	ssyncset.done $0x0  }
0x60: {  	[sflag:s13] =	ssyncadd.s32 $0xFFFFD800  }
0x61: {  	_ =	sfence.sel $0x180000  }
0x62: {  	[bflag:$0x0] =	sbarrier.arrive $0xFFFF  }
0x63: {  	_ =	strace $0x90000053  }
0x64: {  	s0 =	stileid.u32;
	[bflag:$0x2] =	sbarrier.arrive $0xFFFF  }
0x65: {  	p0 =	sne.s32 s0, $0x0;
	s0 =	rddreg [dreg:$0x2]  }
0x66: {  	s0 =	sadd.s32 @!p0 $0x100000, s0  }
0x67: {  	[sflag:s0] =	ssyncadd.tile.s32 @!p0 $0x1;
	_ =	shalt  }
.Lfunc_end2:
_tile_overlayer_lowered:
.L_overlay_start_2:
0x68: {  	(tag) =	ssettag $0x2  }
0x69: {  	s0 =	rddreg [dreg:$0x0];
	s2 =	stileid.u32  }
0x6a: {  	s1 =	rddreg [dreg:$0x1];
	p0 =	sne.s32 s2, $0x0  }
0x6b: {  	s3 =	rddreg [dreg:$0x2];
	[bflag:$0x3] =	sbarrier.arrive $0xFFFF;
	s2 =	simm.s32 @!p0 $0x1C03  }
0x6c: {  	[timem:s3], [sflag:s2] =	dma.local @!p0 [hbm:s0], s1  }
0x6d: {  	s0 =	simm.s32 @!p0 $0x3  }
0x6e: {  	_ =	swait.ge @!p0 [sflag:s0], s1  }
0x6f: {  	s1 =	ssub.s32 @!p0 $0x0, s1;
	[sflag:s0] =	ssyncset.done @!p0 $0x0  }
0x70: {  	[sflag:s0] =	ssyncadd.s32 @!p0 s1  }
0x71: {  	[bflag:$0x3] =	sbarrier.arrive $0xFFFF  }
0x72: {  	_ =	shalt  }

</sc_bundles>
